<compile_context>
chip_gen: v7x
topology: tpu7x:2x2x1
jax: 0.10.2.dev20260603
libtpu: 0.0.44.dev20260713+nightly
codegen_flags: <defaults>
</compile_context>

<pallas_src>
import functools

import jax
import jax.numpy as jnp
from jax import lax
from jax.experimental import pallas as pl
from jax.experimental.pallas import tpu as pltpu
from jax.experimental.pallas import tpu_sc as plsc

B = 16
LC = 256
NH = 2048
N_TIMES = 169
EL = 64
ET = 32
EU = 32
H = 128
E_IN = EL + ET
NU = 10000

_NC = 2
_NS = 16
_NW = _NC * _NS
_CH = 128
_N_LT = B * LC + B * NH
_N_U = B * NH
_LT_CH = _N_LT // (_NW * _CH)
_U_CH = _N_U // (_NW * _CH)


def _sc_cur_body(idx_all, loc_tab, time_tab, cur_out,
                 idxl_v, idxt_v, bl, bt, sem):
    wid = lax.axis_index("s") * _NC + lax.axis_index("c")
    base = wid * _CH
    pltpu.sync_copy(idx_all.at[pl.ds(base, _CH)], idxl_v)
    pltpu.sync_copy(idx_all.at[pl.ds(B * LC + base, _CH)], idxt_v)
    hl = pltpu.async_copy(loc_tab.at[idxl_v], bl, sem)
    ht = pltpu.async_copy(time_tab.at[idxt_v], bt, sem)
    hl.wait()
    ht.wait()
    pltpu.sync_copy(bl.at[:, pl.ds(0, EL)], cur_out.at[pl.ds(base, _CH), pl.ds(0, EL)])
    pltpu.sync_copy(bt.at[:, pl.ds(0, ET)], cur_out.at[pl.ds(base, _CH), pl.ds(EL, ET)])


def _sc_hist_body(idx_all, loc_tab, time_tab, user_tab, hist_out,
                  idxl_v, idxt_v, idxu_v, bl0, bt0, bu0, bl1, bt1, bu1,
                  sg0, sg1, sw0, sw1):
    wid = lax.axis_index("s") * _NC + lax.axis_index("c")
    nch = NH * B // (_NW * _CH)
    base = wid * nch * _CH
    off = 2 * B * LC
    pltpu.sync_copy(idx_all.at[pl.ds(off + base, nch * _CH)], idxl_v)
    pltpu.sync_copy(idx_all.at[pl.ds(off + B * NH + base, nch * _CH)], idxt_v)
    pltpu.sync_copy(idx_all.at[pl.ds(off + 2 * B * NH + base, nch * _CH)], idxu_v)
    bufs = [(bl0, bt0, bu0), (bl1, bt1, bu1)]
    sgs = [sg0, sg1]
    sws = [sw0, sw1]

    def fire_gather(j, p):
        bl, bt, bu = bufs[p]
        sl = pl.ds(j * _CH, _CH)
        return [pltpu.async_copy(loc_tab.at[idxl_v.at[sl]], bl, sgs[p]),
                pltpu.async_copy(time_tab.at[idxt_v.at[sl]], bt, sgs[p]),
                pltpu.async_copy(user_tab.at[idxu_v.at[sl]], bu, sgs[p])]

    def fire_write(j, p):
        bl, bt, bu = bufs[p]
        r = pl.ds(base + j * _CH, _CH)
        return [pltpu.async_copy(bl.at[:, pl.ds(0, EL)], hist_out.at[r, pl.ds(0, EL)], sws[p]),
                pltpu.async_copy(bt.at[:, pl.ds(0, ET)], hist_out.at[r, pl.ds(EL, ET)], sws[p]),
                pltpu.async_copy(bu.at[:, pl.ds(0, EU)], hist_out.at[r, pl.ds(EL + ET, EU)], sws[p])]

    g = {0: fire_gather(0, 0)}
    w = {}
    for j in range(nch):
        p = j % 2
        for h in g.pop(j):
            h.wait()
        if j < nch - 1:
            if j >= 1:
                for h in w.pop(j - 1):
                    h.wait()
            g[j + 1] = fire_gather(j + 1, 1 - p)
        w[j] = fire_write(j, p)
    for j in sorted(w):
        for h in w[j]:
            h.wait()


@functools.cache
def _make_sc_cur():
    return pl.kernel(
        _sc_cur_body,
        name="sc_cur_gather",
        out_type=jax.ShapeDtypeStruct((B * LC, E_IN + EU), jnp.float32),
        mesh=plsc.VectorSubcoreMesh(core_axis_name="c", subcore_axis_name="s",
                                    num_cores=_NC, num_subcores=_NS),
        compiler_params=pltpu.CompilerParams(use_tc_tiling_on_sc=False),
        scratch_types=[pltpu.VMEM((_CH,), jnp.int32),
                       pltpu.VMEM((_CH,), jnp.int32),
                       pltpu.VMEM((_CH, 2 * EL), jnp.float32),
                       pltpu.VMEM((_CH, 2 * EL), jnp.float32),
                       pltpu.SemaphoreType.DMA],
    )


@functools.cache
def _make_sc_hist():
    nch = NH * B // (_NW * _CH)
    return pl.kernel(
        _sc_hist_body,
        name="sc_hist_gather",
        out_type=jax.ShapeDtypeStruct((B * NH, E_IN + EU), jnp.float32),
        mesh=plsc.VectorSubcoreMesh(core_axis_name="c", subcore_axis_name="s",
                                    num_cores=_NC, num_subcores=_NS),
        compiler_params=pltpu.CompilerParams(use_tc_tiling_on_sc=False),
        scratch_types=[pltpu.VMEM((nch * _CH,), jnp.int32),
                       pltpu.VMEM((nch * _CH,), jnp.int32),
                       pltpu.VMEM((nch * _CH,), jnp.int32),
                       pltpu.VMEM((_CH, 2 * EL), jnp.float32),
                       pltpu.VMEM((_CH, 2 * EL), jnp.float32),
                       pltpu.VMEM((_CH, 2 * EL), jnp.float32),
                       pltpu.VMEM((_CH, 2 * EL), jnp.float32),
                       pltpu.VMEM((_CH, 2 * EL), jnp.float32),
                       pltpu.VMEM((_CH, 2 * EL), jnp.float32),
                       pltpu.SemaphoreType.DMA,
                       pltpu.SemaphoreType.DMA,
                       pltpu.SemaphoreType.DMA,
                       pltpu.SemaphoreType.DMA],
    )


def _lstm_body(cur, lens_v, lens_s,
               Wih_f, Whh_f, bih_f, bhh_f, Wih_b, bih_b, bhh_b,
               out_ref, X_s, xl_s):
    f32 = jnp.float32
    emb = cur[:, 0:E_IN]
    X_s[...] = lax.dot_general(emb, Wih_f[...], (((1,), (1,)), ((), ())),
                               preferred_element_type=f32) + bih_f[...] + bhh_f[...]
    lens = lens_v[...]

    def step(t, carry):
        h, c = carry
        g = X_s[pl.ds(t * B, B), :] + lax.dot_general(
            h, Whh_f[...], (((1,), (1,)), ((), ())), preferred_element_type=f32)
        i = jax.nn.sigmoid(g[:, 0:H])
        f = jax.nn.sigmoid(g[:, H:2 * H])
        gg = jnp.tanh(g[:, 2 * H:3 * H])
        o = jax.nn.sigmoid(g[:, 3 * H:4 * H])
        c_new = f * c + i * gg
        h_new = o * jnp.tanh(c_new)
        v = t < lens
        return jnp.where(v, h_new, h), jnp.where(v, c_new, c)

    h0 = jnp.zeros((B, H), f32)
    h_fwd, _ = lax.fori_loop(0, LC, step, (h0, h0))

    for b in range(B):
        start = (lens_s[b] - 1) * B + b
        xl_s[b:b + 1, :] = cur[pl.ds(start, 1), 0:E_IN]
    gb = lax.dot_general(xl_s[...], Wih_b[...], (((1,), (1,)), ((), ())),
                         preferred_element_type=f32) + bih_b[...] + bhh_b[...]
    ib = jax.nn.sigmoid(gb[:, 0:H])
    ggb = jnp.tanh(gb[:, 2 * H:3 * H])
    ob = jax.nn.sigmoid(gb[:, 3 * H:4 * H])
    h_bwd = ob * jnp.tanh(ib * ggb)
    out_ref[:, 0:H] = h_fwd
    out_ref[:, H:2 * H] = h_bwd


def _make_lstm(interpret=False):
    return pl.pallas_call(
        _lstm_body,
        out_shape=jax.ShapeDtypeStruct((B, 2 * H), jnp.float32),
        in_specs=[pl.BlockSpec(memory_space=pltpu.VMEM)] * 2
                 + [pl.BlockSpec(memory_space=pltpu.SMEM)]
                 + [pl.BlockSpec(memory_space=pltpu.VMEM)] * 7,
        out_specs=pl.BlockSpec(memory_space=pltpu.VMEM),
        scratch_shapes=[pltpu.VMEM((B * LC, 4 * H), jnp.float32),
                        pltpu.VMEM((B, E_IN), jnp.float32)],
        interpret=interpret,
    )


_RB = 256


def _hist_body(ints, hist, cenc_c,
               W_fc, b_fc, out_ref, henc_s, l_s):
    f32 = jnp.float32
    bf16 = jnp.bfloat16
    nblk = NH // _RB
    xh_row = ints[0:1, :]
    th_row = ints[1:2, :]
    keys_row = xh_row * (N_TIMES + 1) + th_row
    ue = hist[:, E_IN:E_IN + EU]
    kk8 = lax.broadcasted_iota(jnp.int32, (NH, nblk), 0) // _RB
    cc8 = lax.broadcasted_iota(jnp.int32, (NH, nblk), 1)
    rhs = jnp.concatenate([ue.astype(bf16), (kk8 == cc8).astype(bf16)], axis=1)
    tri = (lax.broadcasted_iota(jnp.int32, (_RB, _RB), 1)
           < lax.broadcasted_iota(jnp.int32, (_RB, _RB), 0))
    idb = (lax.broadcasted_iota(jnp.int32, (_RB, _RB), 0)
           == lax.broadcasted_iota(jnp.int32, (_RB, _RB), 1)).astype(bf16)
    rows4 = jnp.concatenate(
        [xh_row >> 16, (xh_row >> 8) & 255, xh_row & 255, th_row],
        axis=0).astype(bf16)
    for cb in range(nblk):
        sl = pl.ds(cb * _RB, _RB)
        cols = lax.dot_general(idb, rows4[:, cb * _RB:(cb + 1) * _RB],
                               (((1,), (1,)), ((), ())),
                               preferred_element_type=f32)
        xh_col = (cols[:, 0:1].astype(jnp.int32) * 65536
                  + cols[:, 1:2].astype(jnp.int32) * 256
                  + cols[:, 2:3].astype(jnp.int32))
        kc = xh_col * (N_TIMES + 1) + cols[:, 3:4].astype(jnp.int32)
        M = kc == keys_row
        res = lax.dot_general(M.astype(bf16), rhs, (((1,), (0,)), ((), ())),
                              preferred_element_type=f32)
        usum = res[:, 0:EU]
        bs = res[:, EU:EU + nblk]
        cnt = jnp.sum(bs, axis=1, keepdims=True)
        ltd = jnp.sum(jnp.where(M[:, cb * _RB:(cb + 1) * _RB] & tri, 1.0, 0.0),
                      axis=1, keepdims=True)
        if cb == 0:
            prior = ltd
        else:
            prior = ltd + jnp.sum(bs[:, 0:cb], axis=1, keepdims=True)
        uemb = usum / cnt
        feat = jnp.concatenate([hist[sl, 0:E_IN], uemb], axis=1)
        he = jnp.tanh(lax.dot_general(feat, W_fc[...], (((1,), (1,)), ((), ())),
                                      preferred_element_type=f32) + b_fc[...])
        henc_s[sl, :] = he
        lg = lax.dot_general(he, cenc_c[...], (((1,), (0,)), ((), ())),
                             preferred_element_type=f32) / 16.0
        l_s[sl, :] = jnp.where(prior == 0.0, lg, -1e30)
    l = l_s[...]
    m = jnp.max(l)
    e = jnp.exp(l - m)
    s = jnp.sum(e)
    hctx = jnp.sum(e * henc_s[...], axis=0, keepdims=True) / s
    out_ref[...] = hctx


def _make_hist(interpret=False):
    def im_b(b):
        return (b, 0, 0)

    def im_c(b):
        return (0, 0)

    return pl.pallas_call(
        _hist_body,
        grid=(B,),
        in_specs=[
            pl.BlockSpec((None, 2, NH), im_b),
            pl.BlockSpec((NH, E_IN + EU), lambda b: (b, 0)),
            pl.BlockSpec((None, 2 * H, 1), im_b),
            pl.BlockSpec((2 * H, E_IN + EU), im_c),
            pl.BlockSpec((1, 2 * H), im_c),
        ],
        out_specs=pl.BlockSpec((None, 1, 2 * H), im_b),
        out_shape=jax.ShapeDtypeStruct((B, 1, 2 * H), jnp.float32),
        scratch_shapes=[pltpu.VMEM((NH, 2 * H), jnp.float32),
                        pltpu.VMEM((NH, 1), jnp.float32)],
        interpret=interpret,
    )


def _clf_body(z, W, b, out_ref):
    out_ref[...] = lax.dot_general(z[...], W[...], (((1,), (1,)), ((), ())),
                                   preferred_element_type=jnp.float32) + b[...]


def _make_clf(interpret=False):
    return pl.pallas_call(
        _clf_body,
        out_shape=jax.ShapeDtypeStruct((B, NU), jnp.float32),
        interpret=interpret,
    )


def kernel(xc, tc, traj_lens, xh, th, uh, loc_table, time_table, user_table,
           Wih_f, Whh_f, bih_f, bhh_f, Wih_b, Whh_b, bih_b, bhh_b,
           W_fc, b_fc, W_clf, b_clf):
    i32 = jnp.int32
    f32 = jnp.float32
    nl = loc_table.shape[0]
    nt = time_table.shape[0]
    nu = user_table.shape[0]
    xcr = jnp.where(xc == 0, nl, xc).astype(i32)
    tcr = jnp.where(tc == 0, nt, tc).astype(i32)
    xhr = jnp.where(xh == 0, nl, xh).astype(i32)
    thr = jnp.where(th == 0, nt, th).astype(i32)
    uhr = jnp.where(uh == 0, nu, uh).astype(i32)
    idx_all = jnp.concatenate(
        [xcr.T.reshape(-1), tcr.T.reshape(-1),
         xhr.reshape(-1), thr.reshape(-1), uhr.reshape(-1)])
    loc_pad = jnp.concatenate(
        [jnp.concatenate([loc_table, jnp.zeros((nl, EL), f32)], axis=1),
         jnp.zeros((1, 2 * EL), f32)], axis=0)
    time_pad = jnp.concatenate(
        [jnp.concatenate([time_table, jnp.zeros((nt, 2 * EL - ET), f32)], axis=1),
         jnp.zeros((1, 2 * EL), f32)], axis=0)
    user_pad = jnp.concatenate(
        [jnp.concatenate([user_table, jnp.zeros((nu, 2 * EL - EU), f32)], axis=1),
         jnp.zeros((1, 2 * EL), f32)], axis=0)
    cur = _make_sc_cur()(idx_all, loc_pad, time_pad)
    hist = _make_sc_hist()(idx_all, loc_pad, time_pad, user_pad)

    lens = traj_lens.astype(i32)
    c_enc = _make_lstm()(
        cur, lens.reshape(B, 1), lens,
        Wih_f, Whh_f, bih_f.reshape(1, -1), bhh_f.reshape(1, -1),
        Wih_b, bih_b.reshape(1, -1), bhh_b.reshape(1, -1))

    ints = jnp.concatenate(
        [xh.reshape(B, 1, NH).astype(i32), th.reshape(B, 1, NH).astype(i32)],
        axis=1)
    h_ctx = _make_hist()(
        ints, hist,
        c_enc.reshape(B, 2 * H, 1), W_fc, b_fc.reshape(1, -1)).reshape(B, 2 * H)

    z = jnp.concatenate([c_enc, h_ctx], axis=1)
    return _make_clf()(z, W_clf, b_clf.reshape(1, -1))

# --- scband reference (transcript-rebuilt; emitter-appended) ---
"""Pipeline reference for scband-deep-tul-69526930588150 (READ-ONLY COPY).

The authoritative reference and input builder live on the scoring server;
editing this copy changes nothing except your own understanding.
"""

import jax, jax.numpy as jnp
import numpy as np

B = 16; LC = 256; NH = 2048
N_LOCS = 100000; N_TIMES = 169; N_USERS = 10000
EL = 64; ET = 32; EU = 32; H = 128; E_IN = EL + ET

def _lstm_step(Wih, Whh, bih, bhh, x_t, h, c):
    gates = x_t @ Wih.T + bih + h @ Whh.T + bhh
    i, f, g, o = jnp.split(gates, 4, axis=-1)
    i = jax.nn.sigmoid(i); f = jax.nn.sigmoid(f); o = jax.nn.sigmoid(o); g = jnp.tanh(g)
    c_new = f * c + i * g
    h_new = o * jnp.tanh(c_new)
    return h_new, c_new

def setup_inputs(seed: int = 0):
    key = jax.random.key(seed)
    ks = jax.random.split(key, 24)
    s = 0.05
    inp = {}
    inp["xc"] = jax.random.randint(ks[0], (B, LC), 0, N_LOCS + 1)
    inp["tc"] = jax.random.randint(ks[1], (B, LC), 0, N_TIMES + 1)
    inp["traj_lens"] = jax.random.randint(ks[2], (B,), 1, LC + 1)
    inp["xh"] = jax.random.randint(ks[3], (B, NH), 0, N_LOCS + 1)
    inp["th"] = jax.random.randint(ks[4], (B, NH), 0, N_TIMES + 1)
    inp["uh"] = jax.random.randint(ks[5], (B, NH), 0, N_USERS + 1)
    inp["loc_table"] = jax.random.normal(ks[6], (N_LOCS + 1, EL), dtype=jnp.float32) * s
    inp["time_table"] = jax.random.normal(ks[7], (N_TIMES + 1, ET), dtype=jnp.float32) * s
    inp["user_table"] = jax.random.normal(ks[8], (N_USERS + 1, EU), dtype=jnp.float32) * s
    inp["Wih_f"] = jax.random.normal(ks[9], (4 * H, E_IN), dtype=jnp.float32) * s
    inp["Whh_f"] = jax.random.normal(ks[10], (4 * H, H), dtype=jnp.float32) * s
    inp["bih_f"] = jnp.zeros((4 * H,), jnp.float32)
    inp["bhh_f"] = jnp.zeros((4 * H,), jnp.float32)
    inp["Wih_b"] = jax.random.normal(ks[11], (4 * H, E_IN), dtype=jnp.float32) * s
    inp["Whh_b"] = jax.random.normal(ks[12], (4 * H, H), dtype=jnp.float32) * s
    inp["bih_b"] = jnp.zeros((4 * H,), jnp.float32)
    inp["bhh_b"] = jnp.zeros((4 * H,), jnp.float32)
    inp["W_fc"] = jax.random.normal(ks[13], (2 * H, EL + ET + EU), dtype=jnp.float32) * s
    inp["b_fc"] = jnp.zeros((2 * H,), jnp.float32)
    inp["W_clf"] = jax.random.normal(ks[14], (N_USERS, 4 * H), dtype=jnp.float32) * s
    inp["b_clf"] = jnp.zeros((N_USERS,), jnp.float32)
    return inp

def reference(xc, tc, traj_lens, xh, th, uh, loc_table, time_table, user_table,
              Wih_f, Whh_f, bih_f, bhh_f, Wih_b, Whh_b, bih_b, bhh_b,
              W_fc, b_fc, W_clf, b_clf):
    # ---- integer preprocessing: per-sample unique over (loc,time) pairs ----
    U = xh.shape[1]

    def _unique_fixed(x_b, t_b):
        keys = x_b * (N_TIMES + 1) + t_b
        order = jnp.argsort(keys)
        sk = keys[order]
        is_new = jnp.concatenate([jnp.ones((1,), bool), sk[1:] != sk[:-1]])
        idx = (jnp.cumsum(is_new) - 1).astype(jnp.int32)
        n = jnp.sum(is_new).astype(jnp.int32)
        inv = jnp.zeros((U,), jnp.int32).at[order].set(idx)
        uq_loc = jnp.zeros((U,), jnp.int32).at[idx].set(x_b[order].astype(jnp.int32))
        uq_time = jnp.zeros((U,), jnp.int32).at[idx].set(t_b[order].astype(jnp.int32))
        cnt = jnp.zeros((U,), jnp.float32).at[idx].add(1.0)
        pad = jnp.arange(U) >= n
        cnt = jnp.where(pad, -1.0, cnt)
        uq = jnp.stack([uq_loc, uq_time], axis=1)
        return uq, inv, cnt, n

    xt_u, inv_all, cnts, n_unique_j = jax.vmap(_unique_fixed)(xh, th)

    # padding_idx=0 embeddings
    loc_t = loc_table.at[0].set(0.0)
    time_t = time_table.at[0].set(0.0)
    user_t = user_table.at[0].set(0.0)

    # ---- CurrentEncoder: bidirectional LSTM over padded trajectories ----
    xt_emb = jnp.concatenate([loc_t[xc], time_t[tc]], axis=-1)  # [B, LC, E_IN]
    valid = jnp.arange(LC)[None, :] < traj_lens[:, None]

    def fwd_step(carry, t_in):
        h, c = carry
        x_t, v = t_in
        h_new, c_new = _lstm_step(Wih_f, Whh_f, bih_f, bhh_f, x_t, h, c)
        h = jnp.where(v[:, None], h_new, h)
        c = jnp.where(v[:, None], c_new, c)
        return (h, c), None
    h0 = jnp.zeros((B, H), jnp.float32); c0 = jnp.zeros((B, H), jnp.float32)
    (h_fwd, _), _ = jax.lax.scan(fwd_step, (h0, c0), (jnp.swapaxes(xt_emb, 0, 1), valid.T))
    # packed bi-LSTM output at position len-1: bwd direction has processed exactly one element
    x_last = xt_emb[jnp.arange(B), traj_lens - 1]
    h_bwd, _ = _lstm_step(Wih_b, Whh_b, bih_b, bhh_b, x_last, h0, c0)
    c_enc = jnp.concatenate([h_fwd, h_bwd], axis=-1)  # [B, 2H]

    # ---- HistoryEncoder ----
    xe = loc_t[xt_u[..., 0]]; te = time_t[xt_u[..., 1]]
    ue = user_t[uh]  # [B, NH, EU]
    u_sum = jax.vmap(lambda inv, vals: jnp.zeros((U, EU), jnp.float32).at[inv].add(vals))(inv_all, ue)
    u_emb = u_sum / cnts[..., None]
    h_enc = jnp.tanh(jnp.concatenate([xe, te, u_emb], axis=-1) @ W_fc.T + b_fc)  # [B, U, 2H]

    # ---- history attention + classifier ----
    logits = jnp.einsum('ij,itj->it', c_enc, h_enc) / jnp.sqrt(jnp.float32(2 * H))
    mask = jnp.arange(U)[None, :] >= n_unique_j[:, None]
    logits = jnp.where(mask, -1e30, logits)
    attn = jax.nn.softmax(logits, axis=-1)
    h_ctx = jnp.einsum('it,itj->ij', attn, h_enc)
    return jnp.concatenate([c_enc, h_ctx], axis=-1) @ W_clf.T + b_clf

if __name__ == "__main__":
    import jax
    _d = setup_inputs()
    print(jax.jit(kernel)(*tuple(_d.values())))

</pallas_src>

<mosaic_0001>
#map = affine_map<(d0, d1) -> (0)>
#map1 = affine_map<(d0, d1) -> (0, 0)>
module attributes {stable_mosaic.version = 14 : i64} {
  func.func @sc_cur_gather(%arg0: i32, %arg1: i32, %arg2: memref<106496xi32, #tpu.memory_space<hbm>>, %arg3: memref<100002x128xf32, #tpu.memory_space<hbm>>, %arg4: memref<171x128xf32, #tpu.memory_space<hbm>>, %arg5: memref<4096x128xf32, #tpu.memory_space<hbm>>, %arg6: memref<128xi32, #tpu.memory_space<vmem>>, %arg7: memref<128xi32, #tpu.memory_space<vmem>>, %arg8: memref<128x128xf32, #tpu.memory_space<vmem>>, %arg9: memref<128x128xf32, #tpu.memory_space<vmem>>, %arg10: memref<!tpu.dma_semaphore, #tpu.memory_space<semaphore_mem>>) attributes {dimension_semantics = [#tpu.dimension_semantics<core_parallel>, #tpu.dimension_semantics<subcore_parallel>], iteration_bounds = array<i64: 2, 16>, scalar_prefetch = 0 : i64, scratch_operands = 5 : i64, tpu.core_type = #tpu.core_type<sc_vector_subcore>, window_params = [{transform_indices = #map}, {transform_indices = #map1}, {transform_indices = #map1}, {transform_indices = #map1}]} {
    %mul3A = arith.constant 2 : i32
    %mul3A_0 = arith.muli %arg1, %mul3A : i32
    %add3A = arith.addi %mul3A_0, %arg0 : i32
    %mul3A_1 = arith.constant 128 : i32
    %mul3A_2 = arith.muli %add3A, %mul3A_1 : i32
    "tpu.region"() ({
      %run_scoped3A = tpu.sem_alloc : memref<!tpu.dma_semaphore, #tpu.memory_space<semaphore_mem>>
      %dma_start3A_15 = tpu.memref_slice %arg2[%mul3A_2] : memref<106496xi32, #tpu.memory_space<hbm>> -> memref<128xi32, #tpu.memory_space<hbm>>
      %dma_start3A_16 = tpu.memref_slice %arg2[%mul3A_2] : memref<106496xi32, #tpu.memory_space<hbm>> -> memref<128xi32, #tpu.memory_space<hbm>>
      tpu.enqueue_dma source(%dma_start3A_16 : memref<128xi32, #tpu.memory_space<hbm>>) target(%arg6 : memref<128xi32, #tpu.memory_space<vmem>>) target_semaphore(%run_scoped3A : memref<!tpu.dma_semaphore, #tpu.memory_space<semaphore_mem>>)
      %dma_wait3A_17 = tpu.memref_slice %arg2[%mul3A_2] : memref<106496xi32, #tpu.memory_space<hbm>> -> memref<128xi32, #tpu.memory_space<hbm>>
      %dma_wait3A_18 = tpu.memref_slice %arg2[%mul3A_2] : memref<106496xi32, #tpu.memory_space<hbm>> -> memref<128xi32, #tpu.memory_space<hbm>>
      tpu.wait_dma2 semaphore(%run_scoped3A : memref<!tpu.dma_semaphore, #tpu.memory_space<semaphore_mem>>) src(%dma_wait3A_18 : memref<128xi32, #tpu.memory_space<hbm>>) dst(%arg6 : memref<128xi32, #tpu.memory_space<vmem>>)
      tpu.yield
    }) : () -> ()
    %add3A_3 = arith.constant 4096 : i32
    %add3A_4 = arith.addi %add3A_3, %mul3A_2 : i32
    "tpu.region"() ({
      %run_scoped3A = tpu.sem_alloc : memref<!tpu.dma_semaphore, #tpu.memory_space<semaphore_mem>>
      %dma_start3A_15 = tpu.memref_slice %arg2[%add3A_4] : memref<106496xi32, #tpu.memory_space<hbm>> -> memref<128xi32, #tpu.memory_space<hbm>>
      %dma_start3A_16 = tpu.memref_slice %arg2[%add3A_4] : memref<106496xi32, #tpu.memory_space<hbm>> -> memref<128xi32, #tpu.memory_space<hbm>>
      tpu.enqueue_dma source(%dma_start3A_16 : memref<128xi32, #tpu.memory_space<hbm>>) target(%arg7 : memref<128xi32, #tpu.memory_space<vmem>>) target_semaphore(%run_scoped3A : memref<!tpu.dma_semaphore, #tpu.memory_space<semaphore_mem>>)
      %dma_wait3A_17 = tpu.memref_slice %arg2[%add3A_4] : memref<106496xi32, #tpu.memory_space<hbm>> -> memref<128xi32, #tpu.memory_space<hbm>>
      %dma_wait3A_18 = tpu.memref_slice %arg2[%add3A_4] : memref<106496xi32, #tpu.memory_space<hbm>> -> memref<128xi32, #tpu.memory_space<hbm>>
      tpu.wait_dma2 semaphore(%run_scoped3A : memref<!tpu.dma_semaphore, #tpu.memory_space<semaphore_mem>>) src(%dma_wait3A_18 : memref<128xi32, #tpu.memory_space<hbm>>) dst(%arg7 : memref<128xi32, #tpu.memory_space<vmem>>)
      tpu.yield
    }) : () -> ()
    %dma_start3A = arith.constant 0 : i32
    %dma_start3A_5 = arith.constant 0 : i32
    %dma_start3A_6 = tpu.memref_slice %arg3[%dma_start3A, %dma_start3A_5] : memref<100002x128xf32, #tpu.memory_space<hbm>> -> memref<100002x128xf32, #tpu.memory_space<hbm>>
    tpu.enqueue_indirect_dma source(%dma_start3A_6 : memref<100002x128xf32, #tpu.memory_space<hbm>>) target(%arg8 : memref<128x128xf32, #tpu.memory_space<vmem>>) offsets(%arg6 : memref<128xi32, #tpu.memory_space<vmem>>) semaphore(%arg10 : memref<!tpu.dma_semaphore, #tpu.memory_space<semaphore_mem>>)
    %dma_start3A_7 = arith.constant 0 : i32
    %dma_start3A_8 = arith.constant 0 : i32
    %dma_start3A_9 = tpu.memref_slice %arg4[%dma_start3A_7, %dma_start3A_8] : memref<171x128xf32, #tpu.memory_space<hbm>> -> memref<171x128xf32, #tpu.memory_space<hbm>>
    tpu.enqueue_indirect_dma source(%dma_start3A_9 : memref<171x128xf32, #tpu.memory_space<hbm>>) target(%arg9 : memref<128x128xf32, #tpu.memory_space<vmem>>) offsets(%arg7 : memref<128xi32, #tpu.memory_space<vmem>>) semaphore(%arg10 : memref<!tpu.dma_semaphore, #tpu.memory_space<semaphore_mem>>)
    %dma_wait3A = arith.constant 0 : i32
    %dma_wait3A_10 = arith.constant 0 : i32
    %dma_wait3A_11 = tpu.memref_slice %arg3[%dma_wait3A, %dma_wait3A_10] : memref<100002x128xf32, #tpu.memory_space<hbm>> -> memref<100002x128xf32, #tpu.memory_space<hbm>>
    tpu.wait_indirect_dma semaphore(%arg10 : memref<!tpu.dma_semaphore, #tpu.memory_space<semaphore_mem>>) src(%dma_wait3A_11 : memref<100002x128xf32, #tpu.memory_space<hbm>>) dst(%arg8 : memref<128x128xf32, #tpu.memory_space<vmem>>)
    %dma_wait3A_12 = arith.constant 0 : i32
    %dma_wait3A_13 = arith.constant 0 : i32
    %dma_wait3A_14 = tpu.memref_slice %arg4[%dma_wait3A_12, %dma_wait3A_13] : memref<171x128xf32, #tpu.memory_space<hbm>> -> memref<171x128xf32, #tpu.memory_space<hbm>>
    tpu.wait_indirect_dma semaphore(%arg10 : memref<!tpu.dma_semaphore, #tpu.memory_space<semaphore_mem>>) src(%dma_wait3A_14 : memref<171x128xf32, #tpu.memory_space<hbm>>) dst(%arg9 : memref<128x128xf32, #tpu.memory_space<vmem>>)
    "tpu.region"() ({
      %run_scoped3A = tpu.sem_alloc : memref<!tpu.dma_semaphore, #tpu.memory_space<semaphore_mem>>
      %dma_start3A_15 = arith.constant 0 : i32
      %dma_start3A_16 = arith.constant 0 : i32
      %dma_start3A_17 = tpu.memref_slice %arg8[%dma_start3A_15, %dma_start3A_16] : memref<128x128xf32, #tpu.memory_space<vmem>> -> memref<128x64xf32, #tpu.memory_space<vmem>>
      %dma_start3A_18 = arith.constant 0 : i32
      %dma_start3A_19 = tpu.memref_slice %arg5[%mul3A_2, %dma_start3A_18] : memref<4096x128xf32, #tpu.memory_space<hbm>> -> memref<128x64xf32, #tpu.memory_space<hbm>>
      %dma_start3A_20 = arith.constant 0 : i32
      %dma_start3A_21 = tpu.memref_slice %arg5[%mul3A_2, %dma_start3A_20] : memref<4096x128xf32, #tpu.memory_space<hbm>> -> memref<128x64xf32, #tpu.memory_space<hbm>>
      %dma_start3A_22 = arith.constant 0 : i32
      %dma_start3A_23 = arith.constant 0 : i32
      %dma_start3A_24 = tpu.memref_slice %arg8[%dma_start3A_22, %dma_start3A_23] : memref<128x128xf32, #tpu.memory_space<vmem>> -> memref<128x64xf32, #tpu.memory_space<vmem>>
      tpu.enqueue_dma source(%dma_start3A_24 : memref<128x64xf32, #tpu.memory_space<vmem>>) target(%dma_start3A_21 : memref<128x64xf32, #tpu.memory_space<hbm>>) target_semaphore(%run_scoped3A : memref<!tpu.dma_semaphore, #tpu.memory_space<semaphore_mem>>)
      %dma_wait3A_25 = arith.constant 0 : i32
      %dma_wait3A_26 = arith.constant 0 : i32
      %dma_wait3A_27 = tpu.memref_slice %arg8[%dma_wait3A_25, %dma_wait3A_26] : memref<128x128xf32, #tpu.memory_space<vmem>> -> memref<128x64xf32, #tpu.memory_space<vmem>>
      %dma_wait3A_28 = arith.constant 0 : i32
      %dma_wait3A_29 = tpu.memref_slice %arg5[%mul3A_2, %dma_wait3A_28] : memref<4096x128xf32, #tpu.memory_space<hbm>> -> memref<128x64xf32, #tpu.memory_space<hbm>>
      %dma_wait3A_30 = arith.constant 0 : i32
      %dma_wait3A_31 = tpu.memref_slice %arg5[%mul3A_2, %dma_wait3A_30] : memref<4096x128xf32, #tpu.memory_space<hbm>> -> memref<128x64xf32, #tpu.memory_space<hbm>>
      %dma_wait3A_32 = arith.constant 0 : i32
      %dma_wait3A_33 = arith.constant 0 : i32
      %dma_wait3A_34 = tpu.memref_slice %arg8[%dma_wait3A_32, %dma_wait3A_33] : memref<128x128xf32, #tpu.memory_space<vmem>> -> memref<128x64xf32, #tpu.memory_space<vmem>>
      tpu.wait_dma2 semaphore(%run_scoped3A : memref<!tpu.dma_semaphore, #tpu.memory_space<semaphore_mem>>) src(%dma_wait3A_34 : memref<128x64xf32, #tpu.memory_space<vmem>>) dst(%dma_wait3A_31 : memref<128x64xf32, #tpu.memory_space<hbm>>)
      tpu.yield
    }) : () -> ()
    "tpu.region"() ({
      %run_scoped3A = tpu.sem_alloc : memref<!tpu.dma_semaphore, #tpu.memory_space<semaphore_mem>>
      %dma_start3A_15 = arith.constant 0 : i32
      %dma_start3A_16 = arith.constant 0 : i32
      %dma_start3A_17 = tpu.memref_slice %arg9[%dma_start3A_15, %dma_start3A_16] : memref<128x128xf32, #tpu.memory_space<vmem>> -> memref<128x32xf32, #tpu.memory_space<vmem>>
      %dma_start3A_18 = arith.constant 64 : i32
      %dma_start3A_19 = tpu.memref_slice %arg5[%mul3A_2, %dma_start3A_18] : memref<4096x128xf32, #tpu.memory_space<hbm>> -> memref<128x32xf32, #tpu.memory_space<hbm>>
      %dma_start3A_20 = arith.constant 64 : i32
      %dma_start3A_21 = tpu.memref_slice %arg5[%mul3A_2, %dma_start3A_20] : memref<4096x128xf32, #tpu.memory_space<hbm>> -> memref<128x32xf32, #tpu.memory_space<hbm>>
      %dma_start3A_22 = arith.constant 0 : i32
      %dma_start3A_23 = arith.constant 0 : i32
      %dma_start3A_24 = tpu.memref_slice %arg9[%dma_start3A_22, %dma_start3A_23] : memref<128x128xf32, #tpu.memory_space<vmem>> -> memref<128x32xf32, #tpu.memory_space<vmem>>
      tpu.enqueue_dma source(%dma_start3A_24 : memref<128x32xf32, #tpu.memory_space<vmem>>) target(%dma_start3A_21 : memref<128x32xf32, #tpu.memory_space<hbm>>) target_semaphore(%run_scoped3A : memref<!tpu.dma_semaphore, #tpu.memory_space<semaphore_mem>>)
      %dma_wait3A_25 = arith.constant 0 : i32
      %dma_wait3A_26 = arith.constant 0 : i32
      %dma_wait3A_27 = tpu.memref_slice %arg9[%dma_wait3A_25, %dma_wait3A_26] : memref<128x128xf32, #tpu.memory_space<vmem>> -> memref<128x32xf32, #tpu.memory_space<vmem>>
      %dma_wait3A_28 = arith.constant 64 : i32
      %dma_wait3A_29 = tpu.memref_slice %arg5[%mul3A_2, %dma_wait3A_28] : memref<4096x128xf32, #tpu.memory_space<hbm>> -> memref<128x32xf32, #tpu.memory_space<hbm>>
      %dma_wait3A_30 = arith.constant 64 : i32
      %dma_wait3A_31 = tpu.memref_slice %arg5[%mul3A_2, %dma_wait3A_30] : memref<4096x128xf32, #tpu.memory_space<hbm>> -> memref<128x32xf32, #tpu.memory_space<hbm>>
      %dma_wait3A_32 = arith.constant 0 : i32
      %dma_wait3A_33 = arith.constant 0 : i32
      %dma_wait3A_34 = tpu.memref_slice %arg9[%dma_wait3A_32, %dma_wait3A_33] : memref<128x128xf32, #tpu.memory_space<vmem>> -> memref<128x32xf32, #tpu.memory_space<vmem>>
      tpu.wait_dma2 semaphore(%run_scoped3A : memref<!tpu.dma_semaphore, #tpu.memory_space<semaphore_mem>>) src(%dma_wait3A_34 : memref<128x32xf32, #tpu.memory_space<vmem>>) dst(%dma_wait3A_31 : memref<128x32xf32, #tpu.memory_space<hbm>>)
      tpu.yield
    }) : () -> ()
    return
  }
}

#map = affine_map<(d0, d1) -> (0)>
#map1 = affine_map<(d0, d1) -> (0, 0)>
module attributes {stable_mosaic.version = 14 : i64} {
  func.func @sc_hist_gather(%arg0: i32, %arg1: i32, %arg2: memref<106496xi32, #tpu.memory_space<hbm>>, %arg3: memref<100002x128xf32, #tpu.memory_space<hbm>>, %arg4: memref<171x128xf32, #tpu.memory_space<hbm>>, %arg5: memref<10002x128xf32, #tpu.memory_space<hbm>>, %arg6: memref<32768x128xf32, #tpu.memory_space<hbm>>, %arg7: memref<1024xi32, #tpu.memory_space<vmem>>, %arg8: memref<1024xi32, #tpu.memory_space<vmem>>, %arg9: memref<1024xi32, #tpu.memory_space<vmem>>, %arg10: memref<128x128xf32, #tpu.memory_space<vmem>>, %arg11: memref<128x128xf32, #tpu.memory_space<vmem>>, %arg12: memref<128x128xf32, #tpu.memory_space<vmem>>, %arg13: memref<128x128xf32, #tpu.memory_space<vmem>>, %arg14: memref<128x128xf32, #tpu.memory_space<vmem>>, %arg15: memref<128x128xf32, #tpu.memory_space<vmem>>, %arg16: memref<!tpu.dma_semaphore, #tpu.memory_space<semaphore_mem>>, %arg17: memref<!tpu.dma_semaphore, #tpu.memory_space<semaphore_mem>>, %arg18: memref<!tpu.dma_semaphore, #tpu.memory_space<semaphore_mem>>, %arg19: memref<!tpu.dma_semaphore, #tpu.memory_space<semaphore_mem>>) attributes {dimension_semantics = [#tpu.dimension_semantics<core_parallel>, #tpu.dimension_semantics<subcore_parallel>], iteration_bounds = array<i64: 2, 16>, scalar_prefetch = 0 : i64, scratch_operands = 13 : i64, tpu.core_type = #tpu.core_type<sc_vector_subcore>, window_params = [{transform_indices = #map}, {transform_indices = #map1}, {transform_indices = #map1}, {transform_indices = #map1}, {transform_indices = #map1}]} {
    %mul3A = arith.constant 2 : i32
    %mul3A_0 = arith.muli %arg1, %mul3A : i32
    %add3A = arith.addi %mul3A_0, %arg0 : i32
    %mul3A_1 = arith.constant 8 : i32
    %mul3A_2 = arith.muli %add3A, %mul3A_1 : i32
    %mul3A_3 = arith.constant 128 : i32
    %mul3A_4 = arith.muli %mul3A_2, %mul3A_3 : i32
    %add3A_5 = arith.constant 8192 : i32
    %add3A_6 = arith.addi %add3A_5, %mul3A_4 : i32
    "tpu.region"() ({
      %run_scoped3A = tpu.sem_alloc : memref<!tpu.dma_semaphore, #tpu.memory_space<semaphore_mem>>
      %dma_start3A_745 = tpu.memref_slice %arg2[%add3A_6] : memref<106496xi32, #tpu.memory_space<hbm>> -> memref<1024xi32, #tpu.memory_space<hbm>>
      %dma_start3A_746 = tpu.memref_slice %arg2[%add3A_6] : memref<106496xi32, #tpu.memory_space<hbm>> -> memref<1024xi32, #tpu.memory_space<hbm>>
      tpu.enqueue_dma source(%dma_start3A_746 : memref<1024xi32, #tpu.memory_space<hbm>>) target(%arg7 : memref<1024xi32, #tpu.memory_space<vmem>>) target_semaphore(%run_scoped3A : memref<!tpu.dma_semaphore, #tpu.memory_space<semaphore_mem>>)
      %dma_wait3A_747 = tpu.memref_slice %arg2[%add3A_6] : memref<106496xi32, #tpu.memory_space<hbm>> -> memref<1024xi32, #tpu.memory_space<hbm>>
      %dma_wait3A_748 = tpu.memref_slice %arg2[%add3A_6] : memref<106496xi32, #tpu.memory_space<hbm>> -> memref<1024xi32, #tpu.memory_space<hbm>>
      tpu.wait_dma2 semaphore(%run_scoped3A : memref<!tpu.dma_semaphore, #tpu.memory_space<semaphore_mem>>) src(%dma_wait3A_748 : memref<1024xi32, #tpu.memory_space<hbm>>) dst(%arg7 : memref<1024xi32, #tpu.memory_space<vmem>>)
      tpu.yield
    }) : () -> ()
    %add3A_7 = arith.constant 40960 : i32
    %add3A_8 = arith.addi %add3A_7, %mul3A_4 : i32
    "tpu.region"() ({
      %run_scoped3A = tpu.sem_alloc : memref<!tpu.dma_semaphore, #tpu.memory_space<semaphore_mem>>
      %dma_start3A_745 = tpu.memref_slice %arg2[%add3A_8] : memref<106496xi32, #tpu.memory_space<hbm>> -> memref<1024xi32, #tpu.memory_space<hbm>>
      %dma_start3A_746 = tpu.memref_slice %arg2[%add3A_8] : memref<106496xi32, #tpu.memory_space<hbm>> -> memref<1024xi32, #tpu.memory_space<hbm>>
      tpu.enqueue_dma source(%dma_start3A_746 : memref<1024xi32, #tpu.memory_space<hbm>>) target(%arg8 : memref<1024xi32, #tpu.memory_space<vmem>>) target_semaphore(%run_scoped3A : memref<!tpu.dma_semaphore, #tpu.memory_space<semaphore_mem>>)
      %dma_wait3A_747 = tpu.memref_slice %arg2[%add3A_8] : memref<106496xi32, #tpu.memory_space<hbm>> -> memref<1024xi32, #tpu.memory_space<hbm>>
      %dma_wait3A_748 = tpu.memref_slice %arg2[%add3A_8] : memref<106496xi32, #tpu.memory_space<hbm>> -> memref<1024xi32, #tpu.memory_space<hbm>>
      tpu.wait_dma2 semaphore(%run_scoped3A : memref<!tpu.dma_semaphore, #tpu.memory_space<semaphore_mem>>) src(%dma_wait3A_748 : memref<1024xi32, #tpu.memory_space<hbm>>) dst(%arg8 : memref<1024xi32, #tpu.memory_space<vmem>>)
      tpu.yield
    }) : () -> ()
    %add3A_9 = arith.constant 73728 : i32
    %add3A_10 = arith.addi %add3A_9, %mul3A_4 : i32
    "tpu.region"() ({
      %run_scoped3A = tpu.sem_alloc : memref<!tpu.dma_semaphore, #tpu.memory_space<semaphore_mem>>
      %dma_start3A_745 = tpu.memref_slice %arg2[%add3A_10] : memref<106496xi32, #tpu.memory_space<hbm>> -> memref<1024xi32, #tpu.memory_space<hbm>>
      %dma_start3A_746 = tpu.memref_slice %arg2[%add3A_10] : memref<106496xi32, #tpu.memory_space<hbm>> -> memref<1024xi32, #tpu.memory_space<hbm>>
      tpu.enqueue_dma source(%dma_start3A_746 : memref<1024xi32, #tpu.memory_space<hbm>>) target(%arg9 : memref<1024xi32, #tpu.memory_space<vmem>>) target_semaphore(%run_scoped3A : memref<!tpu.dma_semaphore, #tpu.memory_space<semaphore_mem>>)
      %dma_wait3A_747 = tpu.memref_slice %arg2[%add3A_10] : memref<106496xi32, #tpu.memory_space<hbm>> -> memref<1024xi32, #tpu.memory_space<hbm>>
      %dma_wait3A_748 = tpu.memref_slice %arg2[%add3A_10] : memref<106496xi32, #tpu.memory_space<hbm>> -> memref<1024xi32, #tpu.memory_space<hbm>>
      tpu.wait_dma2 semaphore(%run_scoped3A : memref<!tpu.dma_semaphore, #tpu.memory_space<semaphore_mem>>) src(%dma_wait3A_748 : memref<1024xi32, #tpu.memory_space<hbm>>) dst(%arg9 : memref<1024xi32, #tpu.memory_space<vmem>>)
      tpu.yield
    }) : () -> ()
    %dma_start3A = arith.constant 0 : i32
    %dma_start3A_11 = tpu.memref_slice %arg7[%dma_start3A] : memref<1024xi32, #tpu.memory_space<vmem>> -> memref<128xi32, #tpu.memory_space<vmem>>
    %dma_start3A_12 = arith.constant 0 : i32
    %dma_start3A_13 = arith.constant 0 : i32
    %dma_start3A_14 = tpu.memref_slice %arg3[%dma_start3A_12, %dma_start3A_13] : memref<100002x128xf32, #tpu.memory_space<hbm>> -> memref<100002x128xf32, #tpu.memory_space<hbm>>
    tpu.enqueue_indirect_dma source(%dma_start3A_14 : memref<100002x128xf32, #tpu.memory_space<hbm>>) target(%arg10 : memref<128x128xf32, #tpu.memory_space<vmem>>) offsets(%dma_start3A_11 : memref<128xi32, #tpu.memory_space<vmem>>) semaphore(%arg16 : memref<!tpu.dma_semaphore, #tpu.memory_space<semaphore_mem>>)
    %dma_start3A_15 = arith.constant 0 : i32
    %dma_start3A_16 = tpu.memref_slice %arg8[%dma_start3A_15] : memref<1024xi32, #tpu.memory_space<vmem>> -> memref<128xi32, #tpu.memory_space<vmem>>
    %dma_start3A_17 = arith.constant 0 : i32
    %dma_start3A_18 = arith.constant 0 : i32
    %dma_start3A_19 = tpu.memref_slice %arg4[%dma_start3A_17, %dma_start3A_18] : memref<171x128xf32, #tpu.memory_space<hbm>> -> memref<171x128xf32, #tpu.memory_space<hbm>>
    tpu.enqueue_indirect_dma source(%dma_start3A_19 : memref<171x128xf32, #tpu.memory_space<hbm>>) target(%arg11 : memref<128x128xf32, #tpu.memory_space<vmem>>) offsets(%dma_start3A_16 : memref<128xi32, #tpu.memory_space<vmem>>) semaphore(%arg16 : memref<!tpu.dma_semaphore, #tpu.memory_space<semaphore_mem>>)
    %dma_start3A_20 = arith.constant 0 : i32
    %dma_start3A_21 = tpu.memref_slice %arg9[%dma_start3A_20] : memref<1024xi32, #tpu.memory_space<vmem>> -> memref<128xi32, #tpu.memory_space<vmem>>
    %dma_start3A_22 = arith.constant 0 : i32
    %dma_start3A_23 = arith.constant 0 : i32
    %dma_start3A_24 = tpu.memref_slice %arg5[%dma_start3A_22, %dma_start3A_23] : memref<10002x128xf32, #tpu.memory_space<hbm>> -> memref<10002x128xf32, #tpu.memory_space<hbm>>
    tpu.enqueue_indirect_dma source(%dma_start3A_24 : memref<10002x128xf32, #tpu.memory_space<hbm>>) target(%arg12 : memref<128x128xf32, #tpu.memory_space<vmem>>) offsets(%dma_start3A_21 : memref<128xi32, #tpu.memory_space<vmem>>) semaphore(%arg16 : memref<!tpu.dma_semaphore, #tpu.memory_space<semaphore_mem>>)
    %dma_wait3A = arith.constant 0 : i32
    %dma_wait3A_25 = tpu.memref_slice %arg7[%dma_wait3A] : memref<1024xi32, #tpu.memory_space<vmem>> -> memref<128xi32, #tpu.memory_space<vmem>>
    %dma_wait3A_26 = arith.constant 0 : i32
    %dma_wait3A_27 = arith.constant 0 : i32
    %dma_wait3A_28 = tpu.memref_slice %arg3[%dma_wait3A_26, %dma_wait3A_27] : memref<100002x128xf32, #tpu.memory_space<hbm>> -> memref<100002x128xf32, #tpu.memory_space<hbm>>
    tpu.wait_indirect_dma semaphore(%arg16 : memref<!tpu.dma_semaphore, #tpu.memory_space<semaphore_mem>>) src(%dma_wait3A_28 : memref<100002x128xf32, #tpu.memory_space<hbm>>) dst(%arg10 : memref<128x128xf32, #tpu.memory_space<vmem>>)
    %dma_wait3A_29 = arith.constant 0 : i32
    %dma_wait3A_30 = tpu.memref_slice %arg8[%dma_wait3A_29] : memref<1024xi32, #tpu.memory_space<vmem>> -> memref<128xi32, #tpu.memory_space<vmem>>
    %dma_wait3A_31 = arith.constant 0 : i32
    %dma_wait3A_32 = arith.constant 0 : i32
    %dma_wait3A_33 = tpu.memref_slice %arg4[%dma_wait3A_31, %dma_wait3A_32] : memref<171x128xf32, #tpu.memory_space<hbm>> -> memref<171x128xf32, #tpu.memory_space<hbm>>
    tpu.wait_indirect_dma semaphore(%arg16 : memref<!tpu.dma_semaphore, #tpu.memory_space<semaphore_mem>>) src(%dma_wait3A_33 : memref<171x128xf32, #tpu.memory_space<hbm>>) dst(%arg11 : memref<128x128xf32, #tpu.memory_space<vmem>>)
    %dma_wait3A_34 = arith.constant 0 : i32
    %dma_wait3A_35 = tpu.memref_slice %arg9[%dma_wait3A_34] : memref<1024xi32, #tpu.memory_space<vmem>> -> memref<128xi32, #tpu.memory_space<vmem>>
    %dma_wait3A_36 = arith.constant 0 : i32
    %dma_wait3A_37 = arith.constant 0 : i32
    %dma_wait3A_38 = tpu.memref_slice %arg5[%dma_wait3A_36, %dma_wait3A_37] : memref<10002x128xf32, #tpu.memory_space<hbm>> -> memref<10002x128xf32, #tpu.memory_space<hbm>>
    tpu.wait_indirect_dma semaphore(%arg16 : memref<!tpu.dma_semaphore, #tpu.memory_space<semaphore_mem>>) src(%dma_wait3A_38 : memref<10002x128xf32, #tpu.memory_space<hbm>>) dst(%arg12 : memref<128x128xf32, #tpu.memory_space<vmem>>)
    %dma_start3A_39 = arith.constant 128 : i32
    %dma_start3A_40 = tpu.memref_slice %arg7[%dma_start3A_39] : memref<1024xi32, #tpu.memory_space<vmem>> -> memref<128xi32, #tpu.memory_space<vmem>>
    %dma_start3A_41 = arith.constant 0 : i32
    %dma_start3A_42 = arith.constant 0 : i32
    %dma_start3A_43 = tpu.memref_slice %arg3[%dma_start3A_41, %dma_start3A_42] : memref<100002x128xf32, #tpu.memory_space<hbm>> -> memref<100002x128xf32, #tpu.memory_space<hbm>>
    tpu.enqueue_indirect_dma source(%dma_start3A_43 : memref<100002x128xf32, #tpu.memory_space<hbm>>) target(%arg13 : memref<128x128xf32, #tpu.memory_space<vmem>>) offsets(%dma_start3A_40 : memref<128xi32, #tpu.memory_space<vmem>>) semaphore(%arg17 : memref<!tpu.dma_semaphore, #tpu.memory_space<semaphore_mem>>)
    %dma_start3A_44 = arith.constant 128 : i32
    %dma_start3A_45 = tpu.memref_slice %arg8[%dma_start3A_44] : memref<1024xi32, #tpu.memory_space<vmem>> -> memref<128xi32, #tpu.memory_space<vmem>>
    %dma_start3A_46 = arith.constant 0 : i32
    %dma_start3A_47 = arith.constant 0 : i32
    %dma_start3A_48 = tpu.memref_slice %arg4[%dma_start3A_46, %dma_start3A_47] : memref<171x128xf32, #tpu.memory_space<hbm>> -> memref<171x128xf32, #tpu.memory_space<hbm>>
    tpu.enqueue_indirect_dma source(%dma_start3A_48 : memref<171x128xf32, #tpu.memory_space<hbm>>) target(%arg14 : memref<128x128xf32, #tpu.memory_space<vmem>>) offsets(%dma_start3A_45 : memref<128xi32, #tpu.memory_space<vmem>>) semaphore(%arg17 : memref<!tpu.dma_semaphore, #tpu.memory_space<semaphore_mem>>)
    %dma_start3A_49 = arith.constant 128 : i32
    %dma_start3A_50 = tpu.memref_slice %arg9[%dma_start3A_49] : memref<1024xi32, #tpu.memory_space<vmem>> -> memref<128xi32, #tpu.memory_space<vmem>>
    %dma_start3A_51 = arith.constant 0 : i32
    %dma_start3A_52 = arith.constant 0 : i32
    %dma_start3A_53 = tpu.memref_slice %arg5[%dma_start3A_51, %dma_start3A_52] : memref<10002x128xf32, #tpu.memory_space<hbm>> -> memref<10002x128xf32, #tpu.memory_space<hbm>>
    tpu.enqueue_indirect_dma source(%dma_start3A_53 : memref<10002x128xf32, #tpu.memory_space<hbm>>) target(%arg15 : memref<128x128xf32, #tpu.memory_space<vmem>>) offsets(%dma_start3A_50 : memref<128xi32, #tpu.memory_space<vmem>>) semaphore(%arg17 : memref<!tpu.dma_semaphore, #tpu.memory_space<semaphore_mem>>)
    %add3A_54 = arith.constant 0 : i32
    %add3A_55 = arith.addi %mul3A_4, %add3A_54 : i32
    %dma_start3A_56 = arith.constant 0 : i32
    %dma_start3A_57 = arith.constant 0 : i32
    %dma_start3A_58 = tpu.memref_slice %arg10[%dma_start3A_56, %dma_start3A_57] : memref<128x128xf32, #tpu.memory_space<vmem>> -> memref<128x64xf32, #tpu.memory_space<vmem>>
    %dma_start3A_59 = arith.constant 0 : i32
    %dma_start3A_60 = tpu.memref_slice %arg6[%add3A_55, %dma_start3A_59] : memref<32768x128xf32, #tpu.memory_space<hbm>> -> memref<128x64xf32, #tpu.memory_space<hbm>>
    %dma_start3A_61 = arith.constant 0 : i32
    %dma_start3A_62 = tpu.memref_slice %arg6[%add3A_55, %dma_start3A_61] : memref<32768x128xf32, #tpu.memory_space<hbm>> -> memref<128x64xf32, #tpu.memory_space<hbm>>
    %dma_start3A_63 = arith.constant 0 : i32
    %dma_start3A_64 = arith.constant 0 : i32
    %dma_start3A_65 = tpu.memref_slice %arg10[%dma_start3A_63, %dma_start3A_64] : memref<128x128xf32, #tpu.memory_space<vmem>> -> memref<128x64xf32, #tpu.memory_space<vmem>>
    tpu.enqueue_dma source(%dma_start3A_65 : memref<128x64xf32, #tpu.memory_space<vmem>>) target(%dma_start3A_62 : memref<128x64xf32, #tpu.memory_space<hbm>>) target_semaphore(%arg18 : memref<!tpu.dma_semaphore, #tpu.memory_space<semaphore_mem>>)
    %dma_start3A_66 = arith.constant 0 : i32
    %dma_start3A_67 = arith.constant 0 : i32
    %dma_start3A_68 = tpu.memref_slice %arg11[%dma_start3A_66, %dma_start3A_67] : memref<128x128xf32, #tpu.memory_space<vmem>> -> memref<128x32xf32, #tpu.memory_space<vmem>>
    %dma_start3A_69 = arith.constant 64 : i32
    %dma_start3A_70 = tpu.memref_slice %arg6[%add3A_55, %dma_start3A_69] : memref<32768x128xf32, #tpu.memory_space<hbm>> -> memref<128x32xf32, #tpu.memory_space<hbm>>
    %dma_start3A_71 = arith.constant 64 : i32
    %dma_start3A_72 = tpu.memref_slice %arg6[%add3A_55, %dma_start3A_71] : memref<32768x128xf32, #tpu.memory_space<hbm>> -> memref<128x32xf32, #tpu.memory_space<hbm>>
    %dma_start3A_73 = arith.constant 0 : i32
    %dma_start3A_74 = arith.constant 0 : i32
    %dma_start3A_75 = tpu.memref_slice %arg11[%dma_start3A_73, %dma_start3A_74] : memref<128x128xf32, #tpu.memory_space<vmem>> -> memref<128x32xf32, #tpu.memory_space<vmem>>
    tpu.enqueue_dma source(%dma_start3A_75 : memref<128x32xf32, #tpu.memory_space<vmem>>) target(%dma_start3A_72 : memref<128x32xf32, #tpu.memory_space<hbm>>) target_semaphore(%arg18 : memref<!tpu.dma_semaphore, #tpu.memory_space<semaphore_mem>>)
    %dma_start3A_76 = arith.constant 0 : i32
    %dma_start3A_77 = arith.constant 0 : i32
    %dma_start3A_78 = tpu.memref_slice %arg12[%dma_start3A_76, %dma_start3A_77] : memref<128x128xf32, #tpu.memory_space<vmem>> -> memref<128x32xf32, #tpu.memory_space<vmem>>
    %dma_start3A_79 = arith.constant 96 : i32
    %dma_start3A_80 = tpu.memref_slice %arg6[%add3A_55, %dma_start3A_79] : memref<32768x128xf32, #tpu.memory_space<hbm>> -> memref<128x32xf32, #tpu.memory_space<hbm>>
    %dma_start3A_81 = arith.constant 96 : i32
    %dma_start3A_82 = tpu.memref_slice %arg6[%add3A_55, %dma_start3A_81] : memref<32768x128xf32, #tpu.memory_space<hbm>> -> memref<128x32xf32, #tpu.memory_space<hbm>>
    %dma_start3A_83 = arith.constant 0 : i32
    %dma_start3A_84 = arith.constant 0 : i32
    %dma_start3A_85 = tpu.memref_slice %arg12[%dma_start3A_83, %dma_start3A_84] : memref<128x128xf32, #tpu.memory_space<vmem>> -> memref<128x32xf32, #tpu.memory_space<vmem>>
    tpu.enqueue_dma source(%dma_start3A_85 : memref<128x32xf32, #tpu.memory_space<vmem>>) target(%dma_start3A_82 : memref<128x32xf32, #tpu.memory_space<hbm>>) target_semaphore(%arg18 : memref<!tpu.dma_semaphore, #tpu.memory_space<semaphore_mem>>)
    %dma_wait3A_86 = arith.constant 128 : i32
    %dma_wait3A_87 = tpu.memref_slice %arg7[%dma_wait3A_86] : memref<1024xi32, #tpu.memory_space<vmem>> -> memref<128xi32, #tpu.memory_space<vmem>>
    %dma_wait3A_88 = arith.constant 0 : i32
    %dma_wait3A_89 = arith.constant 0 : i32
    %dma_wait3A_90 = tpu.memref_slice %arg3[%dma_wait3A_88, %dma_wait3A_89] : memref<100002x128xf32, #tpu.memory_space<hbm>> -> memref<100002x128xf32, #tpu.memory_space<hbm>>
    tpu.wait_indirect_dma semaphore(%arg17 : memref<!tpu.dma_semaphore, #tpu.memory_space<semaphore_mem>>) src(%dma_wait3A_90 : memref<100002x128xf32, #tpu.memory_space<hbm>>) dst(%arg13 : memref<128x128xf32, #tpu.memory_space<vmem>>)
    %dma_wait3A_91 = arith.constant 128 : i32
    %dma_wait3A_92 = tpu.memref_slice %arg8[%dma_wait3A_91] : memref<1024xi32, #tpu.memory_space<vmem>> -> memref<128xi32, #tpu.memory_space<vmem>>
    %dma_wait3A_93 = arith.constant 0 : i32
    %dma_wait3A_94 = arith.constant 0 : i32
    %dma_wait3A_95 = tpu.memref_slice %arg4[%dma_wait3A_93, %dma_wait3A_94] : memref<171x128xf32, #tpu.memory_space<hbm>> -> memref<171x128xf32, #tpu.memory_space<hbm>>
    tpu.wait_indirect_dma semaphore(%arg17 : memref<!tpu.dma_semaphore, #tpu.memory_space<semaphore_mem>>) src(%dma_wait3A_95 : memref<171x128xf32, #tpu.memory_space<hbm>>) dst(%arg14 : memref<128x128xf32, #tpu.memory_space<vmem>>)
    %dma_wait3A_96 = arith.constant 128 : i32
    %dma_wait3A_97 = tpu.memref_slice %arg9[%dma_wait3A_96] : memref<1024xi32, #tpu.memory_space<vmem>> -> memref<128xi32, #tpu.memory_space<vmem>>
    %dma_wait3A_98 = arith.constant 0 : i32
    %dma_wait3A_99 = arith.constant 0 : i32
    %dma_wait3A_100 = tpu.memref_slice %arg5[%dma_wait3A_98, %dma_wait3A_99] : memref<10002x128xf32, #tpu.memory_space<hbm>> -> memref<10002x128xf32, #tpu.memory_space<hbm>>
    tpu.wait_indirect_dma semaphore(%arg17 : memref<!tpu.dma_semaphore, #tpu.memory_space<semaphore_mem>>) src(%dma_wait3A_100 : memref<10002x128xf32, #tpu.memory_space<hbm>>) dst(%arg15 : memref<128x128xf32, #tpu.memory_space<vmem>>)
    %dma_wait3A_101 = arith.constant 0 : i32
    %dma_wait3A_102 = arith.constant 0 : i32
    %dma_wait3A_103 = tpu.memref_slice %arg10[%dma_wait3A_101, %dma_wait3A_102] : memref<128x128xf32, #tpu.memory_space<vmem>> -> memref<128x64xf32, #tpu.memory_space<vmem>>
    %dma_wait3A_104 = arith.constant 0 : i32
    %dma_wait3A_105 = tpu.memref_slice %arg6[%add3A_55, %dma_wait3A_104] : memref<32768x128xf32, #tpu.memory_space<hbm>> -> memref<128x64xf32, #tpu.memory_space<hbm>>
    %dma_wait3A_106 = arith.constant 0 : i32
    %dma_wait3A_107 = tpu.memref_slice %arg6[%add3A_55, %dma_wait3A_106] : memref<32768x128xf32, #tpu.memory_space<hbm>> -> memref<128x64xf32, #tpu.memory_space<hbm>>
    %dma_wait3A_108 = arith.constant 0 : i32
    %dma_wait3A_109 = arith.constant 0 : i32
    %dma_wait3A_110 = tpu.memref_slice %arg10[%dma_wait3A_108, %dma_wait3A_109] : memref<128x128xf32, #tpu.memory_space<vmem>> -> memref<128x64xf32, #tpu.memory_space<vmem>>
    tpu.wait_dma2 semaphore(%arg18 : memref<!tpu.dma_semaphore, #tpu.memory_space<semaphore_mem>>) src(%dma_wait3A_110 : memref<128x64xf32, #tpu.memory_space<vmem>>) dst(%dma_wait3A_107 : memref<128x64xf32, #tpu.memory_space<hbm>>)
    %dma_wait3A_111 = arith.constant 0 : i32
    %dma_wait3A_112 = arith.constant 0 : i32
    %dma_wait3A_113 = tpu.memref_slice %arg11[%dma_wait3A_111, %dma_wait3A_112] : memref<128x128xf32, #tpu.memory_space<vmem>> -> memref<128x32xf32, #tpu.memory_space<vmem>>
    %dma_wait3A_114 = arith.constant 64 : i32
    %dma_wait3A_115 = tpu.memref_slice %arg6[%add3A_55, %dma_wait3A_114] : memref<32768x128xf32, #tpu.memory_space<hbm>> -> memref<128x32xf32, #tpu.memory_space<hbm>>
    %dma_wait3A_116 = arith.constant 64 : i32
    %dma_wait3A_117 = tpu.memref_slice %arg6[%add3A_55, %dma_wait3A_116] : memref<32768x128xf32, #tpu.memory_space<hbm>> -> memref<128x32xf32, #tpu.memory_space<hbm>>
    %dma_wait3A_118 = arith.constant 0 : i32
    %dma_wait3A_119 = arith.constant 0 : i32
    %dma_wait3A_120 = tpu.memref_slice %arg11[%dma_wait3A_118, %dma_wait3A_119] : memref<128x128xf32, #tpu.memory_space<vmem>> -> memref<128x32xf32, #tpu.memory_space<vmem>>
    tpu.wait_dma2 semaphore(%arg18 : memref<!tpu.dma_semaphore, #tpu.memory_space<semaphore_mem>>) src(%dma_wait3A_120 : memref<128x32xf32, #tpu.memory_space<vmem>>) dst(%dma_wait3A_117 : memref<128x32xf32, #tpu.memory_space<hbm>>)
    %dma_wait3A_121 = arith.constant 0 : i32
    %dma_wait3A_122 = arith.constant 0 : i32
    %dma_wait3A_123 = tpu.memref_slice %arg12[%dma_wait3A_121, %dma_wait3A_122] : memref<128x128xf32, #tpu.memory_space<vmem>> -> memref<128x32xf32, #tpu.memory_space<vmem>>
    %dma_wait3A_124 = arith.constant 96 : i32
    %dma_wait3A_125 = tpu.memref_slice %arg6[%add3A_55, %dma_wait3A_124] : memref<32768x128xf32, #tpu.memory_space<hbm>> -> memref<128x32xf32, #tpu.memory_space<hbm>>
    %dma_wait3A_126 = arith.constant 96 : i32
    %dma_wait3A_127 = tpu.memref_slice %arg6[%add3A_55, %dma_wait3A_126] : memref<32768x128xf32, #tpu.memory_space<hbm>> -> memref<128x32xf32, #tpu.memory_space<hbm>>
    %dma_wait3A_128 = arith.constant 0 : i32
    %dma_wait3A_129 = arith.constant 0 : i32
    %dma_wait3A_130 = tpu.memref_slice %arg12[%dma_wait3A_128, %dma_wait3A_129] : memref<128x128xf32, #tpu.memory_space<vmem>> -> memref<128x32xf32, #tpu.memory_space<vmem>>
    tpu.wait_dma2 semaphore(%arg18 : memref<!tpu.dma_semaphore, #tpu.memory_space<semaphore_mem>>) src(%dma_wait3A_130 : memref<128x32xf32, #tpu.memory_space<vmem>>) dst(%dma_wait3A_127 : memref<128x32xf32, #tpu.memory_space<hbm>>)
    %dma_start3A_131 = arith.constant 256 : i32
    %dma_start3A_132 = tpu.memref_slice %arg7[%dma_start3A_131] : memref<1024xi32, #tpu.memory_space<vmem>> -> memref<128xi32, #tpu.memory_space<vmem>>
    %dma_start3A_133 = arith.constant 0 : i32
    %dma_start3A_134 = arith.constant 0 : i32
    %dma_start3A_135 = tpu.memref_slice %arg3[%dma_start3A_133, %dma_start3A_134] : memref<100002x128xf32, #tpu.memory_space<hbm>> -> memref<100002x128xf32, #tpu.memory_space<hbm>>
    tpu.enqueue_indirect_dma source(%dma_start3A_135 : memref<100002x128xf32, #tpu.memory_space<hbm>>) target(%arg10 : memref<128x128xf32, #tpu.memory_space<vmem>>) offsets(%dma_start3A_132 : memref<128xi32, #tpu.memory_space<vmem>>) semaphore(%arg16 : memref<!tpu.dma_semaphore, #tpu.memory_space<semaphore_mem>>)
    %dma_start3A_136 = arith.constant 256 : i32
    %dma_start3A_137 = tpu.memref_slice %arg8[%dma_start3A_136] : memref<1024xi32, #tpu.memory_space<vmem>> -> memref<128xi32, #tpu.memory_space<vmem>>
    %dma_start3A_138 = arith.constant 0 : i32
    %dma_start3A_139 = arith.constant 0 : i32
    %dma_start3A_140 = tpu.memref_slice %arg4[%dma_start3A_138, %dma_start3A_139] : memref<171x128xf32, #tpu.memory_space<hbm>> -> memref<171x128xf32, #tpu.memory_space<hbm>>
    tpu.enqueue_indirect_dma source(%dma_start3A_140 : memref<171x128xf32, #tpu.memory_space<hbm>>) target(%arg11 : memref<128x128xf32, #tpu.memory_space<vmem>>) offsets(%dma_start3A_137 : memref<128xi32, #tpu.memory_space<vmem>>) semaphore(%arg16 : memref<!tpu.dma_semaphore, #tpu.memory_space<semaphore_mem>>)
    %dma_start3A_141 = arith.constant 256 : i32
    %dma_start3A_142 = tpu.memref_slice %arg9[%dma_start3A_141] : memref<1024xi32, #tpu.memory_space<vmem>> -> memref<128xi32, #tpu.memory_space<vmem>>
    %dma_start3A_143 = arith.constant 0 : i32
    %dma_start3A_144 = arith.constant 0 : i32
    %dma_start3A_145 = tpu.memref_slice %arg5[%dma_start3A_143, %dma_start3A_144] : memref<10002x128xf32, #tpu.memory_space<hbm>> -> memref<10002x128xf32, #tpu.memory_space<hbm>>
    tpu.enqueue_indirect_dma source(%dma_start3A_145 : memref<10002x128xf32, #tpu.memory_space<hbm>>) target(%arg12 : memref<128x128xf32, #tpu.memory_space<vmem>>) offsets(%dma_start3A_142 : memref<128xi32, #tpu.memory_space<vmem>>) semaphore(%arg16 : memref<!tpu.dma_semaphore, #tpu.memory_space<semaphore_mem>>)
    %add3A_146 = arith.constant 128 : i32
    %add3A_147 = arith.addi %mul3A_4, %add3A_146 : i32
    %dma_start3A_148 = arith.constant 0 : i32
    %dma_start3A_149 = arith.constant 0 : i32
    %dma_start3A_150 = tpu.memref_slice %arg13[%dma_start3A_148, %dma_start3A_149] : memref<128x128xf32, #tpu.memory_space<vmem>> -> memref<128x64xf32, #tpu.memory_space<vmem>>
    %dma_start3A_151 = arith.constant 0 : i32
    %dma_start3A_152 = tpu.memref_slice %arg6[%add3A_147, %dma_start3A_151] : memref<32768x128xf32, #tpu.memory_space<hbm>> -> memref<128x64xf32, #tpu.memory_space<hbm>>
    %dma_start3A_153 = arith.constant 0 : i32
    %dma_start3A_154 = tpu.memref_slice %arg6[%add3A_147, %dma_start3A_153] : memref<32768x128xf32, #tpu.memory_space<hbm>> -> memref<128x64xf32, #tpu.memory_space<hbm>>
    %dma_start3A_155 = arith.constant 0 : i32
    %dma_start3A_156 = arith.constant 0 : i32
    %dma_start3A_157 = tpu.memref_slice %arg13[%dma_start3A_155, %dma_start3A_156] : memref<128x128xf32, #tpu.memory_space<vmem>> -> memref<128x64xf32, #tpu.memory_space<vmem>>
    tpu.enqueue_dma source(%dma_start3A_157 : memref<128x64xf32, #tpu.memory_space<vmem>>) target(%dma_start3A_154 : memref<128x64xf32, #tpu.memory_space<hbm>>) target_semaphore(%arg19 : memref<!tpu.dma_semaphore, #tpu.memory_space<semaphore_mem>>)
    %dma_start3A_158 = arith.constant 0 : i32
    %dma_start3A_159 = arith.constant 0 : i32
    %dma_start3A_160 = tpu.memref_slice %arg14[%dma_start3A_158, %dma_start3A_159] : memref<128x128xf32, #tpu.memory_space<vmem>> -> memref<128x32xf32, #tpu.memory_space<vmem>>
    %dma_start3A_161 = arith.constant 64 : i32
    %dma_start3A_162 = tpu.memref_slice %arg6[%add3A_147, %dma_start3A_161] : memref<32768x128xf32, #tpu.memory_space<hbm>> -> memref<128x32xf32, #tpu.memory_space<hbm>>
    %dma_start3A_163 = arith.constant 64 : i32
    %dma_start3A_164 = tpu.memref_slice %arg6[%add3A_147, %dma_start3A_163] : memref<32768x128xf32, #tpu.memory_space<hbm>> -> memref<128x32xf32, #tpu.memory_space<hbm>>
    %dma_start3A_165 = arith.constant 0 : i32
    %dma_start3A_166 = arith.constant 0 : i32
    %dma_start3A_167 = tpu.memref_slice %arg14[%dma_start3A_165, %dma_start3A_166] : memref<128x128xf32, #tpu.memory_space<vmem>> -> memref<128x32xf32, #tpu.memory_space<vmem>>
    tpu.enqueue_dma source(%dma_start3A_167 : memref<128x32xf32, #tpu.memory_space<vmem>>) target(%dma_start3A_164 : memref<128x32xf32, #tpu.memory_space<hbm>>) target_semaphore(%arg19 : memref<!tpu.dma_semaphore, #tpu.memory_space<semaphore_mem>>)
    %dma_start3A_168 = arith.constant 0 : i32
    %dma_start3A_169 = arith.constant 0 : i32
    %dma_start3A_170 = tpu.memref_slice %arg15[%dma_start3A_168, %dma_start3A_169] : memref<128x128xf32, #tpu.memory_space<vmem>> -> memref<128x32xf32, #tpu.memory_space<vmem>>
    %dma_start3A_171 = arith.constant 96 : i32
    %dma_start3A_172 = tpu.memref_slice %arg6[%add3A_147, %dma_start3A_171] : memref<32768x128xf32, #tpu.memory_space<hbm>> -> memref<128x32xf32, #tpu.memory_space<hbm>>
    %dma_start3A_173 = arith.constant 96 : i32
    %dma_start3A_174 = tpu.memref_slice %arg6[%add3A_147, %dma_start3A_173] : memref<32768x128xf32, #tpu.memory_space<hbm>> -> memref<128x32xf32, #tpu.memory_space<hbm>>
    %dma_start3A_175 = arith.constant 0 : i32
    %dma_start3A_176 = arith.constant 0 : i32
    %dma_start3A_177 = tpu.memref_slice %arg15[%dma_start3A_175, %dma_start3A_176] : memref<128x128xf32, #tpu.memory_space<vmem>> -> memref<128x32xf32, #tpu.memory_space<vmem>>
    tpu.enqueue_dma source(%dma_start3A_177 : memref<128x32xf32, #tpu.memory_space<vmem>>) target(%dma_start3A_174 : memref<128x32xf32, #tpu.memory_space<hbm>>) target_semaphore(%arg19 : memref<!tpu.dma_semaphore, #tpu.memory_space<semaphore_mem>>)
    %dma_wait3A_178 = arith.constant 256 : i32
    %dma_wait3A_179 = tpu.memref_slice %arg7[%dma_wait3A_178] : memref<1024xi32, #tpu.memory_space<vmem>> -> memref<128xi32, #tpu.memory_space<vmem>>
    %dma_wait3A_180 = arith.constant 0 : i32
    %dma_wait3A_181 = arith.constant 0 : i32
    %dma_wait3A_182 = tpu.memref_slice %arg3[%dma_wait3A_180, %dma_wait3A_181] : memref<100002x128xf32, #tpu.memory_space<hbm>> -> memref<100002x128xf32, #tpu.memory_space<hbm>>
    tpu.wait_indirect_dma semaphore(%arg16 : memref<!tpu.dma_semaphore, #tpu.memory_space<semaphore_mem>>) src(%dma_wait3A_182 : memref<100002x128xf32, #tpu.memory_space<hbm>>) dst(%arg10 : memref<128x128xf32, #tpu.memory_space<vmem>>)
    %dma_wait3A_183 = arith.constant 256 : i32
    %dma_wait3A_184 = tpu.memref_slice %arg8[%dma_wait3A_183] : memref<1024xi32, #tpu.memory_space<vmem>> -> memref<128xi32, #tpu.memory_space<vmem>>
    %dma_wait3A_185 = arith.constant 0 : i32
    %dma_wait3A_186 = arith.constant 0 : i32
    %dma_wait3A_187 = tpu.memref_slice %arg4[%dma_wait3A_185, %dma_wait3A_186] : memref<171x128xf32, #tpu.memory_space<hbm>> -> memref<171x128xf32, #tpu.memory_space<hbm>>
    tpu.wait_indirect_dma semaphore(%arg16 : memref<!tpu.dma_semaphore, #tpu.memory_space<semaphore_mem>>) src(%dma_wait3A_187 : memref<171x128xf32, #tpu.memory_space<hbm>>) dst(%arg11 : memref<128x128xf32, #tpu.memory_space<vmem>>)
    %dma_wait3A_188 = arith.constant 256 : i32
    %dma_wait3A_189 = tpu.memref_slice %arg9[%dma_wait3A_188] : memref<1024xi32, #tpu.memory_space<vmem>> -> memref<128xi32, #tpu.memory_space<vmem>>
    %dma_wait3A_190 = arith.constant 0 : i32
    %dma_wait3A_191 = arith.constant 0 : i32
    %dma_wait3A_192 = tpu.memref_slice %arg5[%dma_wait3A_190, %dma_wait3A_191] : memref<10002x128xf32, #tpu.memory_space<hbm>> -> memref<10002x128xf32, #tpu.memory_space<hbm>>
    tpu.wait_indirect_dma semaphore(%arg16 : memref<!tpu.dma_semaphore, #tpu.memory_space<semaphore_mem>>) src(%dma_wait3A_192 : memref<10002x128xf32, #tpu.memory_space<hbm>>) dst(%arg12 : memref<128x128xf32, #tpu.memory_space<vmem>>)
    %dma_wait3A_193 = arith.constant 0 : i32
    %dma_wait3A_194 = arith.constant 0 : i32
    %dma_wait3A_195 = tpu.memref_slice %arg13[%dma_wait3A_193, %dma_wait3A_194] : memref<128x128xf32, #tpu.memory_space<vmem>> -> memref<128x64xf32, #tpu.memory_space<vmem>>
    %dma_wait3A_196 = arith.constant 0 : i32
    %dma_wait3A_197 = tpu.memref_slice %arg6[%add3A_147, %dma_wait3A_196] : memref<32768x128xf32, #tpu.memory_space<hbm>> -> memref<128x64xf32, #tpu.memory_space<hbm>>
    %dma_wait3A_198 = arith.constant 0 : i32
    %dma_wait3A_199 = tpu.memref_slice %arg6[%add3A_147, %dma_wait3A_198] : memref<32768x128xf32, #tpu.memory_space<hbm>> -> memref<128x64xf32, #tpu.memory_space<hbm>>
    %dma_wait3A_200 = arith.constant 0 : i32
    %dma_wait3A_201 = arith.constant 0 : i32
    %dma_wait3A_202 = tpu.memref_slice %arg13[%dma_wait3A_200, %dma_wait3A_201] : memref<128x128xf32, #tpu.memory_space<vmem>> -> memref<128x64xf32, #tpu.memory_space<vmem>>
    tpu.wait_dma2 semaphore(%arg19 : memref<!tpu.dma_semaphore, #tpu.memory_space<semaphore_mem>>) src(%dma_wait3A_202 : memref<128x64xf32, #tpu.memory_space<vmem>>) dst(%dma_wait3A_199 : memref<128x64xf32, #tpu.memory_space<hbm>>)
    %dma_wait3A_203 = arith.constant 0 : i32
    %dma_wait3A_204 = arith.constant 0 : i32
    %dma_wait3A_205 = tpu.memref_slice %arg14[%dma_wait3A_203, %dma_wait3A_204] : memref<128x128xf32, #tpu.memory_space<vmem>> -> memref<128x32xf32, #tpu.memory_space<vmem>>
    %dma_wait3A_206 = arith.constant 64 : i32
    %dma_wait3A_207 = tpu.memref_slice %arg6[%add3A_147, %dma_wait3A_206] : memref<32768x128xf32, #tpu.memory_space<hbm>> -> memref<128x32xf32, #tpu.memory_space<hbm>>
    %dma_wait3A_208 = arith.constant 64 : i32
    %dma_wait3A_209 = tpu.memref_slice %arg6[%add3A_147, %dma_wait3A_208] : memref<32768x128xf32, #tpu.memory_space<hbm>> -> memref<128x32xf32, #tpu.memory_space<hbm>>
    %dma_wait3A_210 = arith.constant 0 : i32
    %dma_wait3A_211 = arith.constant 0 : i32
    %dma_wait3A_212 = tpu.memref_slice %arg14[%dma_wait3A_210, %dma_wait3A_211] : memref<128x128xf32, #tpu.memory_space<vmem>> -> memref<128x32xf32, #tpu.memory_space<vmem>>
    tpu.wait_dma2 semaphore(%arg19 : memref<!tpu.dma_semaphore, #tpu.memory_space<semaphore_mem>>) src(%dma_wait3A_212 : memref<128x32xf32, #tpu.memory_space<vmem>>) dst(%dma_wait3A_209 : memref<128x32xf32, #tpu.memory_space<hbm>>)
    %dma_wait3A_213 = arith.constant 0 : i32
    %dma_wait3A_214 = arith.constant 0 : i32
    %dma_wait3A_215 = tpu.memref_slice %arg15[%dma_wait3A_213, %dma_wait3A_214] : memref<128x128xf32, #tpu.memory_space<vmem>> -> memref<128x32xf32, #tpu.memory_space<vmem>>
    %dma_wait3A_216 = arith.constant 96 : i32
    %dma_wait3A_217 = tpu.memref_slice %arg6[%add3A_147, %dma_wait3A_216] : memref<32768x128xf32, #tpu.memory_space<hbm>> -> memref<128x32xf32, #tpu.memory_space<hbm>>
    %dma_wait3A_218 = arith.constant 96 : i32
    %dma_wait3A_219 = tpu.memref_slice %arg6[%add3A_147, %dma_wait3A_218] : memref<32768x128xf32, #tpu.memory_space<hbm>> -> memref<128x32xf32, #tpu.memory_space<hbm>>
    %dma_wait3A_220 = arith.constant 0 : i32
    %dma_wait3A_221 = arith.constant 0 : i32
    %dma_wait3A_222 = tpu.memref_slice %arg15[%dma_wait3A_220, %dma_wait3A_221] : memref<128x128xf32, #tpu.memory_space<vmem>> -> memref<128x32xf32, #tpu.memory_space<vmem>>
    tpu.wait_dma2 semaphore(%arg19 : memref<!tpu.dma_semaphore, #tpu.memory_space<semaphore_mem>>) src(%dma_wait3A_222 : memref<128x32xf32, #tpu.memory_space<vmem>>) dst(%dma_wait3A_219 : memref<128x32xf32, #tpu.memory_space<hbm>>)
    %dma_start3A_223 = arith.constant 384 : i32
    %dma_start3A_224 = tpu.memref_slice %arg7[%dma_start3A_223] : memref<1024xi32, #tpu.memory_space<vmem>> -> memref<128xi32, #tpu.memory_space<vmem>>
    %dma_start3A_225 = arith.constant 0 : i32
    %dma_start3A_226 = arith.constant 0 : i32
    %dma_start3A_227 = tpu.memref_slice %arg3[%dma_start3A_225, %dma_start3A_226] : memref<100002x128xf32, #tpu.memory_space<hbm>> -> memref<100002x128xf32, #tpu.memory_space<hbm>>
    tpu.enqueue_indirect_dma source(%dma_start3A_227 : memref<100002x128xf32, #tpu.memory_space<hbm>>) target(%arg13 : memref<128x128xf32, #tpu.memory_space<vmem>>) offsets(%dma_start3A_224 : memref<128xi32, #tpu.memory_space<vmem>>) semaphore(%arg17 : memref<!tpu.dma_semaphore, #tpu.memory_space<semaphore_mem>>)
    %dma_start3A_228 = arith.constant 384 : i32
    %dma_start3A_229 = tpu.memref_slice %arg8[%dma_start3A_228] : memref<1024xi32, #tpu.memory_space<vmem>> -> memref<128xi32, #tpu.memory_space<vmem>>
    %dma_start3A_230 = arith.constant 0 : i32
    %dma_start3A_231 = arith.constant 0 : i32
    %dma_start3A_232 = tpu.memref_slice %arg4[%dma_start3A_230, %dma_start3A_231] : memref<171x128xf32, #tpu.memory_space<hbm>> -> memref<171x128xf32, #tpu.memory_space<hbm>>
    tpu.enqueue_indirect_dma source(%dma_start3A_232 : memref<171x128xf32, #tpu.memory_space<hbm>>) target(%arg14 : memref<128x128xf32, #tpu.memory_space<vmem>>) offsets(%dma_start3A_229 : memref<128xi32, #tpu.memory_space<vmem>>) semaphore(%arg17 : memref<!tpu.dma_semaphore, #tpu.memory_space<semaphore_mem>>)
    %dma_start3A_233 = arith.constant 384 : i32
    %dma_start3A_234 = tpu.memref_slice %arg9[%dma_start3A_233] : memref<1024xi32, #tpu.memory_space<vmem>> -> memref<128xi32, #tpu.memory_space<vmem>>
    %dma_start3A_235 = arith.constant 0 : i32
    %dma_start3A_236 = arith.constant 0 : i32
    %dma_start3A_237 = tpu.memref_slice %arg5[%dma_start3A_235, %dma_start3A_236] : memref<10002x128xf32, #tpu.memory_space<hbm>> -> memref<10002x128xf32, #tpu.memory_space<hbm>>
    tpu.enqueue_indirect_dma source(%dma_start3A_237 : memref<10002x128xf32, #tpu.memory_space<hbm>>) target(%arg15 : memref<128x128xf32, #tpu.memory_space<vmem>>) offsets(%dma_start3A_234 : memref<128xi32, #tpu.memory_space<vmem>>) semaphore(%arg17 : memref<!tpu.dma_semaphore, #tpu.memory_space<semaphore_mem>>)
    %add3A_238 = arith.constant 256 : i32
    %add3A_239 = arith.addi %mul3A_4, %add3A_238 : i32
    %dma_start3A_240 = arith.constant 0 : i32
    %dma_start3A_241 = arith.constant 0 : i32
    %dma_start3A_242 = tpu.memref_slice %arg10[%dma_start3A_240, %dma_start3A_241] : memref<128x128xf32, #tpu.memory_space<vmem>> -> memref<128x64xf32, #tpu.memory_space<vmem>>
    %dma_start3A_243 = arith.constant 0 : i32
    %dma_start3A_244 = tpu.memref_slice %arg6[%add3A_239, %dma_start3A_243] : memref<32768x128xf32, #tpu.memory_space<hbm>> -> memref<128x64xf32, #tpu.memory_space<hbm>>
    %dma_start3A_245 = arith.constant 0 : i32
    %dma_start3A_246 = tpu.memref_slice %arg6[%add3A_239, %dma_start3A_245] : memref<32768x128xf32, #tpu.memory_space<hbm>> -> memref<128x64xf32, #tpu.memory_space<hbm>>
    %dma_start3A_247 = arith.constant 0 : i32
    %dma_start3A_248 = arith.constant 0 : i32
    %dma_start3A_249 = tpu.memref_slice %arg10[%dma_start3A_247, %dma_start3A_248] : memref<128x128xf32, #tpu.memory_space<vmem>> -> memref<128x64xf32, #tpu.memory_space<vmem>>
    tpu.enqueue_dma source(%dma_start3A_249 : memref<128x64xf32, #tpu.memory_space<vmem>>) target(%dma_start3A_246 : memref<128x64xf32, #tpu.memory_space<hbm>>) target_semaphore(%arg18 : memref<!tpu.dma_semaphore, #tpu.memory_space<semaphore_mem>>)
    %dma_start3A_250 = arith.constant 0 : i32
    %dma_start3A_251 = arith.constant 0 : i32
    %dma_start3A_252 = tpu.memref_slice %arg11[%dma_start3A_250, %dma_start3A_251] : memref<128x128xf32, #tpu.memory_space<vmem>> -> memref<128x32xf32, #tpu.memory_space<vmem>>
    %dma_start3A_253 = arith.constant 64 : i32
    %dma_start3A_254 = tpu.memref_slice %arg6[%add3A_239, %dma_start3A_253] : memref<32768x128xf32, #tpu.memory_space<hbm>> -> memref<128x32xf32, #tpu.memory_space<hbm>>
    %dma_start3A_255 = arith.constant 64 : i32
    %dma_start3A_256 = tpu.memref_slice %arg6[%add3A_239, %dma_start3A_255] : memref<32768x128xf32, #tpu.memory_space<hbm>> -> memref<128x32xf32, #tpu.memory_space<hbm>>
    %dma_start3A_257 = arith.constant 0 : i32
    %dma_start3A_258 = arith.constant 0 : i32
    %dma_start3A_259 = tpu.memref_slice %arg11[%dma_start3A_257, %dma_start3A_258] : memref<128x128xf32, #tpu.memory_space<vmem>> -> memref<128x32xf32, #tpu.memory_space<vmem>>
    tpu.enqueue_dma source(%dma_start3A_259 : memref<128x32xf32, #tpu.memory_space<vmem>>) target(%dma_start3A_256 : memref<128x32xf32, #tpu.memory_space<hbm>>) target_semaphore(%arg18 : memref<!tpu.dma_semaphore, #tpu.memory_space<semaphore_mem>>)
    %dma_start3A_260 = arith.constant 0 : i32
    %dma_start3A_261 = arith.constant 0 : i32
    %dma_start3A_262 = tpu.memref_slice %arg12[%dma_start3A_260, %dma_start3A_261] : memref<128x128xf32, #tpu.memory_space<vmem>> -> memref<128x32xf32, #tpu.memory_space<vmem>>
    %dma_start3A_263 = arith.constant 96 : i32
    %dma_start3A_264 = tpu.memref_slice %arg6[%add3A_239, %dma_start3A_263] : memref<32768x128xf32, #tpu.memory_space<hbm>> -> memref<128x32xf32, #tpu.memory_space<hbm>>
    %dma_start3A_265 = arith.constant 96 : i32
    %dma_start3A_266 = tpu.memref_slice %arg6[%add3A_239, %dma_start3A_265] : memref<32768x128xf32, #tpu.memory_space<hbm>> -> memref<128x32xf32, #tpu.memory_space<hbm>>
    %dma_start3A_267 = arith.constant 0 : i32
    %dma_start3A_268 = arith.constant 0 : i32
    %dma_start3A_269 = tpu.memref_slice %arg12[%dma_start3A_267, %dma_start3A_268] : memref<128x128xf32, #tpu.memory_space<vmem>> -> memref<128x32xf32, #tpu.memory_space<vmem>>
    tpu.enqueue_dma source(%dma_start3A_269 : memref<128x32xf32, #tpu.memory_space<vmem>>) target(%dma_start3A_266 : memref<128x32xf32, #tpu.memory_space<hbm>>) target_semaphore(%arg18 : memref<!tpu.dma_semaphore, #tpu.memory_space<semaphore_mem>>)
    %dma_wait3A_270 = arith.constant 384 : i32
    %dma_wait3A_271 = tpu.memref_slice %arg7[%dma_wait3A_270] : memref<1024xi32, #tpu.memory_space<vmem>> -> memref<128xi32, #tpu.memory_space<vmem>>
    %dma_wait3A_272 = arith.constant 0 : i32
    %dma_wait3A_273 = arith.constant 0 : i32
    %dma_wait3A_274 = tpu.memref_slice %arg3[%dma_wait3A_272, %dma_wait3A_273] : memref<100002x128xf32, #tpu.memory_space<hbm>> -> memref<100002x128xf32, #tpu.memory_space<hbm>>
    tpu.wait_indirect_dma semaphore(%arg17 : memref<!tpu.dma_semaphore, #tpu.memory_space<semaphore_mem>>) src(%dma_wait3A_274 : memref<100002x128xf32, #tpu.memory_space<hbm>>) dst(%arg13 : memref<128x128xf32, #tpu.memory_space<vmem>>)
    %dma_wait3A_275 = arith.constant 384 : i32
    %dma_wait3A_276 = tpu.memref_slice %arg8[%dma_wait3A_275] : memref<1024xi32, #tpu.memory_space<vmem>> -> memref<128xi32, #tpu.memory_space<vmem>>
    %dma_wait3A_277 = arith.constant 0 : i32
    %dma_wait3A_278 = arith.constant 0 : i32
    %dma_wait3A_279 = tpu.memref_slice %arg4[%dma_wait3A_277, %dma_wait3A_278] : memref<171x128xf32, #tpu.memory_space<hbm>> -> memref<171x128xf32, #tpu.memory_space<hbm>>
    tpu.wait_indirect_dma semaphore(%arg17 : memref<!tpu.dma_semaphore, #tpu.memory_space<semaphore_mem>>) src(%dma_wait3A_279 : memref<171x128xf32, #tpu.memory_space<hbm>>) dst(%arg14 : memref<128x128xf32, #tpu.memory_space<vmem>>)
    %dma_wait3A_280 = arith.constant 384 : i32
    %dma_wait3A_281 = tpu.memref_slice %arg9[%dma_wait3A_280] : memref<1024xi32, #tpu.memory_space<vmem>> -> memref<128xi32, #tpu.memory_space<vmem>>
    %dma_wait3A_282 = arith.constant 0 : i32
    %dma_wait3A_283 = arith.constant 0 : i32
    %dma_wait3A_284 = tpu.memref_slice %arg5[%dma_wait3A_282, %dma_wait3A_283] : memref<10002x128xf32, #tpu.memory_space<hbm>> -> memref<10002x128xf32, #tpu.memory_space<hbm>>
    tpu.wait_indirect_dma semaphore(%arg17 : memref<!tpu.dma_semaphore, #tpu.memory_space<semaphore_mem>>) src(%dma_wait3A_284 : memref<10002x128xf32, #tpu.memory_space<hbm>>) dst(%arg15 : memref<128x128xf32, #tpu.memory_space<vmem>>)
    %dma_wait3A_285 = arith.constant 0 : i32
    %dma_wait3A_286 = arith.constant 0 : i32
    %dma_wait3A_287 = tpu.memref_slice %arg10[%dma_wait3A_285, %dma_wait3A_286] : memref<128x128xf32, #tpu.memory_space<vmem>> -> memref<128x64xf32, #tpu.memory_space<vmem>>
    %dma_wait3A_288 = arith.constant 0 : i32
    %dma_wait3A_289 = tpu.memref_slice %arg6[%add3A_239, %dma_wait3A_288] : memref<32768x128xf32, #tpu.memory_space<hbm>> -> memref<128x64xf32, #tpu.memory_space<hbm>>
    %dma_wait3A_290 = arith.constant 0 : i32
    %dma_wait3A_291 = tpu.memref_slice %arg6[%add3A_239, %dma_wait3A_290] : memref<32768x128xf32, #tpu.memory_space<hbm>> -> memref<128x64xf32, #tpu.memory_space<hbm>>
    %dma_wait3A_292 = arith.constant 0 : i32
    %dma_wait3A_293 = arith.constant 0 : i32
    %dma_wait3A_294 = tpu.memref_slice %arg10[%dma_wait3A_292, %dma_wait3A_293] : memref<128x128xf32, #tpu.memory_space<vmem>> -> memref<128x64xf32, #tpu.memory_space<vmem>>
    tpu.wait_dma2 semaphore(%arg18 : memref<!tpu.dma_semaphore, #tpu.memory_space<semaphore_mem>>) src(%dma_wait3A_294 : memref<128x64xf32, #tpu.memory_space<vmem>>) dst(%dma_wait3A_291 : memref<128x64xf32, #tpu.memory_space<hbm>>)
    %dma_wait3A_295 = arith.constant 0 : i32
    %dma_wait3A_296 = arith.constant 0 : i32
    %dma_wait3A_297 = tpu.memref_slice %arg11[%dma_wait3A_295, %dma_wait3A_296] : memref<128x128xf32, #tpu.memory_space<vmem>> -> memref<128x32xf32, #tpu.memory_space<vmem>>
    %dma_wait3A_298 = arith.constant 64 : i32
    %dma_wait3A_299 = tpu.memref_slice %arg6[%add3A_239, %dma_wait3A_298] : memref<32768x128xf32, #tpu.memory_space<hbm>> -> memref<128x32xf32, #tpu.memory_space<hbm>>
    %dma_wait3A_300 = arith.constant 64 : i32
    %dma_wait3A_301 = tpu.memref_slice %arg6[%add3A_239, %dma_wait3A_300] : memref<32768x128xf32, #tpu.memory_space<hbm>> -> memref<128x32xf32, #tpu.memory_space<hbm>>
    %dma_wait3A_302 = arith.constant 0 : i32
    %dma_wait3A_303 = arith.constant 0 : i32
    %dma_wait3A_304 = tpu.memref_slice %arg11[%dma_wait3A_302, %dma_wait3A_303] : memref<128x128xf32, #tpu.memory_space<vmem>> -> memref<128x32xf32, #tpu.memory_space<vmem>>
    tpu.wait_dma2 semaphore(%arg18 : memref<!tpu.dma_semaphore, #tpu.memory_space<semaphore_mem>>) src(%dma_wait3A_304 : memref<128x32xf32, #tpu.memory_space<vmem>>) dst(%dma_wait3A_301 : memref<128x32xf32, #tpu.memory_space<hbm>>)
    %dma_wait3A_305 = arith.constant 0 : i32
    %dma_wait3A_306 = arith.constant 0 : i32
    %dma_wait3A_307 = tpu.memref_slice %arg12[%dma_wait3A_305, %dma_wait3A_306] : memref<128x128xf32, #tpu.memory_space<vmem>> -> memref<128x32xf32, #tpu.memory_space<vmem>>
    %dma_wait3A_308 = arith.constant 96 : i32
    %dma_wait3A_309 = tpu.memref_slice %arg6[%add3A_239, %dma_wait3A_308] : memref<32768x128xf32, #tpu.memory_space<hbm>> -> memref<128x32xf32, #tpu.memory_space<hbm>>
    %dma_wait3A_310 = arith.constant 96 : i32
    %dma_wait3A_311 = tpu.memref_slice %arg6[%add3A_239, %dma_wait3A_310] : memref<32768x128xf32, #tpu.memory_space<hbm>> -> memref<128x32xf32, #tpu.memory_space<hbm>>
    %dma_wait3A_312 = arith.constant 0 : i32
    %dma_wait3A_313 = arith.constant 0 : i32
    %dma_wait3A_314 = tpu.memref_slice %arg12[%dma_wait3A_312, %dma_wait3A_313] : memref<128x128xf32, #tpu.memory_space<vmem>> -> memref<128x32xf32, #tpu.memory_space<vmem>>
    tpu.wait_dma2 semaphore(%arg18 : memref<!tpu.dma_semaphore, #tpu.memory_space<semaphore_mem>>) src(%dma_wait3A_314 : memref<128x32xf32, #tpu.memory_space<vmem>>) dst(%dma_wait3A_311 : memref<128x32xf32, #tpu.memory_space<hbm>>)
    %dma_start3A_315 = arith.constant 512 : i32
    %dma_start3A_316 = tpu.memref_slice %arg7[%dma_start3A_315] : memref<1024xi32, #tpu.memory_space<vmem>> -> memref<128xi32, #tpu.memory_space<vmem>>
    %dma_start3A_317 = arith.constant 0 : i32
    %dma_start3A_318 = arith.constant 0 : i32
    %dma_start3A_319 = tpu.memref_slice %arg3[%dma_start3A_317, %dma_start3A_318] : memref<100002x128xf32, #tpu.memory_space<hbm>> -> memref<100002x128xf32, #tpu.memory_space<hbm>>
    tpu.enqueue_indirect_dma source(%dma_start3A_319 : memref<100002x128xf32, #tpu.memory_space<hbm>>) target(%arg10 : memref<128x128xf32, #tpu.memory_space<vmem>>) offsets(%dma_start3A_316 : memref<128xi32, #tpu.memory_space<vmem>>) semaphore(%arg16 : memref<!tpu.dma_semaphore, #tpu.memory_space<semaphore_mem>>)
    %dma_start3A_320 = arith.constant 512 : i32
    %dma_start3A_321 = tpu.memref_slice %arg8[%dma_start3A_320] : memref<1024xi32, #tpu.memory_space<vmem>> -> memref<128xi32, #tpu.memory_space<vmem>>
    %dma_start3A_322 = arith.constant 0 : i32
    %dma_start3A_323 = arith.constant 0 : i32
    %dma_start3A_324 = tpu.memref_slice %arg4[%dma_start3A_322, %dma_start3A_323] : memref<171x128xf32, #tpu.memory_space<hbm>> -> memref<171x128xf32, #tpu.memory_space<hbm>>
    tpu.enqueue_indirect_dma source(%dma_start3A_324 : memref<171x128xf32, #tpu.memory_space<hbm>>) target(%arg11 : memref<128x128xf32, #tpu.memory_space<vmem>>) offsets(%dma_start3A_321 : memref<128xi32, #tpu.memory_space<vmem>>) semaphore(%arg16 : memref<!tpu.dma_semaphore, #tpu.memory_space<semaphore_mem>>)
    %dma_start3A_325 = arith.constant 512 : i32
    %dma_start3A_326 = tpu.memref_slice %arg9[%dma_start3A_325] : memref<1024xi32, #tpu.memory_space<vmem>> -> memref<128xi32, #tpu.memory_space<vmem>>
    %dma_start3A_327 = arith.constant 0 : i32
    %dma_start3A_328 = arith.constant 0 : i32
    %dma_start3A_329 = tpu.memref_slice %arg5[%dma_start3A_327, %dma_start3A_328] : memref<10002x128xf32, #tpu.memory_space<hbm>> -> memref<10002x128xf32, #tpu.memory_space<hbm>>
    tpu.enqueue_indirect_dma source(%dma_start3A_329 : memref<10002x128xf32, #tpu.memory_space<hbm>>) target(%arg12 : memref<128x128xf32, #tpu.memory_space<vmem>>) offsets(%dma_start3A_326 : memref<128xi32, #tpu.memory_space<vmem>>) semaphore(%arg16 : memref<!tpu.dma_semaphore, #tpu.memory_space<semaphore_mem>>)
    %add3A_330 = arith.constant 384 : i32
    %add3A_331 = arith.addi %mul3A_4, %add3A_330 : i32
    %dma_start3A_332 = arith.constant 0 : i32
    %dma_start3A_333 = arith.constant 0 : i32
    %dma_start3A_334 = tpu.memref_slice %arg13[%dma_start3A_332, %dma_start3A_333] : memref<128x128xf32, #tpu.memory_space<vmem>> -> memref<128x64xf32, #tpu.memory_space<vmem>>
    %dma_start3A_335 = arith.constant 0 : i32
    %dma_start3A_336 = tpu.memref_slice %arg6[%add3A_331, %dma_start3A_335] : memref<32768x128xf32, #tpu.memory_space<hbm>> -> memref<128x64xf32, #tpu.memory_space<hbm>>
    %dma_start3A_337 = arith.constant 0 : i32
    %dma_start3A_338 = tpu.memref_slice %arg6[%add3A_331, %dma_start3A_337] : memref<32768x128xf32, #tpu.memory_space<hbm>> -> memref<128x64xf32, #tpu.memory_space<hbm>>
    %dma_start3A_339 = arith.constant 0 : i32
    %dma_start3A_340 = arith.constant 0 : i32
    %dma_start3A_341 = tpu.memref_slice %arg13[%dma_start3A_339, %dma_start3A_340] : memref<128x128xf32, #tpu.memory_space<vmem>> -> memref<128x64xf32, #tpu.memory_space<vmem>>
    tpu.enqueue_dma source(%dma_start3A_341 : memref<128x64xf32, #tpu.memory_space<vmem>>) target(%dma_start3A_338 : memref<128x64xf32, #tpu.memory_space<hbm>>) target_semaphore(%arg19 : memref<!tpu.dma_semaphore, #tpu.memory_space<semaphore_mem>>)
    %dma_start3A_342 = arith.constant 0 : i32
    %dma_start3A_343 = arith.constant 0 : i32
    %dma_start3A_344 = tpu.memref_slice %arg14[%dma_start3A_342, %dma_start3A_343] : memref<128x128xf32, #tpu.memory_space<vmem>> -> memref<128x32xf32, #tpu.memory_space<vmem>>
    %dma_start3A_345 = arith.constant 64 : i32
    %dma_start3A_346 = tpu.memref_slice %arg6[%add3A_331, %dma_start3A_345] : memref<32768x128xf32, #tpu.memory_space<hbm>> -> memref<128x32xf32, #tpu.memory_space<hbm>>
    %dma_start3A_347 = arith.constant 64 : i32
    %dma_start3A_348 = tpu.memref_slice %arg6[%add3A_331, %dma_start3A_347] : memref<32768x128xf32, #tpu.memory_space<hbm>> -> memref<128x32xf32, #tpu.memory_space<hbm>>
    %dma_start3A_349 = arith.constant 0 : i32
    %dma_start3A_350 = arith.constant 0 : i32
    %dma_start3A_351 = tpu.memref_slice %arg14[%dma_start3A_349, %dma_start3A_350] : memref<128x128xf32, #tpu.memory_space<vmem>> -> memref<128x32xf32, #tpu.memory_space<vmem>>
    tpu.enqueue_dma source(%dma_start3A_351 : memref<128x32xf32, #tpu.memory_space<vmem>>) target(%dma_start3A_348 : memref<128x32xf32, #tpu.memory_space<hbm>>) target_semaphore(%arg19 : memref<!tpu.dma_semaphore, #tpu.memory_space<semaphore_mem>>)
    %dma_start3A_352 = arith.constant 0 : i32
    %dma_start3A_353 = arith.constant 0 : i32
    %dma_start3A_354 = tpu.memref_slice %arg15[%dma_start3A_352, %dma_start3A_353] : memref<128x128xf32, #tpu.memory_space<vmem>> -> memref<128x32xf32, #tpu.memory_space<vmem>>
    %dma_start3A_355 = arith.constant 96 : i32
    %dma_start3A_356 = tpu.memref_slice %arg6[%add3A_331, %dma_start3A_355] : memref<32768x128xf32, #tpu.memory_space<hbm>> -> memref<128x32xf32, #tpu.memory_space<hbm>>
    %dma_start3A_357 = arith.constant 96 : i32
    %dma_start3A_358 = tpu.memref_slice %arg6[%add3A_331, %dma_start3A_357] : memref<32768x128xf32, #tpu.memory_space<hbm>> -> memref<128x32xf32, #tpu.memory_space<hbm>>
    %dma_start3A_359 = arith.constant 0 : i32
    %dma_start3A_360 = arith.constant 0 : i32
    %dma_start3A_361 = tpu.memref_slice %arg15[%dma_start3A_359, %dma_start3A_360] : memref<128x128xf32, #tpu.memory_space<vmem>> -> memref<128x32xf32, #tpu.memory_space<vmem>>
    tpu.enqueue_dma source(%dma_start3A_361 : memref<128x32xf32, #tpu.memory_space<vmem>>) target(%dma_start3A_358 : memref<128x32xf32, #tpu.memory_space<hbm>>) target_semaphore(%arg19 : memref<!tpu.dma_semaphore, #tpu.memory_space<semaphore_mem>>)
    %dma_wait3A_362 = arith.constant 512 : i32
    %dma_wait3A_363 = tpu.memref_slice %arg7[%dma_wait3A_362] : memref<1024xi32, #tpu.memory_space<vmem>> -> memref<128xi32, #tpu.memory_space<vmem>>
    %dma_wait3A_364 = arith.constant 0 : i32
    %dma_wait3A_365 = arith.constant 0 : i32
    %dma_wait3A_366 = tpu.memref_slice %arg3[%dma_wait3A_364, %dma_wait3A_365] : memref<100002x128xf32, #tpu.memory_space<hbm>> -> memref<100002x128xf32, #tpu.memory_space<hbm>>
    tpu.wait_indirect_dma semaphore(%arg16 : memref<!tpu.dma_semaphore, #tpu.memory_space<semaphore_mem>>) src(%dma_wait3A_366 : memref<100002x128xf32, #tpu.memory_space<hbm>>) dst(%arg10 : memref<128x128xf32, #tpu.memory_space<vmem>>)
    %dma_wait3A_367 = arith.constant 512 : i32
    %dma_wait3A_368 = tpu.memref_slice %arg8[%dma_wait3A_367] : memref<1024xi32, #tpu.memory_space<vmem>> -> memref<128xi32, #tpu.memory_space<vmem>>
    %dma_wait3A_369 = arith.constant 0 : i32
    %dma_wait3A_370 = arith.constant 0 : i32
    %dma_wait3A_371 = tpu.memref_slice %arg4[%dma_wait3A_369, %dma_wait3A_370] : memref<171x128xf32, #tpu.memory_space<hbm>> -> memref<171x128xf32, #tpu.memory_space<hbm>>
    tpu.wait_indirect_dma semaphore(%arg16 : memref<!tpu.dma_semaphore, #tpu.memory_space<semaphore_mem>>) src(%dma_wait3A_371 : memref<171x128xf32, #tpu.memory_space<hbm>>) dst(%arg11 : memref<128x128xf32, #tpu.memory_space<vmem>>)
    %dma_wait3A_372 = arith.constant 512 : i32
    %dma_wait3A_373 = tpu.memref_slice %arg9[%dma_wait3A_372] : memref<1024xi32, #tpu.memory_space<vmem>> -> memref<128xi32, #tpu.memory_space<vmem>>
    %dma_wait3A_374 = arith.constant 0 : i32
    %dma_wait3A_375 = arith.constant 0 : i32
    %dma_wait3A_376 = tpu.memref_slice %arg5[%dma_wait3A_374, %dma_wait3A_375] : memref<10002x128xf32, #tpu.memory_space<hbm>> -> memref<10002x128xf32, #tpu.memory_space<hbm>>
    tpu.wait_indirect_dma semaphore(%arg16 : memref<!tpu.dma_semaphore, #tpu.memory_space<semaphore_mem>>) src(%dma_wait3A_376 : memref<10002x128xf32, #tpu.memory_space<hbm>>) dst(%arg12 : memref<128x128xf32, #tpu.memory_space<vmem>>)
    %dma_wait3A_377 = arith.constant 0 : i32
    %dma_wait3A_378 = arith.constant 0 : i32
    %dma_wait3A_379 = tpu.memref_slice %arg13[%dma_wait3A_377, %dma_wait3A_378] : memref<128x128xf32, #tpu.memory_space<vmem>> -> memref<128x64xf32, #tpu.memory_space<vmem>>
    %dma_wait3A_380 = arith.constant 0 : i32
    %dma_wait3A_381 = tpu.memref_slice %arg6[%add3A_331, %dma_wait3A_380] : memref<32768x128xf32, #tpu.memory_space<hbm>> -> memref<128x64xf32, #tpu.memory_space<hbm>>
    %dma_wait3A_382 = arith.constant 0 : i32
    %dma_wait3A_383 = tpu.memref_slice %arg6[%add3A_331, %dma_wait3A_382] : memref<32768x128xf32, #tpu.memory_space<hbm>> -> memref<128x64xf32, #tpu.memory_space<hbm>>
    %dma_wait3A_384 = arith.constant 0 : i32
    %dma_wait3A_385 = arith.constant 0 : i32
    %dma_wait3A_386 = tpu.memref_slice %arg13[%dma_wait3A_384, %dma_wait3A_385] : memref<128x128xf32, #tpu.memory_space<vmem>> -> memref<128x64xf32, #tpu.memory_space<vmem>>
    tpu.wait_dma2 semaphore(%arg19 : memref<!tpu.dma_semaphore, #tpu.memory_space<semaphore_mem>>) src(%dma_wait3A_386 : memref<128x64xf32, #tpu.memory_space<vmem>>) dst(%dma_wait3A_383 : memref<128x64xf32, #tpu.memory_space<hbm>>)
    %dma_wait3A_387 = arith.constant 0 : i32
    %dma_wait3A_388 = arith.constant 0 : i32
    %dma_wait3A_389 = tpu.memref_slice %arg14[%dma_wait3A_387, %dma_wait3A_388] : memref<128x128xf32, #tpu.memory_space<vmem>> -> memref<128x32xf32, #tpu.memory_space<vmem>>
    %dma_wait3A_390 = arith.constant 64 : i32
    %dma_wait3A_391 = tpu.memref_slice %arg6[%add3A_331, %dma_wait3A_390] : memref<32768x128xf32, #tpu.memory_space<hbm>> -> memref<128x32xf32, #tpu.memory_space<hbm>>
    %dma_wait3A_392 = arith.constant 64 : i32
    %dma_wait3A_393 = tpu.memref_slice %arg6[%add3A_331, %dma_wait3A_392] : memref<32768x128xf32, #tpu.memory_space<hbm>> -> memref<128x32xf32, #tpu.memory_space<hbm>>
    %dma_wait3A_394 = arith.constant 0 : i32
    %dma_wait3A_395 = arith.constant 0 : i32
    %dma_wait3A_396 = tpu.memref_slice %arg14[%dma_wait3A_394, %dma_wait3A_395] : memref<128x128xf32, #tpu.memory_space<vmem>> -> memref<128x32xf32, #tpu.memory_space<vmem>>
    tpu.wait_dma2 semaphore(%arg19 : memref<!tpu.dma_semaphore, #tpu.memory_space<semaphore_mem>>) src(%dma_wait3A_396 : memref<128x32xf32, #tpu.memory_space<vmem>>) dst(%dma_wait3A_393 : memref<128x32xf32, #tpu.memory_space<hbm>>)
    %dma_wait3A_397 = arith.constant 0 : i32
    %dma_wait3A_398 = arith.constant 0 : i32
    %dma_wait3A_399 = tpu.memref_slice %arg15[%dma_wait3A_397, %dma_wait3A_398] : memref<128x128xf32, #tpu.memory_space<vmem>> -> memref<128x32xf32, #tpu.memory_space<vmem>>
    %dma_wait3A_400 = arith.constant 96 : i32
    %dma_wait3A_401 = tpu.memref_slice %arg6[%add3A_331, %dma_wait3A_400] : memref<32768x128xf32, #tpu.memory_space<hbm>> -> memref<128x32xf32, #tpu.memory_space<hbm>>
    %dma_wait3A_402 = arith.constant 96 : i32
    %dma_wait3A_403 = tpu.memref_slice %arg6[%add3A_331, %dma_wait3A_402] : memref<32768x128xf32, #tpu.memory_space<hbm>> -> memref<128x32xf32, #tpu.memory_space<hbm>>
    %dma_wait3A_404 = arith.constant 0 : i32
    %dma_wait3A_405 = arith.constant 0 : i32
    %dma_wait3A_406 = tpu.memref_slice %arg15[%dma_wait3A_404, %dma_wait3A_405] : memref<128x128xf32, #tpu.memory_space<vmem>> -> memref<128x32xf32, #tpu.memory_space<vmem>>
    tpu.wait_dma2 semaphore(%arg19 : memref<!tpu.dma_semaphore, #tpu.memory_space<semaphore_mem>>) src(%dma_wait3A_406 : memref<128x32xf32, #tpu.memory_space<vmem>>) dst(%dma_wait3A_403 : memref<128x32xf32, #tpu.memory_space<hbm>>)
    %dma_start3A_407 = arith.constant 640 : i32
    %dma_start3A_408 = tpu.memref_slice %arg7[%dma_start3A_407] : memref<1024xi32, #tpu.memory_space<vmem>> -> memref<128xi32, #tpu.memory_space<vmem>>
    %dma_start3A_409 = arith.constant 0 : i32
    %dma_start3A_410 = arith.constant 0 : i32
    %dma_start3A_411 = tpu.memref_slice %arg3[%dma_start3A_409, %dma_start3A_410] : memref<100002x128xf32, #tpu.memory_space<hbm>> -> memref<100002x128xf32, #tpu.memory_space<hbm>>
    tpu.enqueue_indirect_dma source(%dma_start3A_411 : memref<100002x128xf32, #tpu.memory_space<hbm>>) target(%arg13 : memref<128x128xf32, #tpu.memory_space<vmem>>) offsets(%dma_start3A_408 : memref<128xi32, #tpu.memory_space<vmem>>) semaphore(%arg17 : memref<!tpu.dma_semaphore, #tpu.memory_space<semaphore_mem>>)
    %dma_start3A_412 = arith.constant 640 : i32
    %dma_start3A_413 = tpu.memref_slice %arg8[%dma_start3A_412] : memref<1024xi32, #tpu.memory_space<vmem>> -> memref<128xi32, #tpu.memory_space<vmem>>
    %dma_start3A_414 = arith.constant 0 : i32
    %dma_start3A_415 = arith.constant 0 : i32
    %dma_start3A_416 = tpu.memref_slice %arg4[%dma_start3A_414, %dma_start3A_415] : memref<171x128xf32, #tpu.memory_space<hbm>> -> memref<171x128xf32, #tpu.memory_space<hbm>>
    tpu.enqueue_indirect_dma source(%dma_start3A_416 : memref<171x128xf32, #tpu.memory_space<hbm>>) target(%arg14 : memref<128x128xf32, #tpu.memory_space<vmem>>) offsets(%dma_start3A_413 : memref<128xi32, #tpu.memory_space<vmem>>) semaphore(%arg17 : memref<!tpu.dma_semaphore, #tpu.memory_space<semaphore_mem>>)
    %dma_start3A_417 = arith.constant 640 : i32
    %dma_start3A_418 = tpu.memref_slice %arg9[%dma_start3A_417] : memref<1024xi32, #tpu.memory_space<vmem>> -> memref<128xi32, #tpu.memory_space<vmem>>
    %dma_start3A_419 = arith.constant 0 : i32
    %dma_start3A_420 = arith.constant 0 : i32
    %dma_start3A_421 = tpu.memref_slice %arg5[%dma_start3A_419, %dma_start3A_420] : memref<10002x128xf32, #tpu.memory_space<hbm>> -> memref<10002x128xf32, #tpu.memory_space<hbm>>
    tpu.enqueue_indirect_dma source(%dma_start3A_421 : memref<10002x128xf32, #tpu.memory_space<hbm>>) target(%arg15 : memref<128x128xf32, #tpu.memory_space<vmem>>) offsets(%dma_start3A_418 : memref<128xi32, #tpu.memory_space<vmem>>) semaphore(%arg17 : memref<!tpu.dma_semaphore, #tpu.memory_space<semaphore_mem>>)
    %add3A_422 = arith.constant 512 : i32
    %add3A_423 = arith.addi %mul3A_4, %add3A_422 : i32
    %dma_start3A_424 = arith.constant 0 : i32
    %dma_start3A_425 = arith.constant 0 : i32
    %dma_start3A_426 = tpu.memref_slice %arg10[%dma_start3A_424, %dma_start3A_425] : memref<128x128xf32, #tpu.memory_space<vmem>> -> memref<128x64xf32, #tpu.memory_space<vmem>>
    %dma_start3A_427 = arith.constant 0 : i32
    %dma_start3A_428 = tpu.memref_slice %arg6[%add3A_423, %dma_start3A_427] : memref<32768x128xf32, #tpu.memory_space<hbm>> -> memref<128x64xf32, #tpu.memory_space<hbm>>
    %dma_start3A_429 = arith.constant 0 : i32
    %dma_start3A_430 = tpu.memref_slice %arg6[%add3A_423, %dma_start3A_429] : memref<32768x128xf32, #tpu.memory_space<hbm>> -> memref<128x64xf32, #tpu.memory_space<hbm>>
    %dma_start3A_431 = arith.constant 0 : i32
    %dma_start3A_432 = arith.constant 0 : i32
    %dma_start3A_433 = tpu.memref_slice %arg10[%dma_start3A_431, %dma_start3A_432] : memref<128x128xf32, #tpu.memory_space<vmem>> -> memref<128x64xf32, #tpu.memory_space<vmem>>
    tpu.enqueue_dma source(%dma_start3A_433 : memref<128x64xf32, #tpu.memory_space<vmem>>) target(%dma_start3A_430 : memref<128x64xf32, #tpu.memory_space<hbm>>) target_semaphore(%arg18 : memref<!tpu.dma_semaphore, #tpu.memory_space<semaphore_mem>>)
    %dma_start3A_434 = arith.constant 0 : i32
    %dma_start3A_435 = arith.constant 0 : i32
    %dma_start3A_436 = tpu.memref_slice %arg11[%dma_start3A_434, %dma_start3A_435] : memref<128x128xf32, #tpu.memory_space<vmem>> -> memref<128x32xf32, #tpu.memory_space<vmem>>
    %dma_start3A_437 = arith.constant 64 : i32
    %dma_start3A_438 = tpu.memref_slice %arg6[%add3A_423, %dma_start3A_437] : memref<32768x128xf32, #tpu.memory_space<hbm>> -> memref<128x32xf32, #tpu.memory_space<hbm>>
    %dma_start3A_439 = arith.constant 64 : i32
    %dma_start3A_440 = tpu.memref_slice %arg6[%add3A_423, %dma_start3A_439] : memref<32768x128xf32, #tpu.memory_space<hbm>> -> memref<128x32xf32, #tpu.memory_space<hbm>>
    %dma_start3A_441 = arith.constant 0 : i32
    %dma_start3A_442 = arith.constant 0 : i32
    %dma_start3A_443 = tpu.memref_slice %arg11[%dma_start3A_441, %dma_start3A_442] : memref<128x128xf32, #tpu.memory_space<vmem>> -> memref<128x32xf32, #tpu.memory_space<vmem>>
    tpu.enqueue_dma source(%dma_start3A_443 : memref<128x32xf32, #tpu.memory_space<vmem>>) target(%dma_start3A_440 : memref<128x32xf32, #tpu.memory_space<hbm>>) target_semaphore(%arg18 : memref<!tpu.dma_semaphore, #tpu.memory_space<semaphore_mem>>)
    %dma_start3A_444 = arith.constant 0 : i32
    %dma_start3A_445 = arith.constant 0 : i32
    %dma_start3A_446 = tpu.memref_slice %arg12[%dma_start3A_444, %dma_start3A_445] : memref<128x128xf32, #tpu.memory_space<vmem>> -> memref<128x32xf32, #tpu.memory_space<vmem>>
    %dma_start3A_447 = arith.constant 96 : i32
    %dma_start3A_448 = tpu.memref_slice %arg6[%add3A_423, %dma_start3A_447] : memref<32768x128xf32, #tpu.memory_space<hbm>> -> memref<128x32xf32, #tpu.memory_space<hbm>>
    %dma_start3A_449 = arith.constant 96 : i32
    %dma_start3A_450 = tpu.memref_slice %arg6[%add3A_423, %dma_start3A_449] : memref<32768x128xf32, #tpu.memory_space<hbm>> -> memref<128x32xf32, #tpu.memory_space<hbm>>
    %dma_start3A_451 = arith.constant 0 : i32
    %dma_start3A_452 = arith.constant 0 : i32
    %dma_start3A_453 = tpu.memref_slice %arg12[%dma_start3A_451, %dma_start3A_452] : memref<128x128xf32, #tpu.memory_space<vmem>> -> memref<128x32xf32, #tpu.memory_space<vmem>>
    tpu.enqueue_dma source(%dma_start3A_453 : memref<128x32xf32, #tpu.memory_space<vmem>>) target(%dma_start3A_450 : memref<128x32xf32, #tpu.memory_space<hbm>>) target_semaphore(%arg18 : memref<!tpu.dma_semaphore, #tpu.memory_space<semaphore_mem>>)
    %dma_wait3A_454 = arith.constant 640 : i32
    %dma_wait3A_455 = tpu.memref_slice %arg7[%dma_wait3A_454] : memref<1024xi32, #tpu.memory_space<vmem>> -> memref<128xi32, #tpu.memory_space<vmem>>
    %dma_wait3A_456 = arith.constant 0 : i32
    %dma_wait3A_457 = arith.constant 0 : i32
    %dma_wait3A_458 = tpu.memref_slice %arg3[%dma_wait3A_456, %dma_wait3A_457] : memref<100002x128xf32, #tpu.memory_space<hbm>> -> memref<100002x128xf32, #tpu.memory_space<hbm>>
    tpu.wait_indirect_dma semaphore(%arg17 : memref<!tpu.dma_semaphore, #tpu.memory_space<semaphore_mem>>) src(%dma_wait3A_458 : memref<100002x128xf32, #tpu.memory_space<hbm>>) dst(%arg13 : memref<128x128xf32, #tpu.memory_space<vmem>>)
    %dma_wait3A_459 = arith.constant 640 : i32
    %dma_wait3A_460 = tpu.memref_slice %arg8[%dma_wait3A_459] : memref<1024xi32, #tpu.memory_space<vmem>> -> memref<128xi32, #tpu.memory_space<vmem>>
    %dma_wait3A_461 = arith.constant 0 : i32
    %dma_wait3A_462 = arith.constant 0 : i32
    %dma_wait3A_463 = tpu.memref_slice %arg4[%dma_wait3A_461, %dma_wait3A_462] : memref<171x128xf32, #tpu.memory_space<hbm>> -> memref<171x128xf32, #tpu.memory_space<hbm>>
    tpu.wait_indirect_dma semaphore(%arg17 : memref<!tpu.dma_semaphore, #tpu.memory_space<semaphore_mem>>) src(%dma_wait3A_463 : memref<171x128xf32, #tpu.memory_space<hbm>>) dst(%arg14 : memref<128x128xf32, #tpu.memory_space<vmem>>)
    %dma_wait3A_464 = arith.constant 640 : i32
    %dma_wait3A_465 = tpu.memref_slice %arg9[%dma_wait3A_464] : memref<1024xi32, #tpu.memory_space<vmem>> -> memref<128xi32, #tpu.memory_space<vmem>>
    %dma_wait3A_466 = arith.constant 0 : i32
    %dma_wait3A_467 = arith.constant 0 : i32
    %dma_wait3A_468 = tpu.memref_slice %arg5[%dma_wait3A_466, %dma_wait3A_467] : memref<10002x128xf32, #tpu.memory_space<hbm>> -> memref<10002x128xf32, #tpu.memory_space<hbm>>
    tpu.wait_indirect_dma semaphore(%arg17 : memref<!tpu.dma_semaphore, #tpu.memory_space<semaphore_mem>>) src(%dma_wait3A_468 : memref<10002x128xf32, #tpu.memory_space<hbm>>) dst(%arg15 : memref<128x128xf32, #tpu.memory_space<vmem>>)
    %dma_wait3A_469 = arith.constant 0 : i32
    %dma_wait3A_470 = arith.constant 0 : i32
    %dma_wait3A_471 = tpu.memref_slice %arg10[%dma_wait3A_469, %dma_wait3A_470] : memref<128x128xf32, #tpu.memory_space<vmem>> -> memref<128x64xf32, #tpu.memory_space<vmem>>
    %dma_wait3A_472 = arith.constant 0 : i32
    %dma_wait3A_473 = tpu.memref_slice %arg6[%add3A_423, %dma_wait3A_472] : memref<32768x128xf32, #tpu.memory_space<hbm>> -> memref<128x64xf32, #tpu.memory_space<hbm>>
    %dma_wait3A_474 = arith.constant 0 : i32
    %dma_wait3A_475 = tpu.memref_slice %arg6[%add3A_423, %dma_wait3A_474] : memref<32768x128xf32, #tpu.memory_space<hbm>> -> memref<128x64xf32, #tpu.memory_space<hbm>>
    %dma_wait3A_476 = arith.constant 0 : i32
    %dma_wait3A_477 = arith.constant 0 : i32
    %dma_wait3A_478 = tpu.memref_slice %arg10[%dma_wait3A_476, %dma_wait3A_477] : memref<128x128xf32, #tpu.memory_space<vmem>> -> memref<128x64xf32, #tpu.memory_space<vmem>>
    tpu.wait_dma2 semaphore(%arg18 : memref<!tpu.dma_semaphore, #tpu.memory_space<semaphore_mem>>) src(%dma_wait3A_478 : memref<128x64xf32, #tpu.memory_space<vmem>>) dst(%dma_wait3A_475 : memref<128x64xf32, #tpu.memory_space<hbm>>)
    %dma_wait3A_479 = arith.constant 0 : i32
    %dma_wait3A_480 = arith.constant 0 : i32
    %dma_wait3A_481 = tpu.memref_slice %arg11[%dma_wait3A_479, %dma_wait3A_480] : memref<128x128xf32, #tpu.memory_space<vmem>> -> memref<128x32xf32, #tpu.memory_space<vmem>>
    %dma_wait3A_482 = arith.constant 64 : i32
    %dma_wait3A_483 = tpu.memref_slice %arg6[%add3A_423, %dma_wait3A_482] : memref<32768x128xf32, #tpu.memory_space<hbm>> -> memref<128x32xf32, #tpu.memory_space<hbm>>
    %dma_wait3A_484 = arith.constant 64 : i32
    %dma_wait3A_485 = tpu.memref_slice %arg6[%add3A_423, %dma_wait3A_484] : memref<32768x128xf32, #tpu.memory_space<hbm>> -> memref<128x32xf32, #tpu.memory_space<hbm>>
    %dma_wait3A_486 = arith.constant 0 : i32
    %dma_wait3A_487 = arith.constant 0 : i32
    %dma_wait3A_488 = tpu.memref_slice %arg11[%dma_wait3A_486, %dma_wait3A_487] : memref<128x128xf32, #tpu.memory_space<vmem>> -> memref<128x32xf32, #tpu.memory_space<vmem>>
    tpu.wait_dma2 semaphore(%arg18 : memref<!tpu.dma_semaphore, #tpu.memory_space<semaphore_mem>>) src(%dma_wait3A_488 : memref<128x32xf32, #tpu.memory_space<vmem>>) dst(%dma_wait3A_485 : memref<128x32xf32, #tpu.memory_space<hbm>>)
    %dma_wait3A_489 = arith.constant 0 : i32
    %dma_wait3A_490 = arith.constant 0 : i32
    %dma_wait3A_491 = tpu.memref_slice %arg12[%dma_wait3A_489, %dma_wait3A_490] : memref<128x128xf32, #tpu.memory_space<vmem>> -> memref<128x32xf32, #tpu.memory_space<vmem>>
    %dma_wait3A_492 = arith.constant 96 : i32
    %dma_wait3A_493 = tpu.memref_slice %arg6[%add3A_423, %dma_wait3A_492] : memref<32768x128xf32, #tpu.memory_space<hbm>> -> memref<128x32xf32, #tpu.memory_space<hbm>>
    %dma_wait3A_494 = arith.constant 96 : i32
    %dma_wait3A_495 = tpu.memref_slice %arg6[%add3A_423, %dma_wait3A_494] : memref<32768x128xf32, #tpu.memory_space<hbm>> -> memref<128x32xf32, #tpu.memory_space<hbm>>
    %dma_wait3A_496 = arith.constant 0 : i32
    %dma_wait3A_497 = arith.constant 0 : i32
    %dma_wait3A_498 = tpu.memref_slice %arg12[%dma_wait3A_496, %dma_wait3A_497] : memref<128x128xf32, #tpu.memory_space<vmem>> -> memref<128x32xf32, #tpu.memory_space<vmem>>
    tpu.wait_dma2 semaphore(%arg18 : memref<!tpu.dma_semaphore, #tpu.memory_space<semaphore_mem>>) src(%dma_wait3A_498 : memref<128x32xf32, #tpu.memory_space<vmem>>) dst(%dma_wait3A_495 : memref<128x32xf32, #tpu.memory_space<hbm>>)
    %dma_start3A_499 = arith.constant 768 : i32
    %dma_start3A_500 = tpu.memref_slice %arg7[%dma_start3A_499] : memref<1024xi32, #tpu.memory_space<vmem>> -> memref<128xi32, #tpu.memory_space<vmem>>
    %dma_start3A_501 = arith.constant 0 : i32
    %dma_start3A_502 = arith.constant 0 : i32
    %dma_start3A_503 = tpu.memref_slice %arg3[%dma_start3A_501, %dma_start3A_502] : memref<100002x128xf32, #tpu.memory_space<hbm>> -> memref<100002x128xf32, #tpu.memory_space<hbm>>
    tpu.enqueue_indirect_dma source(%dma_start3A_503 : memref<100002x128xf32, #tpu.memory_space<hbm>>) target(%arg10 : memref<128x128xf32, #tpu.memory_space<vmem>>) offsets(%dma_start3A_500 : memref<128xi32, #tpu.memory_space<vmem>>) semaphore(%arg16 : memref<!tpu.dma_semaphore, #tpu.memory_space<semaphore_mem>>)
    %dma_start3A_504 = arith.constant 768 : i32
    %dma_start3A_505 = tpu.memref_slice %arg8[%dma_start3A_504] : memref<1024xi32, #tpu.memory_space<vmem>> -> memref<128xi32, #tpu.memory_space<vmem>>
    %dma_start3A_506 = arith.constant 0 : i32
    %dma_start3A_507 = arith.constant 0 : i32
    %dma_start3A_508 = tpu.memref_slice %arg4[%dma_start3A_506, %dma_start3A_507] : memref<171x128xf32, #tpu.memory_space<hbm>> -> memref<171x128xf32, #tpu.memory_space<hbm>>
    tpu.enqueue_indirect_dma source(%dma_start3A_508 : memref<171x128xf32, #tpu.memory_space<hbm>>) target(%arg11 : memref<128x128xf32, #tpu.memory_space<vmem>>) offsets(%dma_start3A_505 : memref<128xi32, #tpu.memory_space<vmem>>) semaphore(%arg16 : memref<!tpu.dma_semaphore, #tpu.memory_space<semaphore_mem>>)
    %dma_start3A_509 = arith.constant 768 : i32
    %dma_start3A_510 = tpu.memref_slice %arg9[%dma_start3A_509] : memref<1024xi32, #tpu.memory_space<vmem>> -> memref<128xi32, #tpu.memory_space<vmem>>
    %dma_start3A_511 = arith.constant 0 : i32
    %dma_start3A_512 = arith.constant 0 : i32
    %dma_start3A_513 = tpu.memref_slice %arg5[%dma_start3A_511, %dma_start3A_512] : memref<10002x128xf32, #tpu.memory_space<hbm>> -> memref<10002x128xf32, #tpu.memory_space<hbm>>
    tpu.enqueue_indirect_dma source(%dma_start3A_513 : memref<10002x128xf32, #tpu.memory_space<hbm>>) target(%arg12 : memref<128x128xf32, #tpu.memory_space<vmem>>) offsets(%dma_start3A_510 : memref<128xi32, #tpu.memory_space<vmem>>) semaphore(%arg16 : memref<!tpu.dma_semaphore, #tpu.memory_space<semaphore_mem>>)
    %add3A_514 = arith.constant 640 : i32
    %add3A_515 = arith.addi %mul3A_4, %add3A_514 : i32
    %dma_start3A_516 = arith.constant 0 : i32
    %dma_start3A_517 = arith.constant 0 : i32
    %dma_start3A_518 = tpu.memref_slice %arg13[%dma_start3A_516, %dma_start3A_517] : memref<128x128xf32, #tpu.memory_space<vmem>> -> memref<128x64xf32, #tpu.memory_space<vmem>>
    %dma_start3A_519 = arith.constant 0 : i32
    %dma_start3A_520 = tpu.memref_slice %arg6[%add3A_515, %dma_start3A_519] : memref<32768x128xf32, #tpu.memory_space<hbm>> -> memref<128x64xf32, #tpu.memory_space<hbm>>
    %dma_start3A_521 = arith.constant 0 : i32
    %dma_start3A_522 = tpu.memref_slice %arg6[%add3A_515, %dma_start3A_521] : memref<32768x128xf32, #tpu.memory_space<hbm>> -> memref<128x64xf32, #tpu.memory_space<hbm>>
    %dma_start3A_523 = arith.constant 0 : i32
    %dma_start3A_524 = arith.constant 0 : i32
    %dma_start3A_525 = tpu.memref_slice %arg13[%dma_start3A_523, %dma_start3A_524] : memref<128x128xf32, #tpu.memory_space<vmem>> -> memref<128x64xf32, #tpu.memory_space<vmem>>
    tpu.enqueue_dma source(%dma_start3A_525 : memref<128x64xf32, #tpu.memory_space<vmem>>) target(%dma_start3A_522 : memref<128x64xf32, #tpu.memory_space<hbm>>) target_semaphore(%arg19 : memref<!tpu.dma_semaphore, #tpu.memory_space<semaphore_mem>>)
    %dma_start3A_526 = arith.constant 0 : i32
    %dma_start3A_527 = arith.constant 0 : i32
    %dma_start3A_528 = tpu.memref_slice %arg14[%dma_start3A_526, %dma_start3A_527] : memref<128x128xf32, #tpu.memory_space<vmem>> -> memref<128x32xf32, #tpu.memory_space<vmem>>
    %dma_start3A_529 = arith.constant 64 : i32
    %dma_start3A_530 = tpu.memref_slice %arg6[%add3A_515, %dma_start3A_529] : memref<32768x128xf32, #tpu.memory_space<hbm>> -> memref<128x32xf32, #tpu.memory_space<hbm>>
    %dma_start3A_531 = arith.constant 64 : i32
    %dma_start3A_532 = tpu.memref_slice %arg6[%add3A_515, %dma_start3A_531] : memref<32768x128xf32, #tpu.memory_space<hbm>> -> memref<128x32xf32, #tpu.memory_space<hbm>>
    %dma_start3A_533 = arith.constant 0 : i32
    %dma_start3A_534 = arith.constant 0 : i32
    %dma_start3A_535 = tpu.memref_slice %arg14[%dma_start3A_533, %dma_start3A_534] : memref<128x128xf32, #tpu.memory_space<vmem>> -> memref<128x32xf32, #tpu.memory_space<vmem>>
    tpu.enqueue_dma source(%dma_start3A_535 : memref<128x32xf32, #tpu.memory_space<vmem>>) target(%dma_start3A_532 : memref<128x32xf32, #tpu.memory_space<hbm>>) target_semaphore(%arg19 : memref<!tpu.dma_semaphore, #tpu.memory_space<semaphore_mem>>)
    %dma_start3A_536 = arith.constant 0 : i32
    %dma_start3A_537 = arith.constant 0 : i32
    %dma_start3A_538 = tpu.memref_slice %arg15[%dma_start3A_536, %dma_start3A_537] : memref<128x128xf32, #tpu.memory_space<vmem>> -> memref<128x32xf32, #tpu.memory_space<vmem>>
    %dma_start3A_539 = arith.constant 96 : i32
    %dma_start3A_540 = tpu.memref_slice %arg6[%add3A_515, %dma_start3A_539] : memref<32768x128xf32, #tpu.memory_space<hbm>> -> memref<128x32xf32, #tpu.memory_space<hbm>>
    %dma_start3A_541 = arith.constant 96 : i32
    %dma_start3A_542 = tpu.memref_slice %arg6[%add3A_515, %dma_start3A_541] : memref<32768x128xf32, #tpu.memory_space<hbm>> -> memref<128x32xf32, #tpu.memory_space<hbm>>
    %dma_start3A_543 = arith.constant 0 : i32
    %dma_start3A_544 = arith.constant 0 : i32
    %dma_start3A_545 = tpu.memref_slice %arg15[%dma_start3A_543, %dma_start3A_544] : memref<128x128xf32, #tpu.memory_space<vmem>> -> memref<128x32xf32, #tpu.memory_space<vmem>>
    tpu.enqueue_dma source(%dma_start3A_545 : memref<128x32xf32, #tpu.memory_space<vmem>>) target(%dma_start3A_542 : memref<128x32xf32, #tpu.memory_space<hbm>>) target_semaphore(%arg19 : memref<!tpu.dma_semaphore, #tpu.memory_space<semaphore_mem>>)
    %dma_wait3A_546 = arith.constant 768 : i32
    %dma_wait3A_547 = tpu.memref_slice %arg7[%dma_wait3A_546] : memref<1024xi32, #tpu.memory_space<vmem>> -> memref<128xi32, #tpu.memory_space<vmem>>
    %dma_wait3A_548 = arith.constant 0 : i32
    %dma_wait3A_549 = arith.constant 0 : i32
    %dma_wait3A_550 = tpu.memref_slice %arg3[%dma_wait3A_548, %dma_wait3A_549] : memref<100002x128xf32, #tpu.memory_space<hbm>> -> memref<100002x128xf32, #tpu.memory_space<hbm>>
    tpu.wait_indirect_dma semaphore(%arg16 : memref<!tpu.dma_semaphore, #tpu.memory_space<semaphore_mem>>) src(%dma_wait3A_550 : memref<100002x128xf32, #tpu.memory_space<hbm>>) dst(%arg10 : memref<128x128xf32, #tpu.memory_space<vmem>>)
    %dma_wait3A_551 = arith.constant 768 : i32
    %dma_wait3A_552 = tpu.memref_slice %arg8[%dma_wait3A_551] : memref<1024xi32, #tpu.memory_space<vmem>> -> memref<128xi32, #tpu.memory_space<vmem>>
    %dma_wait3A_553 = arith.constant 0 : i32
    %dma_wait3A_554 = arith.constant 0 : i32
    %dma_wait3A_555 = tpu.memref_slice %arg4[%dma_wait3A_553, %dma_wait3A_554] : memref<171x128xf32, #tpu.memory_space<hbm>> -> memref<171x128xf32, #tpu.memory_space<hbm>>
    tpu.wait_indirect_dma semaphore(%arg16 : memref<!tpu.dma_semaphore, #tpu.memory_space<semaphore_mem>>) src(%dma_wait3A_555 : memref<171x128xf32, #tpu.memory_space<hbm>>) dst(%arg11 : memref<128x128xf32, #tpu.memory_space<vmem>>)
    %dma_wait3A_556 = arith.constant 768 : i32
    %dma_wait3A_557 = tpu.memref_slice %arg9[%dma_wait3A_556] : memref<1024xi32, #tpu.memory_space<vmem>> -> memref<128xi32, #tpu.memory_space<vmem>>
    %dma_wait3A_558 = arith.constant 0 : i32
    %dma_wait3A_559 = arith.constant 0 : i32
    %dma_wait3A_560 = tpu.memref_slice %arg5[%dma_wait3A_558, %dma_wait3A_559] : memref<10002x128xf32, #tpu.memory_space<hbm>> -> memref<10002x128xf32, #tpu.memory_space<hbm>>
    tpu.wait_indirect_dma semaphore(%arg16 : memref<!tpu.dma_semaphore, #tpu.memory_space<semaphore_mem>>) src(%dma_wait3A_560 : memref<10002x128xf32, #tpu.memory_space<hbm>>) dst(%arg12 : memref<128x128xf32, #tpu.memory_space<vmem>>)
    %dma_wait3A_561 = arith.constant 0 : i32
    %dma_wait3A_562 = arith.constant 0 : i32
    %dma_wait3A_563 = tpu.memref_slice %arg13[%dma_wait3A_561, %dma_wait3A_562] : memref<128x128xf32, #tpu.memory_space<vmem>> -> memref<128x64xf32, #tpu.memory_space<vmem>>
    %dma_wait3A_564 = arith.constant 0 : i32
    %dma_wait3A_565 = tpu.memref_slice %arg6[%add3A_515, %dma_wait3A_564] : memref<32768x128xf32, #tpu.memory_space<hbm>> -> memref<128x64xf32, #tpu.memory_space<hbm>>
    %dma_wait3A_566 = arith.constant 0 : i32
    %dma_wait3A_567 = tpu.memref_slice %arg6[%add3A_515, %dma_wait3A_566] : memref<32768x128xf32, #tpu.memory_space<hbm>> -> memref<128x64xf32, #tpu.memory_space<hbm>>
    %dma_wait3A_568 = arith.constant 0 : i32
    %dma_wait3A_569 = arith.constant 0 : i32
    %dma_wait3A_570 = tpu.memref_slice %arg13[%dma_wait3A_568, %dma_wait3A_569] : memref<128x128xf32, #tpu.memory_space<vmem>> -> memref<128x64xf32, #tpu.memory_space<vmem>>
    tpu.wait_dma2 semaphore(%arg19 : memref<!tpu.dma_semaphore, #tpu.memory_space<semaphore_mem>>) src(%dma_wait3A_570 : memref<128x64xf32, #tpu.memory_space<vmem>>) dst(%dma_wait3A_567 : memref<128x64xf32, #tpu.memory_space<hbm>>)
    %dma_wait3A_571 = arith.constant 0 : i32
    %dma_wait3A_572 = arith.constant 0 : i32
    %dma_wait3A_573 = tpu.memref_slice %arg14[%dma_wait3A_571, %dma_wait3A_572] : memref<128x128xf32, #tpu.memory_space<vmem>> -> memref<128x32xf32, #tpu.memory_space<vmem>>
    %dma_wait3A_574 = arith.constant 64 : i32
    %dma_wait3A_575 = tpu.memref_slice %arg6[%add3A_515, %dma_wait3A_574] : memref<32768x128xf32, #tpu.memory_space<hbm>> -> memref<128x32xf32, #tpu.memory_space<hbm>>
    %dma_wait3A_576 = arith.constant 64 : i32
    %dma_wait3A_577 = tpu.memref_slice %arg6[%add3A_515, %dma_wait3A_576] : memref<32768x128xf32, #tpu.memory_space<hbm>> -> memref<128x32xf32, #tpu.memory_space<hbm>>
    %dma_wait3A_578 = arith.constant 0 : i32
    %dma_wait3A_579 = arith.constant 0 : i32
    %dma_wait3A_580 = tpu.memref_slice %arg14[%dma_wait3A_578, %dma_wait3A_579] : memref<128x128xf32, #tpu.memory_space<vmem>> -> memref<128x32xf32, #tpu.memory_space<vmem>>
    tpu.wait_dma2 semaphore(%arg19 : memref<!tpu.dma_semaphore, #tpu.memory_space<semaphore_mem>>) src(%dma_wait3A_580 : memref<128x32xf32, #tpu.memory_space<vmem>>) dst(%dma_wait3A_577 : memref<128x32xf32, #tpu.memory_space<hbm>>)
    %dma_wait3A_581 = arith.constant 0 : i32
    %dma_wait3A_582 = arith.constant 0 : i32
    %dma_wait3A_583 = tpu.memref_slice %arg15[%dma_wait3A_581, %dma_wait3A_582] : memref<128x128xf32, #tpu.memory_space<vmem>> -> memref<128x32xf32, #tpu.memory_space<vmem>>
    %dma_wait3A_584 = arith.constant 96 : i32
    %dma_wait3A_585 = tpu.memref_slice %arg6[%add3A_515, %dma_wait3A_584] : memref<32768x128xf32, #tpu.memory_space<hbm>> -> memref<128x32xf32, #tpu.memory_space<hbm>>
    %dma_wait3A_586 = arith.constant 96 : i32
    %dma_wait3A_587 = tpu.memref_slice %arg6[%add3A_515, %dma_wait3A_586] : memref<32768x128xf32, #tpu.memory_space<hbm>> -> memref<128x32xf32, #tpu.memory_space<hbm>>
    %dma_wait3A_588 = arith.constant 0 : i32
    %dma_wait3A_589 = arith.constant 0 : i32
    %dma_wait3A_590 = tpu.memref_slice %arg15[%dma_wait3A_588, %dma_wait3A_589] : memref<128x128xf32, #tpu.memory_space<vmem>> -> memref<128x32xf32, #tpu.memory_space<vmem>>
    tpu.wait_dma2 semaphore(%arg19 : memref<!tpu.dma_semaphore, #tpu.memory_space<semaphore_mem>>) src(%dma_wait3A_590 : memref<128x32xf32, #tpu.memory_space<vmem>>) dst(%dma_wait3A_587 : memref<128x32xf32, #tpu.memory_space<hbm>>)
    %dma_start3A_591 = arith.constant 896 : i32
    %dma_start3A_592 = tpu.memref_slice %arg7[%dma_start3A_591] : memref<1024xi32, #tpu.memory_space<vmem>> -> memref<128xi32, #tpu.memory_space<vmem>>
    %dma_start3A_593 = arith.constant 0 : i32
    %dma_start3A_594 = arith.constant 0 : i32
    %dma_start3A_595 = tpu.memref_slice %arg3[%dma_start3A_593, %dma_start3A_594] : memref<100002x128xf32, #tpu.memory_space<hbm>> -> memref<100002x128xf32, #tpu.memory_space<hbm>>
    tpu.enqueue_indirect_dma source(%dma_start3A_595 : memref<100002x128xf32, #tpu.memory_space<hbm>>) target(%arg13 : memref<128x128xf32, #tpu.memory_space<vmem>>) offsets(%dma_start3A_592 : memref<128xi32, #tpu.memory_space<vmem>>) semaphore(%arg17 : memref<!tpu.dma_semaphore, #tpu.memory_space<semaphore_mem>>)
    %dma_start3A_596 = arith.constant 896 : i32
    %dma_start3A_597 = tpu.memref_slice %arg8[%dma_start3A_596] : memref<1024xi32, #tpu.memory_space<vmem>> -> memref<128xi32, #tpu.memory_space<vmem>>
    %dma_start3A_598 = arith.constant 0 : i32
    %dma_start3A_599 = arith.constant 0 : i32
    %dma_start3A_600 = tpu.memref_slice %arg4[%dma_start3A_598, %dma_start3A_599] : memref<171x128xf32, #tpu.memory_space<hbm>> -> memref<171x128xf32, #tpu.memory_space<hbm>>
    tpu.enqueue_indirect_dma source(%dma_start3A_600 : memref<171x128xf32, #tpu.memory_space<hbm>>) target(%arg14 : memref<128x128xf32, #tpu.memory_space<vmem>>) offsets(%dma_start3A_597 : memref<128xi32, #tpu.memory_space<vmem>>) semaphore(%arg17 : memref<!tpu.dma_semaphore, #tpu.memory_space<semaphore_mem>>)
    %dma_start3A_601 = arith.constant 896 : i32
    %dma_start3A_602 = tpu.memref_slice %arg9[%dma_start3A_601] : memref<1024xi32, #tpu.memory_space<vmem>> -> memref<128xi32, #tpu.memory_space<vmem>>
    %dma_start3A_603 = arith.constant 0 : i32
    %dma_start3A_604 = arith.constant 0 : i32
    %dma_start3A_605 = tpu.memref_slice %arg5[%dma_start3A_603, %dma_start3A_604] : memref<10002x128xf32, #tpu.memory_space<hbm>> -> memref<10002x128xf32, #tpu.memory_space<hbm>>
    tpu.enqueue_indirect_dma source(%dma_start3A_605 : memref<10002x128xf32, #tpu.memory_space<hbm>>) target(%arg15 : memref<128x128xf32, #tpu.memory_space<vmem>>) offsets(%dma_start3A_602 : memref<128xi32, #tpu.memory_space<vmem>>) semaphore(%arg17 : memref<!tpu.dma_semaphore, #tpu.memory_space<semaphore_mem>>)
    %add3A_606 = arith.constant 768 : i32
    %add3A_607 = arith.addi %mul3A_4, %add3A_606 : i32
    %dma_start3A_608 = arith.constant 0 : i32
    %dma_start3A_609 = arith.constant 0 : i32
    %dma_start3A_610 = tpu.memref_slice %arg10[%dma_start3A_608, %dma_start3A_609] : memref<128x128xf32, #tpu.memory_space<vmem>> -> memref<128x64xf32, #tpu.memory_space<vmem>>
    %dma_start3A_611 = arith.constant 0 : i32
    %dma_start3A_612 = tpu.memref_slice %arg6[%add3A_607, %dma_start3A_611] : memref<32768x128xf32, #tpu.memory_space<hbm>> -> memref<128x64xf32, #tpu.memory_space<hbm>>
    %dma_start3A_613 = arith.constant 0 : i32
    %dma_start3A_614 = tpu.memref_slice %arg6[%add3A_607, %dma_start3A_613] : memref<32768x128xf32, #tpu.memory_space<hbm>> -> memref<128x64xf32, #tpu.memory_space<hbm>>
    %dma_start3A_615 = arith.constant 0 : i32
    %dma_start3A_616 = arith.constant 0 : i32
    %dma_start3A_617 = tpu.memref_slice %arg10[%dma_start3A_615, %dma_start3A_616] : memref<128x128xf32, #tpu.memory_space<vmem>> -> memref<128x64xf32, #tpu.memory_space<vmem>>
    tpu.enqueue_dma source(%dma_start3A_617 : memref<128x64xf32, #tpu.memory_space<vmem>>) target(%dma_start3A_614 : memref<128x64xf32, #tpu.memory_space<hbm>>) target_semaphore(%arg18 : memref<!tpu.dma_semaphore, #tpu.memory_space<semaphore_mem>>)
    %dma_start3A_618 = arith.constant 0 : i32
    %dma_start3A_619 = arith.constant 0 : i32
    %dma_start3A_620 = tpu.memref_slice %arg11[%dma_start3A_618, %dma_start3A_619] : memref<128x128xf32, #tpu.memory_space<vmem>> -> memref<128x32xf32, #tpu.memory_space<vmem>>
    %dma_start3A_621 = arith.constant 64 : i32
    %dma_start3A_622 = tpu.memref_slice %arg6[%add3A_607, %dma_start3A_621] : memref<32768x128xf32, #tpu.memory_space<hbm>> -> memref<128x32xf32, #tpu.memory_space<hbm>>
    %dma_start3A_623 = arith.constant 64 : i32
    %dma_start3A_624 = tpu.memref_slice %arg6[%add3A_607, %dma_start3A_623] : memref<32768x128xf32, #tpu.memory_space<hbm>> -> memref<128x32xf32, #tpu.memory_space<hbm>>
    %dma_start3A_625 = arith.constant 0 : i32
    %dma_start3A_626 = arith.constant 0 : i32
    %dma_start3A_627 = tpu.memref_slice %arg11[%dma_start3A_625, %dma_start3A_626] : memref<128x128xf32, #tpu.memory_space<vmem>> -> memref<128x32xf32, #tpu.memory_space<vmem>>
    tpu.enqueue_dma source(%dma_start3A_627 : memref<128x32xf32, #tpu.memory_space<vmem>>) target(%dma_start3A_624 : memref<128x32xf32, #tpu.memory_space<hbm>>) target_semaphore(%arg18 : memref<!tpu.dma_semaphore, #tpu.memory_space<semaphore_mem>>)
    %dma_start3A_628 = arith.constant 0 : i32
    %dma_start3A_629 = arith.constant 0 : i32
    %dma_start3A_630 = tpu.memref_slice %arg12[%dma_start3A_628, %dma_start3A_629] : memref<128x128xf32, #tpu.memory_space<vmem>> -> memref<128x32xf32, #tpu.memory_space<vmem>>
    %dma_start3A_631 = arith.constant 96 : i32
    %dma_start3A_632 = tpu.memref_slice %arg6[%add3A_607, %dma_start3A_631] : memref<32768x128xf32, #tpu.memory_space<hbm>> -> memref<128x32xf32, #tpu.memory_space<hbm>>
    %dma_start3A_633 = arith.constant 96 : i32
    %dma_start3A_634 = tpu.memref_slice %arg6[%add3A_607, %dma_start3A_633] : memref<32768x128xf32, #tpu.memory_space<hbm>> -> memref<128x32xf32, #tpu.memory_space<hbm>>
    %dma_start3A_635 = arith.constant 0 : i32
    %dma_start3A_636 = arith.constant 0 : i32
    %dma_start3A_637 = tpu.memref_slice %arg12[%dma_start3A_635, %dma_start3A_636] : memref<128x128xf32, #tpu.memory_space<vmem>> -> memref<128x32xf32, #tpu.memory_space<vmem>>
    tpu.enqueue_dma source(%dma_start3A_637 : memref<128x32xf32, #tpu.memory_space<vmem>>) target(%dma_start3A_634 : memref<128x32xf32, #tpu.memory_space<hbm>>) target_semaphore(%arg18 : memref<!tpu.dma_semaphore, #tpu.memory_space<semaphore_mem>>)
    %dma_wait3A_638 = arith.constant 896 : i32
    %dma_wait3A_639 = tpu.memref_slice %arg7[%dma_wait3A_638] : memref<1024xi32, #tpu.memory_space<vmem>> -> memref<128xi32, #tpu.memory_space<vmem>>
    %dma_wait3A_640 = arith.constant 0 : i32
    %dma_wait3A_641 = arith.constant 0 : i32
    %dma_wait3A_642 = tpu.memref_slice %arg3[%dma_wait3A_640, %dma_wait3A_641] : memref<100002x128xf32, #tpu.memory_space<hbm>> -> memref<100002x128xf32, #tpu.memory_space<hbm>>
    tpu.wait_indirect_dma semaphore(%arg17 : memref<!tpu.dma_semaphore, #tpu.memory_space<semaphore_mem>>) src(%dma_wait3A_642 : memref<100002x128xf32, #tpu.memory_space<hbm>>) dst(%arg13 : memref<128x128xf32, #tpu.memory_space<vmem>>)
    %dma_wait3A_643 = arith.constant 896 : i32
    %dma_wait3A_644 = tpu.memref_slice %arg8[%dma_wait3A_643] : memref<1024xi32, #tpu.memory_space<vmem>> -> memref<128xi32, #tpu.memory_space<vmem>>
    %dma_wait3A_645 = arith.constant 0 : i32
    %dma_wait3A_646 = arith.constant 0 : i32
    %dma_wait3A_647 = tpu.memref_slice %arg4[%dma_wait3A_645, %dma_wait3A_646] : memref<171x128xf32, #tpu.memory_space<hbm>> -> memref<171x128xf32, #tpu.memory_space<hbm>>
    tpu.wait_indirect_dma semaphore(%arg17 : memref<!tpu.dma_semaphore, #tpu.memory_space<semaphore_mem>>) src(%dma_wait3A_647 : memref<171x128xf32, #tpu.memory_space<hbm>>) dst(%arg14 : memref<128x128xf32, #tpu.memory_space<vmem>>)
    %dma_wait3A_648 = arith.constant 896 : i32
    %dma_wait3A_649 = tpu.memref_slice %arg9[%dma_wait3A_648] : memref<1024xi32, #tpu.memory_space<vmem>> -> memref<128xi32, #tpu.memory_space<vmem>>
    %dma_wait3A_650 = arith.constant 0 : i32
    %dma_wait3A_651 = arith.constant 0 : i32
    %dma_wait3A_652 = tpu.memref_slice %arg5[%dma_wait3A_650, %dma_wait3A_651] : memref<10002x128xf32, #tpu.memory_space<hbm>> -> memref<10002x128xf32, #tpu.memory_space<hbm>>
    tpu.wait_indirect_dma semaphore(%arg17 : memref<!tpu.dma_semaphore, #tpu.memory_space<semaphore_mem>>) src(%dma_wait3A_652 : memref<10002x128xf32, #tpu.memory_space<hbm>>) dst(%arg15 : memref<128x128xf32, #tpu.memory_space<vmem>>)
    %add3A_653 = arith.constant 896 : i32
    %add3A_654 = arith.addi %mul3A_4, %add3A_653 : i32
    %dma_start3A_655 = arith.constant 0 : i32
    %dma_start3A_656 = arith.constant 0 : i32
    %dma_start3A_657 = tpu.memref_slice %arg13[%dma_start3A_655, %dma_start3A_656] : memref<128x128xf32, #tpu.memory_space<vmem>> -> memref<128x64xf32, #tpu.memory_space<vmem>>
    %dma_start3A_658 = arith.constant 0 : i32
    %dma_start3A_659 = tpu.memref_slice %arg6[%add3A_654, %dma_start3A_658] : memref<32768x128xf32, #tpu.memory_space<hbm>> -> memref<128x64xf32, #tpu.memory_space<hbm>>
    %dma_start3A_660 = arith.constant 0 : i32
    %dma_start3A_661 = tpu.memref_slice %arg6[%add3A_654, %dma_start3A_660] : memref<32768x128xf32, #tpu.memory_space<hbm>> -> memref<128x64xf32, #tpu.memory_space<hbm>>
    %dma_start3A_662 = arith.constant 0 : i32
    %dma_start3A_663 = arith.constant 0 : i32
    %dma_start3A_664 = tpu.memref_slice %arg13[%dma_start3A_662, %dma_start3A_663] : memref<128x128xf32, #tpu.memory_space<vmem>> -> memref<128x64xf32, #tpu.memory_space<vmem>>
    tpu.enqueue_dma source(%dma_start3A_664 : memref<128x64xf32, #tpu.memory_space<vmem>>) target(%dma_start3A_661 : memref<128x64xf32, #tpu.memory_space<hbm>>) target_semaphore(%arg19 : memref<!tpu.dma_semaphore, #tpu.memory_space<semaphore_mem>>)
    %dma_start3A_665 = arith.constant 0 : i32
    %dma_start3A_666 = arith.constant 0 : i32
    %dma_start3A_667 = tpu.memref_slice %arg14[%dma_start3A_665, %dma_start3A_666] : memref<128x128xf32, #tpu.memory_space<vmem>> -> memref<128x32xf32, #tpu.memory_space<vmem>>
    %dma_start3A_668 = arith.constant 64 : i32
    %dma_start3A_669 = tpu.memref_slice %arg6[%add3A_654, %dma_start3A_668] : memref<32768x128xf32, #tpu.memory_space<hbm>> -> memref<128x32xf32, #tpu.memory_space<hbm>>
    %dma_start3A_670 = arith.constant 64 : i32
    %dma_start3A_671 = tpu.memref_slice %arg6[%add3A_654, %dma_start3A_670] : memref<32768x128xf32, #tpu.memory_space<hbm>> -> memref<128x32xf32, #tpu.memory_space<hbm>>
    %dma_start3A_672 = arith.constant 0 : i32
    %dma_start3A_673 = arith.constant 0 : i32
    %dma_start3A_674 = tpu.memref_slice %arg14[%dma_start3A_672, %dma_start3A_673] : memref<128x128xf32, #tpu.memory_space<vmem>> -> memref<128x32xf32, #tpu.memory_space<vmem>>
    tpu.enqueue_dma source(%dma_start3A_674 : memref<128x32xf32, #tpu.memory_space<vmem>>) target(%dma_start3A_671 : memref<128x32xf32, #tpu.memory_space<hbm>>) target_semaphore(%arg19 : memref<!tpu.dma_semaphore, #tpu.memory_space<semaphore_mem>>)
    %dma_start3A_675 = arith.constant 0 : i32
    %dma_start3A_676 = arith.constant 0 : i32
    %dma_start3A_677 = tpu.memref_slice %arg15[%dma_start3A_675, %dma_start3A_676] : memref<128x128xf32, #tpu.memory_space<vmem>> -> memref<128x32xf32, #tpu.memory_space<vmem>>
    %dma_start3A_678 = arith.constant 96 : i32
    %dma_start3A_679 = tpu.memref_slice %arg6[%add3A_654, %dma_start3A_678] : memref<32768x128xf32, #tpu.memory_space<hbm>> -> memref<128x32xf32, #tpu.memory_space<hbm>>
    %dma_start3A_680 = arith.constant 96 : i32
    %dma_start3A_681 = tpu.memref_slice %arg6[%add3A_654, %dma_start3A_680] : memref<32768x128xf32, #tpu.memory_space<hbm>> -> memref<128x32xf32, #tpu.memory_space<hbm>>
    %dma_start3A_682 = arith.constant 0 : i32
    %dma_start3A_683 = arith.constant 0 : i32
    %dma_start3A_684 = tpu.memref_slice %arg15[%dma_start3A_682, %dma_start3A_683] : memref<128x128xf32, #tpu.memory_space<vmem>> -> memref<128x32xf32, #tpu.memory_space<vmem>>
    tpu.enqueue_dma source(%dma_start3A_684 : memref<128x32xf32, #tpu.memory_space<vmem>>) target(%dma_start3A_681 : memref<128x32xf32, #tpu.memory_space<hbm>>) target_semaphore(%arg19 : memref<!tpu.dma_semaphore, #tpu.memory_space<semaphore_mem>>)
    %dma_wait3A_685 = arith.constant 0 : i32
    %dma_wait3A_686 = arith.constant 0 : i32
    %dma_wait3A_687 = tpu.memref_slice %arg10[%dma_wait3A_685, %dma_wait3A_686] : memref<128x128xf32, #tpu.memory_space<vmem>> -> memref<128x64xf32, #tpu.memory_space<vmem>>
    %dma_wait3A_688 = arith.constant 0 : i32
    %dma_wait3A_689 = tpu.memref_slice %arg6[%add3A_607, %dma_wait3A_688] : memref<32768x128xf32, #tpu.memory_space<hbm>> -> memref<128x64xf32, #tpu.memory_space<hbm>>
    %dma_wait3A_690 = arith.constant 0 : i32
    %dma_wait3A_691 = tpu.memref_slice %arg6[%add3A_607, %dma_wait3A_690] : memref<32768x128xf32, #tpu.memory_space<hbm>> -> memref<128x64xf32, #tpu.memory_space<hbm>>
    %dma_wait3A_692 = arith.constant 0 : i32
    %dma_wait3A_693 = arith.constant 0 : i32
    %dma_wait3A_694 = tpu.memref_slice %arg10[%dma_wait3A_692, %dma_wait3A_693] : memref<128x128xf32, #tpu.memory_space<vmem>> -> memref<128x64xf32, #tpu.memory_space<vmem>>
    tpu.wait_dma2 semaphore(%arg18 : memref<!tpu.dma_semaphore, #tpu.memory_space<semaphore_mem>>) src(%dma_wait3A_694 : memref<128x64xf32, #tpu.memory_space<vmem>>) dst(%dma_wait3A_691 : memref<128x64xf32, #tpu.memory_space<hbm>>)
    %dma_wait3A_695 = arith.constant 0 : i32
    %dma_wait3A_696 = arith.constant 0 : i32
    %dma_wait3A_697 = tpu.memref_slice %arg11[%dma_wait3A_695, %dma_wait3A_696] : memref<128x128xf32, #tpu.memory_space<vmem>> -> memref<128x32xf32, #tpu.memory_space<vmem>>
    %dma_wait3A_698 = arith.constant 64 : i32
    %dma_wait3A_699 = tpu.memref_slice %arg6[%add3A_607, %dma_wait3A_698] : memref<32768x128xf32, #tpu.memory_space<hbm>> -> memref<128x32xf32, #tpu.memory_space<hbm>>
    %dma_wait3A_700 = arith.constant 64 : i32
    %dma_wait3A_701 = tpu.memref_slice %arg6[%add3A_607, %dma_wait3A_700] : memref<32768x128xf32, #tpu.memory_space<hbm>> -> memref<128x32xf32, #tpu.memory_space<hbm>>
    %dma_wait3A_702 = arith.constant 0 : i32
    %dma_wait3A_703 = arith.constant 0 : i32
    %dma_wait3A_704 = tpu.memref_slice %arg11[%dma_wait3A_702, %dma_wait3A_703] : memref<128x128xf32, #tpu.memory_space<vmem>> -> memref<128x32xf32, #tpu.memory_space<vmem>>
    tpu.wait_dma2 semaphore(%arg18 : memref<!tpu.dma_semaphore, #tpu.memory_space<semaphore_mem>>) src(%dma_wait3A_704 : memref<128x32xf32, #tpu.memory_space<vmem>>) dst(%dma_wait3A_701 : memref<128x32xf32, #tpu.memory_space<hbm>>)
    %dma_wait3A_705 = arith.constant 0 : i32
    %dma_wait3A_706 = arith.constant 0 : i32
    %dma_wait3A_707 = tpu.memref_slice %arg12[%dma_wait3A_705, %dma_wait3A_706] : memref<128x128xf32, #tpu.memory_space<vmem>> -> memref<128x32xf32, #tpu.memory_space<vmem>>
    %dma_wait3A_708 = arith.constant 96 : i32
    %dma_wait3A_709 = tpu.memref_slice %arg6[%add3A_607, %dma_wait3A_708] : memref<32768x128xf32, #tpu.memory_space<hbm>> -> memref<128x32xf32, #tpu.memory_space<hbm>>
    %dma_wait3A_710 = arith.constant 96 : i32
    %dma_wait3A_711 = tpu.memref_slice %arg6[%add3A_607, %dma_wait3A_710] : memref<32768x128xf32, #tpu.memory_space<hbm>> -> memref<128x32xf32, #tpu.memory_space<hbm>>
    %dma_wait3A_712 = arith.constant 0 : i32
    %dma_wait3A_713 = arith.constant 0 : i32
    %dma_wait3A_714 = tpu.memref_slice %arg12[%dma_wait3A_712, %dma_wait3A_713] : memref<128x128xf32, #tpu.memory_space<vmem>> -> memref<128x32xf32, #tpu.memory_space<vmem>>
    tpu.wait_dma2 semaphore(%arg18 : memref<!tpu.dma_semaphore, #tpu.memory_space<semaphore_mem>>) src(%dma_wait3A_714 : memref<128x32xf32, #tpu.memory_space<vmem>>) dst(%dma_wait3A_711 : memref<128x32xf32, #tpu.memory_space<hbm>>)
    %dma_wait3A_715 = arith.constant 0 : i32
    %dma_wait3A_716 = arith.constant 0 : i32
    %dma_wait3A_717 = tpu.memref_slice %arg13[%dma_wait3A_715, %dma_wait3A_716] : memref<128x128xf32, #tpu.memory_space<vmem>> -> memref<128x64xf32, #tpu.memory_space<vmem>>
    %dma_wait3A_718 = arith.constant 0 : i32
    %dma_wait3A_719 = tpu.memref_slice %arg6[%add3A_654, %dma_wait3A_718] : memref<32768x128xf32, #tpu.memory_space<hbm>> -> memref<128x64xf32, #tpu.memory_space<hbm>>
    %dma_wait3A_720 = arith.constant 0 : i32
    %dma_wait3A_721 = tpu.memref_slice %arg6[%add3A_654, %dma_wait3A_720] : memref<32768x128xf32, #tpu.memory_space<hbm>> -> memref<128x64xf32, #tpu.memory_space<hbm>>
    %dma_wait3A_722 = arith.constant 0 : i32
    %dma_wait3A_723 = arith.constant 0 : i32
    %dma_wait3A_724 = tpu.memref_slice %arg13[%dma_wait3A_722, %dma_wait3A_723] : memref<128x128xf32, #tpu.memory_space<vmem>> -> memref<128x64xf32, #tpu.memory_space<vmem>>
    tpu.wait_dma2 semaphore(%arg19 : memref<!tpu.dma_semaphore, #tpu.memory_space<semaphore_mem>>) src(%dma_wait3A_724 : memref<128x64xf32, #tpu.memory_space<vmem>>) dst(%dma_wait3A_721 : memref<128x64xf32, #tpu.memory_space<hbm>>)
    %dma_wait3A_725 = arith.constant 0 : i32
    %dma_wait3A_726 = arith.constant 0 : i32
    %dma_wait3A_727 = tpu.memref_slice %arg14[%dma_wait3A_725, %dma_wait3A_726] : memref<128x128xf32, #tpu.memory_space<vmem>> -> memref<128x32xf32, #tpu.memory_space<vmem>>
    %dma_wait3A_728 = arith.constant 64 : i32
    %dma_wait3A_729 = tpu.memref_slice %arg6[%add3A_654, %dma_wait3A_728] : memref<32768x128xf32, #tpu.memory_space<hbm>> -> memref<128x32xf32, #tpu.memory_space<hbm>>
    %dma_wait3A_730 = arith.constant 64 : i32
    %dma_wait3A_731 = tpu.memref_slice %arg6[%add3A_654, %dma_wait3A_730] : memref<32768x128xf32, #tpu.memory_space<hbm>> -> memref<128x32xf32, #tpu.memory_space<hbm>>
    %dma_wait3A_732 = arith.constant 0 : i32
    %dma_wait3A_733 = arith.constant 0 : i32
    %dma_wait3A_734 = tpu.memref_slice %arg14[%dma_wait3A_732, %dma_wait3A_733] : memref<128x128xf32, #tpu.memory_space<vmem>> -> memref<128x32xf32, #tpu.memory_space<vmem>>
    tpu.wait_dma2 semaphore(%arg19 : memref<!tpu.dma_semaphore, #tpu.memory_space<semaphore_mem>>) src(%dma_wait3A_734 : memref<128x32xf32, #tpu.memory_space<vmem>>) dst(%dma_wait3A_731 : memref<128x32xf32, #tpu.memory_space<hbm>>)
    %dma_wait3A_735 = arith.constant 0 : i32
    %dma_wait3A_736 = arith.constant 0 : i32
    %dma_wait3A_737 = tpu.memref_slice %arg15[%dma_wait3A_735, %dma_wait3A_736] : memref<128x128xf32, #tpu.memory_space<vmem>> -> memref<128x32xf32, #tpu.memory_space<vmem>>
    %dma_wait3A_738 = arith.constant 96 : i32
    %dma_wait3A_739 = tpu.memref_slice %arg6[%add3A_654, %dma_wait3A_738] : memref<32768x128xf32, #tpu.memory_space<hbm>> -> memref<128x32xf32, #tpu.memory_space<hbm>>
    %dma_wait3A_740 = arith.constant 96 : i32
    %dma_wait3A_741 = tpu.memref_slice %arg6[%add3A_654, %dma_wait3A_740] : memref<32768x128xf32, #tpu.memory_space<hbm>> -> memref<128x32xf32, #tpu.memory_space<hbm>>
    %dma_wait3A_742 = arith.constant 0 : i32
    %dma_wait3A_743 = arith.constant 0 : i32
    %dma_wait3A_744 = tpu.memref_slice %arg15[%dma_wait3A_742, %dma_wait3A_743] : memref<128x128xf32, #tpu.memory_space<vmem>> -> memref<128x32xf32, #tpu.memory_space<vmem>>
    tpu.wait_dma2 semaphore(%arg19 : memref<!tpu.dma_semaphore, #tpu.memory_space<semaphore_mem>>) src(%dma_wait3A_744 : memref<128x32xf32, #tpu.memory_space<vmem>>) dst(%dma_wait3A_741 : memref<128x32xf32, #tpu.memory_space<hbm>>)
    return
  }
}

module attributes {stable_mosaic.version = 14 : i64} {
  func.func @_lstm_body(%arg0: memref<4096x128xf32, #tpu.memory_space<vmem>>, %arg1: memref<16x1xi32, #tpu.memory_space<vmem>>, %arg2: memref<16xi32, #tpu.memory_space<smem>>, %arg3: memref<512x96xf32, #tpu.memory_space<vmem>>, %arg4: memref<512x128xf32, #tpu.memory_space<vmem>>, %arg5: memref<1x512xf32, #tpu.memory_space<vmem>>, %arg6: memref<1x512xf32, #tpu.memory_space<vmem>>, %arg7: memref<512x96xf32, #tpu.memory_space<vmem>>, %arg8: memref<1x512xf32, #tpu.memory_space<vmem>>, %arg9: memref<1x512xf32, #tpu.memory_space<vmem>>, %arg10: memref<16x256xf32, #tpu.memory_space<vmem>>, %arg11: memref<4096x512xf32, #tpu.memory_space<vmem>>, %arg12: memref<16x96xf32, #tpu.memory_space<vmem>>) attributes {dimension_semantics = [], scalar_prefetch = 0 : i64, scratch_operands = 2 : i64, tpu.core_type = #tpu.core_type<tc>} {
    %get3A = arith.constant 0 : index
    %get3A_0 = arith.constant 0 : index
    %get3A_1 = vector.load %arg0[%get3A, %get3A_0] : memref<4096x128xf32, #tpu.memory_space<vmem>>, vector<4096x96xf32>
    %get3A_2 = arith.constant 0 : index
    %get3A_3 = arith.constant 0 : index
    %get3A_4 = vector.load %arg3[%get3A_2, %get3A_3] : memref<512x96xf32, #tpu.memory_space<vmem>>, vector<512x96xf32>
    %dot_general3A = arith.constant dense<0.000000e+00> : vector<4096x512xf32>
    %dot_general3A_5 = tpu.matmul %get3A_1, %get3A_4, %dot_general3A {dimension_numbers = #tpu.dot_dimension_numbers<[1], [1], [0], [0], [0, 0, 1, 0], [], []>, transpose_lhs_hint = false} : vector<4096x96xf32>, vector<512x96xf32>, vector<4096x512xf32> -> vector<4096x512xf32>
    %get3A_6 = arith.constant 0 : index
    %get3A_7 = arith.constant 0 : index
    %get3A_8 = vector.load %arg5[%get3A_6, %get3A_7] : memref<1x512xf32, #tpu.memory_space<vmem>>, vector<1x512xf32>
    %add3A = vector.broadcast %get3A_8 : vector<1x512xf32> to vector<4096x512xf32>
    %add3A_9 = arith.addf %dot_general3A_5, %add3A : vector<4096x512xf32>
    %get3A_10 = arith.constant 0 : index
    %get3A_11 = arith.constant 0 : index
    %get3A_12 = vector.load %arg6[%get3A_10, %get3A_11] : memref<1x512xf32, #tpu.memory_space<vmem>>, vector<1x512xf32>
    %add3A_13 = vector.broadcast %get3A_12 : vector<1x512xf32> to vector<4096x512xf32>
    %add3A_14 = arith.addf %add3A_9, %add3A_13 : vector<4096x512xf32>
    %swap3A = arith.constant 0 : index
    %swap3A_15 = arith.constant 0 : index
    %swap3A_16 = vector.load %arg11[%swap3A, %swap3A_15] : memref<4096x512xf32, #tpu.memory_space<vmem>>, vector<4096x512xf32>
    tpu.vector_store %arg11[%swap3A, %swap3A_15], %add3A_14 {strides = array<i32>} : memref<4096x512xf32, #tpu.memory_space<vmem>>, vector<4096x512xf32>,
    %get3A_17 = arith.constant 0 : index
    %get3A_18 = arith.constant 0 : index
    %get3A_19 = vector.load %arg1[%get3A_17, %get3A_18] : memref<16x1xi32, #tpu.memory_space<vmem>>, vector<16x1xi32>
    %broadcast_in_dim3A = arith.constant 0.000000e+00 : f32
    %broadcast_in_dim3A_20 = vector.broadcast %broadcast_in_dim3A : f32 to vector<16x128xf32>
    %scan3A = arith.constant 0 : i32
    %scan3A_21 = arith.constant 256 : i32
    %scan3A_22 = arith.addi %scan3A, %scan3A_21 : i32
    %scan3A_23 = arith.constant 1 : i32
    %scan3A_24:2 = scf.for %scan3A_288 = %scan3A to %scan3A_22 step %scan3A_23 iter_args(%scan3A_289 = %broadcast_in_dim3A_20, %scan3A_290 = %broadcast_in_dim3A_20) -> (vector<16x128xf32>, vector<16x128xf32>)  : i32 {
      %mul3A_291 = arith.constant 16 : i32
      %mul3A_292 = arith.muli %scan3A_288, %mul3A_291 : i32
      %get3A_293 = arith.index_cast %mul3A_292 : i32 to index
      %get3A_294 = arith.constant 0 : index
      %get3A_295 = vector.load %arg11[%get3A_293, %get3A_294] : memref<4096x512xf32, #tpu.memory_space<vmem>>, vector<16x512xf32>
      %get3A_296 = arith.constant 0 : index
      %get3A_297 = arith.constant 0 : index
      %get3A_298 = vector.load %arg4[%get3A_296, %get3A_297] : memref<512x128xf32, #tpu.memory_space<vmem>>, vector<512x128xf32>
      %dot_general3A_299 = arith.constant dense<0.000000e+00> : vector<16x512xf32>
      %dot_general3A_300 = tpu.matmul %scan3A_289, %get3A_298, %dot_general3A_299 {dimension_numbers = #tpu.dot_dimension_numbers<[1], [1], [0], [0], [0, 0, 1, 0], [], []>, transpose_lhs_hint = false} : vector<16x128xf32>, vector<512x128xf32>, vector<16x512xf32> -> vector<16x512xf32>
      %add3A_301 = arith.addf %get3A_295, %dot_general3A_300 : vector<16x512xf32>
      %slice3A_302 = vector.extract_strided_slice %add3A_301 {offsets = [0, 0], sizes = [16, 128], strides = [1, 1]} : vector<16x512xf32> to vector<16x128xf32>
      %logistic3A_303 = arith.negf %slice3A_302 : vector<16x128xf32>
      %logistic3A_304 = math.exp %logistic3A_303 : vector<16x128xf32>
      %logistic3A_305 = arith.constant 1.000000e+00 : f32
      %logistic3A_306 = vector.broadcast %logistic3A_305 : f32 to vector<16x128xf32>
      %logistic3A_307 = arith.addf %logistic3A_306, %logistic3A_304 : vector<16x128xf32>
      %logistic3A_308 = arith.divf %logistic3A_306, %logistic3A_307 : vector<16x128xf32>
      %slice3A_309 = vector.extract_strided_slice %add3A_301 {offsets = [0, 128], sizes = [16, 128], strides = [1, 1]} : vector<16x512xf32> to vector<16x128xf32>
      %logistic3A_310 = arith.negf %slice3A_309 : vector<16x128xf32>
      %logistic3A_311 = math.exp %logistic3A_310 : vector<16x128xf32>
      %logistic3A_312 = arith.constant 1.000000e+00 : f32
      %logistic3A_313 = vector.broadcast %logistic3A_312 : f32 to vector<16x128xf32>
      %logistic3A_314 = arith.addf %logistic3A_313, %logistic3A_311 : vector<16x128xf32>
      %logistic3A_315 = arith.divf %logistic3A_313, %logistic3A_314 : vector<16x128xf32>
      %slice3A_316 = vector.extract_strided_slice %add3A_301 {offsets = [0, 256], sizes = [16, 128], strides = [1, 1]} : vector<16x512xf32> to vector<16x128xf32>
      %tanh3A_317 = math.tanh %slice3A_316 : vector<16x128xf32>
      %slice3A_318 = vector.extract_strided_slice %add3A_301 {offsets = [0, 384], sizes = [16, 128], strides = [1, 1]} : vector<16x512xf32> to vector<16x128xf32>
      %logistic3A_319 = arith.negf %slice3A_318 : vector<16x128xf32>
      %logistic3A_320 = math.exp %logistic3A_319 : vector<16x128xf32>
      %logistic3A_321 = arith.constant 1.000000e+00 : f32
      %logistic3A_322 = vector.broadcast %logistic3A_321 : f32 to vector<16x128xf32>
      %logistic3A_323 = arith.addf %logistic3A_322, %logistic3A_320 : vector<16x128xf32>
      %logistic3A_324 = arith.divf %logistic3A_322, %logistic3A_323 : vector<16x128xf32>
      %mul3A_325 = arith.mulf %logistic3A_315, %scan3A_290 : vector<16x128xf32>
      %mul3A_326 = arith.mulf %logistic3A_308, %tanh3A_317 : vector<16x128xf32>
      %add3A_327 = arith.addf %mul3A_325, %mul3A_326 : vector<16x128xf32>
      %tanh3A_328 = math.tanh %add3A_327 : vector<16x128xf32>
      %mul3A_329 = arith.mulf %logistic3A_324, %tanh3A_328 : vector<16x128xf32>
      %lt3A = vector.broadcast %scan3A_288 : i32 to vector<16x1xi32>
      %lt3A_330 = arith.cmpi slt, %lt3A, %get3A_19 : vector<16x1xi32>
      %broadcast_in_dim3A_331 = vector.shape_cast %lt3A_330 : vector<16x1xi1> to vector<16x1xi1>
      %broadcast_in_dim3A_332 = vector.broadcast %broadcast_in_dim3A_331 : vector<16x1xi1> to vector<16x128xi1>
      %select_n3A = arith.select %broadcast_in_dim3A_332, %mul3A_329, %scan3A_289 : vector<16x128xi1>, vector<16x128xf32>
      %broadcast_in_dim3A_333 = vector.shape_cast %lt3A_330 : vector<16x1xi1> to vector<16x1xi1>
      %broadcast_in_dim3A_334 = vector.broadcast %broadcast_in_dim3A_333 : vector<16x1xi1> to vector<16x128xi1>
      %select_n3A_335 = arith.select %broadcast_in_dim3A_334, %add3A_327, %scan3A_290 : vector<16x128xi1>, vector<16x128xf32>
      scf.yield %select_n3A, %select_n3A_335 : vector<16x128xf32>, vector<16x128xf32>
    }
    %scan3A_25 = arith.constant 256 : i32
    %get3A_26 = arith.constant 0 : index
    %get3A_27 = memref.load %arg2[%get3A_26] : memref<16xi32, #tpu.memory_space<smem>>
    %sub3A = arith.constant 1 : i32
    %sub3A_28 = arith.subi %get3A_27, %sub3A : i32
    %mul3A = arith.constant 16 : i32
    %mul3A_29 = arith.muli %sub3A_28, %mul3A : i32
    %add3A_30 = arith.constant 0 : i32
    %add3A_31 = arith.addi %mul3A_29, %add3A_30 : i32
    %get3A_32 = arith.index_cast %add3A_31 : i32 to index
    %get3A_33 = arith.constant 0 : index
    %get3A_34 = vector.load %arg0[%get3A_32, %get3A_33] : memref<4096x128xf32, #tpu.memory_space<vmem>>, vector<1x96xf32>
    %swap3A_35 = arith.constant 0 : index
    %swap3A_36 = arith.constant 0 : index
    %swap3A_37 = vector.load %arg12[%swap3A_35, %swap3A_36] : memref<16x96xf32, #tpu.memory_space<vmem>>, vector<1x96xf32>
    tpu.vector_store %arg12[%swap3A_35, %swap3A_36], %get3A_34 {strides = array<i32>} : memref<16x96xf32, #tpu.memory_space<vmem>>, vector<1x96xf32>,
    %get3A_38 = arith.constant 1 : index
    %get3A_39 = memref.load %arg2[%get3A_38] : memref<16xi32, #tpu.memory_space<smem>>
    %sub3A_40 = arith.constant 1 : i32
    %sub3A_41 = arith.subi %get3A_39, %sub3A_40 : i32
    %mul3A_42 = arith.constant 16 : i32
    %mul3A_43 = arith.muli %sub3A_41, %mul3A_42 : i32
    %add3A_44 = arith.constant 1 : i32
    %add3A_45 = arith.addi %mul3A_43, %add3A_44 : i32
    %get3A_46 = arith.index_cast %add3A_45 : i32 to index
    %get3A_47 = arith.constant 0 : index
    %get3A_48 = vector.load %arg0[%get3A_46, %get3A_47] : memref<4096x128xf32, #tpu.memory_space<vmem>>, vector<1x96xf32>
    %swap3A_49 = arith.constant 1 : index
    %swap3A_50 = arith.constant 0 : index
    %swap3A_51 = vector.load %arg12[%swap3A_49, %swap3A_50] : memref<16x96xf32, #tpu.memory_space<vmem>>, vector<1x96xf32>
    tpu.vector_store %arg12[%swap3A_49, %swap3A_50], %get3A_48 {strides = array<i32>} : memref<16x96xf32, #tpu.memory_space<vmem>>, vector<1x96xf32>,
    %get3A_52 = arith.constant 2 : index
    %get3A_53 = memref.load %arg2[%get3A_52] : memref<16xi32, #tpu.memory_space<smem>>
    %sub3A_54 = arith.constant 1 : i32
    %sub3A_55 = arith.subi %get3A_53, %sub3A_54 : i32
    %mul3A_56 = arith.constant 16 : i32
    %mul3A_57 = arith.muli %sub3A_55, %mul3A_56 : i32
    %add3A_58 = arith.constant 2 : i32
    %add3A_59 = arith.addi %mul3A_57, %add3A_58 : i32
    %get3A_60 = arith.index_cast %add3A_59 : i32 to index
    %get3A_61 = arith.constant 0 : index
    %get3A_62 = vector.load %arg0[%get3A_60, %get3A_61] : memref<4096x128xf32, #tpu.memory_space<vmem>>, vector<1x96xf32>
    %swap3A_63 = arith.constant 2 : index
    %swap3A_64 = arith.constant 0 : index
    %swap3A_65 = vector.load %arg12[%swap3A_63, %swap3A_64] : memref<16x96xf32, #tpu.memory_space<vmem>>, vector<1x96xf32>
    tpu.vector_store %arg12[%swap3A_63, %swap3A_64], %get3A_62 {strides = array<i32>} : memref<16x96xf32, #tpu.memory_space<vmem>>, vector<1x96xf32>,
    %get3A_66 = arith.constant 3 : index
    %get3A_67 = memref.load %arg2[%get3A_66] : memref<16xi32, #tpu.memory_space<smem>>
    %sub3A_68 = arith.constant 1 : i32
    %sub3A_69 = arith.subi %get3A_67, %sub3A_68 : i32
    %mul3A_70 = arith.constant 16 : i32
    %mul3A_71 = arith.muli %sub3A_69, %mul3A_70 : i32
    %add3A_72 = arith.constant 3 : i32
    %add3A_73 = arith.addi %mul3A_71, %add3A_72 : i32
    %get3A_74 = arith.index_cast %add3A_73 : i32 to index
    %get3A_75 = arith.constant 0 : index
    %get3A_76 = vector.load %arg0[%get3A_74, %get3A_75] : memref<4096x128xf32, #tpu.memory_space<vmem>>, vector<1x96xf32>
    %swap3A_77 = arith.constant 3 : index
    %swap3A_78 = arith.constant 0 : index
    %swap3A_79 = vector.load %arg12[%swap3A_77, %swap3A_78] : memref<16x96xf32, #tpu.memory_space<vmem>>, vector<1x96xf32>
    tpu.vector_store %arg12[%swap3A_77, %swap3A_78], %get3A_76 {strides = array<i32>} : memref<16x96xf32, #tpu.memory_space<vmem>>, vector<1x96xf32>,
    %get3A_80 = arith.constant 4 : index
    %get3A_81 = memref.load %arg2[%get3A_80] : memref<16xi32, #tpu.memory_space<smem>>
    %sub3A_82 = arith.constant 1 : i32
    %sub3A_83 = arith.subi %get3A_81, %sub3A_82 : i32
    %mul3A_84 = arith.constant 16 : i32
    %mul3A_85 = arith.muli %sub3A_83, %mul3A_84 : i32
    %add3A_86 = arith.constant 4 : i32
    %add3A_87 = arith.addi %mul3A_85, %add3A_86 : i32
    %get3A_88 = arith.index_cast %add3A_87 : i32 to index
    %get3A_89 = arith.constant 0 : index
    %get3A_90 = vector.load %arg0[%get3A_88, %get3A_89] : memref<4096x128xf32, #tpu.memory_space<vmem>>, vector<1x96xf32>
    %swap3A_91 = arith.constant 4 : index
    %swap3A_92 = arith.constant 0 : index
    %swap3A_93 = vector.load %arg12[%swap3A_91, %swap3A_92] : memref<16x96xf32, #tpu.memory_space<vmem>>, vector<1x96xf32>
    tpu.vector_store %arg12[%swap3A_91, %swap3A_92], %get3A_90 {strides = array<i32>} : memref<16x96xf32, #tpu.memory_space<vmem>>, vector<1x96xf32>,
    %get3A_94 = arith.constant 5 : index
    %get3A_95 = memref.load %arg2[%get3A_94] : memref<16xi32, #tpu.memory_space<smem>>
    %sub3A_96 = arith.constant 1 : i32
    %sub3A_97 = arith.subi %get3A_95, %sub3A_96 : i32
    %mul3A_98 = arith.constant 16 : i32
    %mul3A_99 = arith.muli %sub3A_97, %mul3A_98 : i32
    %add3A_100 = arith.constant 5 : i32
    %add3A_101 = arith.addi %mul3A_99, %add3A_100 : i32
    %get3A_102 = arith.index_cast %add3A_101 : i32 to index
    %get3A_103 = arith.constant 0 : index
    %get3A_104 = vector.load %arg0[%get3A_102, %get3A_103] : memref<4096x128xf32, #tpu.memory_space<vmem>>, vector<1x96xf32>
    %swap3A_105 = arith.constant 5 : index
    %swap3A_106 = arith.constant 0 : index
    %swap3A_107 = vector.load %arg12[%swap3A_105, %swap3A_106] : memref<16x96xf32, #tpu.memory_space<vmem>>, vector<1x96xf32>
    tpu.vector_store %arg12[%swap3A_105, %swap3A_106], %get3A_104 {strides = array<i32>} : memref<16x96xf32, #tpu.memory_space<vmem>>, vector<1x96xf32>,
    %get3A_108 = arith.constant 6 : index
    %get3A_109 = memref.load %arg2[%get3A_108] : memref<16xi32, #tpu.memory_space<smem>>
    %sub3A_110 = arith.constant 1 : i32
    %sub3A_111 = arith.subi %get3A_109, %sub3A_110 : i32
    %mul3A_112 = arith.constant 16 : i32
    %mul3A_113 = arith.muli %sub3A_111, %mul3A_112 : i32
    %add3A_114 = arith.constant 6 : i32
    %add3A_115 = arith.addi %mul3A_113, %add3A_114 : i32
    %get3A_116 = arith.index_cast %add3A_115 : i32 to index
    %get3A_117 = arith.constant 0 : index
    %get3A_118 = vector.load %arg0[%get3A_116, %get3A_117] : memref<4096x128xf32, #tpu.memory_space<vmem>>, vector<1x96xf32>
    %swap3A_119 = arith.constant 6 : index
    %swap3A_120 = arith.constant 0 : index
    %swap3A_121 = vector.load %arg12[%swap3A_119, %swap3A_120] : memref<16x96xf32, #tpu.memory_space<vmem>>, vector<1x96xf32>
    tpu.vector_store %arg12[%swap3A_119, %swap3A_120], %get3A_118 {strides = array<i32>} : memref<16x96xf32, #tpu.memory_space<vmem>>, vector<1x96xf32>,
    %get3A_122 = arith.constant 7 : index
    %get3A_123 = memref.load %arg2[%get3A_122] : memref<16xi32, #tpu.memory_space<smem>>
    %sub3A_124 = arith.constant 1 : i32
    %sub3A_125 = arith.subi %get3A_123, %sub3A_124 : i32
    %mul3A_126 = arith.constant 16 : i32
    %mul3A_127 = arith.muli %sub3A_125, %mul3A_126 : i32
    %add3A_128 = arith.constant 7 : i32
    %add3A_129 = arith.addi %mul3A_127, %add3A_128 : i32
    %get3A_130 = arith.index_cast %add3A_129 : i32 to index
    %get3A_131 = arith.constant 0 : index
    %get3A_132 = vector.load %arg0[%get3A_130, %get3A_131] : memref<4096x128xf32, #tpu.memory_space<vmem>>, vector<1x96xf32>
    %swap3A_133 = arith.constant 7 : index
    %swap3A_134 = arith.constant 0 : index
    %swap3A_135 = vector.load %arg12[%swap3A_133, %swap3A_134] : memref<16x96xf32, #tpu.memory_space<vmem>>, vector<1x96xf32>
    tpu.vector_store %arg12[%swap3A_133, %swap3A_134], %get3A_132 {strides = array<i32>} : memref<16x96xf32, #tpu.memory_space<vmem>>, vector<1x96xf32>,
    %get3A_136 = arith.constant 8 : index
    %get3A_137 = memref.load %arg2[%get3A_136] : memref<16xi32, #tpu.memory_space<smem>>
    %sub3A_138 = arith.constant 1 : i32
    %sub3A_139 = arith.subi %get3A_137, %sub3A_138 : i32
    %mul3A_140 = arith.constant 16 : i32
    %mul3A_141 = arith.muli %sub3A_139, %mul3A_140 : i32
    %add3A_142 = arith.constant 8 : i32
    %add3A_143 = arith.addi %mul3A_141, %add3A_142 : i32
    %get3A_144 = arith.index_cast %add3A_143 : i32 to index
    %get3A_145 = arith.constant 0 : index
    %get3A_146 = vector.load %arg0[%get3A_144, %get3A_145] : memref<4096x128xf32, #tpu.memory_space<vmem>>, vector<1x96xf32>
    %swap3A_147 = arith.constant 8 : index
    %swap3A_148 = arith.constant 0 : index
    %swap3A_149 = vector.load %arg12[%swap3A_147, %swap3A_148] : memref<16x96xf32, #tpu.memory_space<vmem>>, vector<1x96xf32>
    tpu.vector_store %arg12[%swap3A_147, %swap3A_148], %get3A_146 {strides = array<i32>} : memref<16x96xf32, #tpu.memory_space<vmem>>, vector<1x96xf32>,
    %get3A_150 = arith.constant 9 : index
    %get3A_151 = memref.load %arg2[%get3A_150] : memref<16xi32, #tpu.memory_space<smem>>
    %sub3A_152 = arith.constant 1 : i32
    %sub3A_153 = arith.subi %get3A_151, %sub3A_152 : i32
    %mul3A_154 = arith.constant 16 : i32
    %mul3A_155 = arith.muli %sub3A_153, %mul3A_154 : i32
    %add3A_156 = arith.constant 9 : i32
    %add3A_157 = arith.addi %mul3A_155, %add3A_156 : i32
    %get3A_158 = arith.index_cast %add3A_157 : i32 to index
    %get3A_159 = arith.constant 0 : index
    %get3A_160 = vector.load %arg0[%get3A_158, %get3A_159] : memref<4096x128xf32, #tpu.memory_space<vmem>>, vector<1x96xf32>
    %swap3A_161 = arith.constant 9 : index
    %swap3A_162 = arith.constant 0 : index
    %swap3A_163 = vector.load %arg12[%swap3A_161, %swap3A_162] : memref<16x96xf32, #tpu.memory_space<vmem>>, vector<1x96xf32>
    tpu.vector_store %arg12[%swap3A_161, %swap3A_162], %get3A_160 {strides = array<i32>} : memref<16x96xf32, #tpu.memory_space<vmem>>, vector<1x96xf32>,
    %get3A_164 = arith.constant 10 : index
    %get3A_165 = memref.load %arg2[%get3A_164] : memref<16xi32, #tpu.memory_space<smem>>
    %sub3A_166 = arith.constant 1 : i32
    %sub3A_167 = arith.subi %get3A_165, %sub3A_166 : i32
    %mul3A_168 = arith.constant 16 : i32
    %mul3A_169 = arith.muli %sub3A_167, %mul3A_168 : i32
    %add3A_170 = arith.constant 10 : i32
    %add3A_171 = arith.addi %mul3A_169, %add3A_170 : i32
    %get3A_172 = arith.index_cast %add3A_171 : i32 to index
    %get3A_173 = arith.constant 0 : index
    %get3A_174 = vector.load %arg0[%get3A_172, %get3A_173] : memref<4096x128xf32, #tpu.memory_space<vmem>>, vector<1x96xf32>
    %swap3A_175 = arith.constant 10 : index
    %swap3A_176 = arith.constant 0 : index
    %swap3A_177 = vector.load %arg12[%swap3A_175, %swap3A_176] : memref<16x96xf32, #tpu.memory_space<vmem>>, vector<1x96xf32>
    tpu.vector_store %arg12[%swap3A_175, %swap3A_176], %get3A_174 {strides = array<i32>} : memref<16x96xf32, #tpu.memory_space<vmem>>, vector<1x96xf32>,
    %get3A_178 = arith.constant 11 : index
    %get3A_179 = memref.load %arg2[%get3A_178] : memref<16xi32, #tpu.memory_space<smem>>
    %sub3A_180 = arith.constant 1 : i32
    %sub3A_181 = arith.subi %get3A_179, %sub3A_180 : i32
    %mul3A_182 = arith.constant 16 : i32
    %mul3A_183 = arith.muli %sub3A_181, %mul3A_182 : i32
    %add3A_184 = arith.constant 11 : i32
    %add3A_185 = arith.addi %mul3A_183, %add3A_184 : i32
    %get3A_186 = arith.index_cast %add3A_185 : i32 to index
    %get3A_187 = arith.constant 0 : index
    %get3A_188 = vector.load %arg0[%get3A_186, %get3A_187] : memref<4096x128xf32, #tpu.memory_space<vmem>>, vector<1x96xf32>
    %swap3A_189 = arith.constant 11 : index
    %swap3A_190 = arith.constant 0 : index
    %swap3A_191 = vector.load %arg12[%swap3A_189, %swap3A_190] : memref<16x96xf32, #tpu.memory_space<vmem>>, vector<1x96xf32>
    tpu.vector_store %arg12[%swap3A_189, %swap3A_190], %get3A_188 {strides = array<i32>} : memref<16x96xf32, #tpu.memory_space<vmem>>, vector<1x96xf32>,
    %get3A_192 = arith.constant 12 : index
    %get3A_193 = memref.load %arg2[%get3A_192] : memref<16xi32, #tpu.memory_space<smem>>
    %sub3A_194 = arith.constant 1 : i32
    %sub3A_195 = arith.subi %get3A_193, %sub3A_194 : i32
    %mul3A_196 = arith.constant 16 : i32
    %mul3A_197 = arith.muli %sub3A_195, %mul3A_196 : i32
    %add3A_198 = arith.constant 12 : i32
    %add3A_199 = arith.addi %mul3A_197, %add3A_198 : i32
    %get3A_200 = arith.index_cast %add3A_199 : i32 to index
    %get3A_201 = arith.constant 0 : index
    %get3A_202 = vector.load %arg0[%get3A_200, %get3A_201] : memref<4096x128xf32, #tpu.memory_space<vmem>>, vector<1x96xf32>
    %swap3A_203 = arith.constant 12 : index
    %swap3A_204 = arith.constant 0 : index
    %swap3A_205 = vector.load %arg12[%swap3A_203, %swap3A_204] : memref<16x96xf32, #tpu.memory_space<vmem>>, vector<1x96xf32>
    tpu.vector_store %arg12[%swap3A_203, %swap3A_204], %get3A_202 {strides = array<i32>} : memref<16x96xf32, #tpu.memory_space<vmem>>, vector<1x96xf32>,
    %get3A_206 = arith.constant 13 : index
    %get3A_207 = memref.load %arg2[%get3A_206] : memref<16xi32, #tpu.memory_space<smem>>
    %sub3A_208 = arith.constant 1 : i32
    %sub3A_209 = arith.subi %get3A_207, %sub3A_208 : i32
    %mul3A_210 = arith.constant 16 : i32
    %mul3A_211 = arith.muli %sub3A_209, %mul3A_210 : i32
    %add3A_212 = arith.constant 13 : i32
    %add3A_213 = arith.addi %mul3A_211, %add3A_212 : i32
    %get3A_214 = arith.index_cast %add3A_213 : i32 to index
    %get3A_215 = arith.constant 0 : index
    %get3A_216 = vector.load %arg0[%get3A_214, %get3A_215] : memref<4096x128xf32, #tpu.memory_space<vmem>>, vector<1x96xf32>
    %swap3A_217 = arith.constant 13 : index
    %swap3A_218 = arith.constant 0 : index
    %swap3A_219 = vector.load %arg12[%swap3A_217, %swap3A_218] : memref<16x96xf32, #tpu.memory_space<vmem>>, vector<1x96xf32>
    tpu.vector_store %arg12[%swap3A_217, %swap3A_218], %get3A_216 {strides = array<i32>} : memref<16x96xf32, #tpu.memory_space<vmem>>, vector<1x96xf32>,
    %get3A_220 = arith.constant 14 : index
    %get3A_221 = memref.load %arg2[%get3A_220] : memref<16xi32, #tpu.memory_space<smem>>
    %sub3A_222 = arith.constant 1 : i32
    %sub3A_223 = arith.subi %get3A_221, %sub3A_222 : i32
    %mul3A_224 = arith.constant 16 : i32
    %mul3A_225 = arith.muli %sub3A_223, %mul3A_224 : i32
    %add3A_226 = arith.constant 14 : i32
    %add3A_227 = arith.addi %mul3A_225, %add3A_226 : i32
    %get3A_228 = arith.index_cast %add3A_227 : i32 to index
    %get3A_229 = arith.constant 0 : index
    %get3A_230 = vector.load %arg0[%get3A_228, %get3A_229] : memref<4096x128xf32, #tpu.memory_space<vmem>>, vector<1x96xf32>
    %swap3A_231 = arith.constant 14 : index
    %swap3A_232 = arith.constant 0 : index
    %swap3A_233 = vector.load %arg12[%swap3A_231, %swap3A_232] : memref<16x96xf32, #tpu.memory_space<vmem>>, vector<1x96xf32>
    tpu.vector_store %arg12[%swap3A_231, %swap3A_232], %get3A_230 {strides = array<i32>} : memref<16x96xf32, #tpu.memory_space<vmem>>, vector<1x96xf32>,
    %get3A_234 = arith.constant 15 : index
    %get3A_235 = memref.load %arg2[%get3A_234] : memref<16xi32, #tpu.memory_space<smem>>
    %sub3A_236 = arith.constant 1 : i32
    %sub3A_237 = arith.subi %get3A_235, %sub3A_236 : i32
    %mul3A_238 = arith.constant 16 : i32
    %mul3A_239 = arith.muli %sub3A_237, %mul3A_238 : i32
    %add3A_240 = arith.constant 15 : i32
    %add3A_241 = arith.addi %mul3A_239, %add3A_240 : i32
    %get3A_242 = arith.index_cast %add3A_241 : i32 to index
    %get3A_243 = arith.constant 0 : index
    %get3A_244 = vector.load %arg0[%get3A_242, %get3A_243] : memref<4096x128xf32, #tpu.memory_space<vmem>>, vector<1x96xf32>
    %swap3A_245 = arith.constant 15 : index
    %swap3A_246 = arith.constant 0 : index
    %swap3A_247 = vector.load %arg12[%swap3A_245, %swap3A_246] : memref<16x96xf32, #tpu.memory_space<vmem>>, vector<1x96xf32>
    tpu.vector_store %arg12[%swap3A_245, %swap3A_246], %get3A_244 {strides = array<i32>} : memref<16x96xf32, #tpu.memory_space<vmem>>, vector<1x96xf32>,
    %get3A_248 = arith.constant 0 : index
    %get3A_249 = arith.constant 0 : index
    %get3A_250 = vector.load %arg12[%get3A_248, %get3A_249] : memref<16x96xf32, #tpu.memory_space<vmem>>, vector<16x96xf32>
    %get3A_251 = arith.constant 0 : index
    %get3A_252 = arith.constant 0 : index
    %get3A_253 = vector.load %arg7[%get3A_251, %get3A_252] : memref<512x96xf32, #tpu.memory_space<vmem>>, vector<512x96xf32>
    %dot_general3A_254 = arith.constant dense<0.000000e+00> : vector<16x512xf32>
    %dot_general3A_255 = tpu.matmul %get3A_250, %get3A_253, %dot_general3A_254 {dimension_numbers = #tpu.dot_dimension_numbers<[1], [1], [0], [0], [0, 0, 1, 0], [], []>, transpose_lhs_hint = false} : vector<16x96xf32>, vector<512x96xf32>, vector<16x512xf32> -> vector<16x512xf32>
    %get3A_256 = arith.constant 0 : index
    %get3A_257 = arith.constant 0 : index
    %get3A_258 = vector.load %arg8[%get3A_256, %get3A_257] : memref<1x512xf32, #tpu.memory_space<vmem>>, vector<1x512xf32>
    %add3A_259 = vector.broadcast %get3A_258 : vector<1x512xf32> to vector<16x512xf32>
    %add3A_260 = arith.addf %dot_general3A_255, %add3A_259 : vector<16x512xf32>
    %get3A_261 = arith.constant 0 : index
    %get3A_262 = arith.constant 0 : index
    %get3A_263 = vector.load %arg9[%get3A_261, %get3A_262] : memref<1x512xf32, #tpu.memory_space<vmem>>, vector<1x512xf32>
    %add3A_264 = vector.broadcast %get3A_263 : vector<1x512xf32> to vector<16x512xf32>
    %add3A_265 = arith.addf %add3A_260, %add3A_264 : vector<16x512xf32>
    %slice3A = vector.extract_strided_slice %add3A_265 {offsets = [0, 0], sizes = [16, 128], strides = [1, 1]} : vector<16x512xf32> to vector<16x128xf32>
    %logistic3A = arith.negf %slice3A : vector<16x128xf32>
    %logistic3A_266 = math.exp %logistic3A : vector<16x128xf32>
    %logistic3A_267 = arith.constant 1.000000e+00 : f32
    %logistic3A_268 = vector.broadcast %logistic3A_267 : f32 to vector<16x128xf32>
    %logistic3A_269 = arith.addf %logistic3A_268, %logistic3A_266 : vector<16x128xf32>
    %logistic3A_270 = arith.divf %logistic3A_268, %logistic3A_269 : vector<16x128xf32>
    %slice3A_271 = vector.extract_strided_slice %add3A_265 {offsets = [0, 256], sizes = [16, 128], strides = [1, 1]} : vector<16x512xf32> to vector<16x128xf32>
    %tanh3A = math.tanh %slice3A_271 : vector<16x128xf32>
    %slice3A_272 = vector.extract_strided_slice %add3A_265 {offsets = [0, 384], sizes = [16, 128], strides = [1, 1]} : vector<16x512xf32> to vector<16x128xf32>
    %logistic3A_273 = arith.negf %slice3A_272 : vector<16x128xf32>
    %logistic3A_274 = math.exp %logistic3A_273 : vector<16x128xf32>
    %logistic3A_275 = arith.constant 1.000000e+00 : f32
    %logistic3A_276 = vector.broadcast %logistic3A_275 : f32 to vector<16x128xf32>
    %logistic3A_277 = arith.addf %logistic3A_276, %logistic3A_274 : vector<16x128xf32>
    %logistic3A_278 = arith.divf %logistic3A_276, %logistic3A_277 : vector<16x128xf32>
    %mul3A_279 = arith.mulf %logistic3A_270, %tanh3A : vector<16x128xf32>
    %tanh3A_280 = math.tanh %mul3A_279 : vector<16x128xf32>
    %mul3A_281 = arith.mulf %logistic3A_278, %tanh3A_280 : vector<16x128xf32>
    %swap3A_282 = arith.constant 0 : index
    %swap3A_283 = arith.constant 0 : index
    %swap3A_284 = vector.load %arg10[%swap3A_282, %swap3A_283] : memref<16x256xf32, #tpu.memory_space<vmem>>, vector<16x128xf32>
    tpu.vector_store %arg10[%swap3A_282, %swap3A_283], %scan3A_24#0 {strides = array<i32>} : memref<16x256xf32, #tpu.memory_space<vmem>>, vector<16x128xf32>,
    %swap3A_285 = arith.constant 0 : index
    %swap3A_286 = arith.constant 128 : index
    %swap3A_287 = vector.load %arg10[%swap3A_285, %swap3A_286] : memref<16x256xf32, #tpu.memory_space<vmem>>, vector<16x128xf32>
    tpu.vector_store %arg10[%swap3A_285, %swap3A_286], %mul3A_281 {strides = array<i32>} : memref<16x256xf32, #tpu.memory_space<vmem>>, vector<16x128xf32>,
    return
  }
}

module attributes {stable_mosaic.version = 14 : i64} {
  func.func @_hist_body(%arg0: i32, %arg1: memref<1x2x2048xi32, #tpu.memory_space<vmem>>, %arg2: memref<2048x128xf32, #tpu.memory_space<vmem>>, %arg3: memref<1x256x1xf32, #tpu.memory_space<vmem>>, %arg4: memref<256x128xf32, #tpu.memory_space<vmem>>, %arg5: memref<1x256xf32, #tpu.memory_space<vmem>>, %arg6: memref<1x1x256xf32, #tpu.memory_space<vmem>>, %arg7: memref<2048x256xf32, #tpu.memory_space<vmem>>, %arg8: memref<2048x1xf32, #tpu.memory_space<vmem>>) attributes {dimension_semantics = [#tpu.dimension_semantics<arbitrary>], iteration_bounds = array<i64: 16>, scalar_prefetch = 0 : i64, scratch_operands = 2 : i64, tpu.core_type = #tpu.core_type<tc>, window_params = [{transform_indices = @transform_0, window_bounds = array<i64: 1, 2, 2048>}, {transform_indices = @transform_1, window_bounds = array<i64: 2048, 128>}, {transform_indices = @transform_2, window_bounds = array<i64: 1, 256, 1>}, {pipeline_mode = #tpu.pipeline_mode<synchronous>, transform_indices = @transform_3, window_bounds = array<i64: 256, 128>}, {pipeline_mode = #tpu.pipeline_mode<synchronous>, transform_indices = @transform_4, window_bounds = array<i64: 1, 256>}, {transform_indices = @transform_5, window_bounds = array<i64: 1, 1, 256>}]} {
    %get3A = arith.constant 0 : index
    %get3A_0 = arith.constant 0 : index
    %get3A_1 = arith.constant 0 : index
    %get3A_2 = vector.load %arg1[%get3A, %get3A_0, %get3A_1] : memref<1x2x2048xi32, #tpu.memory_space<vmem>>, vector<1x1x2048xi32>
    %get3A_3 = vector.shape_cast %get3A_2 : vector<1x1x2048xi32> to vector<1x2048xi32>
    %get3A_4 = arith.constant 0 : index
    %get3A_5 = arith.constant 1 : index
    %get3A_6 = arith.constant 0 : index
    %get3A_7 = vector.load %arg1[%get3A_4, %get3A_5, %get3A_6] : memref<1x2x2048xi32, #tpu.memory_space<vmem>>, vector<1x1x2048xi32>
    %get3A_8 = vector.shape_cast %get3A_7 : vector<1x1x2048xi32> to vector<1x2048xi32>
    %mul3A = arith.constant 170 : i32
    %mul3A_9 = vector.broadcast %mul3A : i32 to vector<1x2048xi32>
    %mul3A_10 = arith.muli %get3A_3, %mul3A_9 : vector<1x2048xi32>
    %add3A = arith.addi %mul3A_10, %get3A_8 : vector<1x2048xi32>
    %get3A_11 = arith.constant 0 : index
    %get3A_12 = arith.constant 96 : index
    %get3A_13 = vector.load %arg2[%get3A_11, %get3A_12] : memref<2048x128xf32, #tpu.memory_space<vmem>>, vector<2048x32xf32>
    %iota3A = tpu.iota {dimensions = array<i32: 0>} : vector<2048x8xi32>
    %jit3A = arith.constant 256 : i32
    %div3A = vector.broadcast %jit3A : i32 to vector<2048x8xi32>
    %div3A_14 = arith.divsi %iota3A, %div3A : vector<2048x8xi32>
    %sign3A = arith.constant 0 : i32
    %sign3A_15 = vector.broadcast %sign3A : i32 to vector<2048x8xi32>
    %sign3A_16 = arith.cmpi sgt, %iota3A, %sign3A_15 : vector<2048x8xi32>
    %sign3A_17 = arith.extui %sign3A_16 : vector<2048x8xi1> to vector<2048x8xi32>
    %sign3A_18 = arith.constant 0 : i32
    %sign3A_19 = vector.broadcast %sign3A_18 : i32 to vector<2048x8xi32>
    %sign3A_20 = arith.cmpi slt, %iota3A, %sign3A_19 : vector<2048x8xi32>
    %sign3A_21 = arith.extui %sign3A_20 : vector<2048x8xi1> to vector<2048x8xi32>
    %sign3A_22 = arith.subi %sign3A_17, %sign3A_21 : vector<2048x8xi32>
    %sign3A_23 = arith.constant 0 : i32
    %sign3A_24 = arith.cmpi sgt, %jit3A, %sign3A_23 : i32
    %sign3A_25 = arith.extui %sign3A_24 : i1 to i32
    %sign3A_26 = arith.constant 0 : i32
    %sign3A_27 = arith.cmpi slt, %jit3A, %sign3A_26 : i32
    %sign3A_28 = arith.extui %sign3A_27 : i1 to i32
    %sign3A_29 = arith.subi %sign3A_25, %sign3A_28 : i32
    %ne3A = vector.broadcast %sign3A_29 : i32 to vector<2048x8xi32>
    %ne3A_30 = arith.cmpi ne, %sign3A_22, %ne3A : vector<2048x8xi32>
    %rem3A = vector.broadcast %jit3A : i32 to vector<2048x8xi32>
    %rem3A_31 = arith.remsi %iota3A, %rem3A : vector<2048x8xi32>
    %ne3A_32 = arith.constant 0 : i32
    %ne3A_33 = vector.broadcast %ne3A_32 : i32 to vector<2048x8xi32>
    %ne3A_34 = arith.cmpi ne, %rem3A_31, %ne3A_33 : vector<2048x8xi32>
    %and3A = arith.andi %ne3A_30, %ne3A_34 : vector<2048x8xi1>
    %sub3A = arith.constant 1 : i32
    %sub3A_35 = vector.broadcast %sub3A : i32 to vector<2048x8xi32>
    %sub3A_36 = arith.subi %div3A_14, %sub3A_35 : vector<2048x8xi32>
    %select_n3A = arith.select %and3A, %sub3A_36, %div3A_14 : vector<2048x8xi1>, vector<2048x8xi32>
    %iota3A_37 = tpu.iota {dimensions = array<i32: 1>} : vector<2048x8xi32>
    %convert_element_type3A = arith.truncf %get3A_13 : vector<2048x32xf32> to vector<2048x32xbf16>
    %eq3A = arith.cmpi eq, %select_n3A, %iota3A_37 : vector<2048x8xi32>
    %convert_element_type3A_38 = arith.extui %eq3A : vector<2048x8xi1> to vector<2048x8xi32>
    %convert_element_type3A_39 = arith.sitofp %convert_element_type3A_38 : vector<2048x8xi32> to vector<2048x8xf32>
    %convert_element_type3A_40 = arith.truncf %convert_element_type3A_39 : vector<2048x8xf32> to vector<2048x8xbf16>
    %concatenate3A = tpu.concatenate %convert_element_type3A, %convert_element_type3A_40 in 1 : vector<2048x32xbf16>, vector<2048x8xbf16> -> vector<2048x40xbf16>
    %iota3A_41 = tpu.iota {dimensions = array<i32: 1>} : vector<256x256xi32>
    %iota3A_42 = tpu.iota {dimensions = array<i32: 0>} : vector<256x256xi32>
    %lt3A = arith.cmpi slt, %iota3A_41, %iota3A_42 : vector<256x256xi32>
    %iota3A_43 = tpu.iota {dimensions = array<i32: 0>} : vector<256x256xi32>
    %iota3A_44 = tpu.iota {dimensions = array<i32: 1>} : vector<256x256xi32>
    %eq3A_45 = arith.cmpi eq, %iota3A_43, %iota3A_44 : vector<256x256xi32>
    %convert_element_type3A_46 = arith.extui %eq3A_45 : vector<256x256xi1> to vector<256x256xi32>
    %convert_element_type3A_47 = arith.sitofp %convert_element_type3A_46 : vector<256x256xi32> to vector<256x256xf32>
    %convert_element_type3A_48 = arith.truncf %convert_element_type3A_47 : vector<256x256xf32> to vector<256x256xbf16>
    %shift_right_arithmetic3A = arith.constant 16 : i32
    %shift_right_arithmetic3A_49 = vector.broadcast %shift_right_arithmetic3A : i32 to vector<1x2048xi32>
    %shift_right_arithmetic3A_50 = arith.shrsi %get3A_3, %shift_right_arithmetic3A_49 : vector<1x2048xi32>
    %shift_right_arithmetic3A_51 = arith.constant 8 : i32
    %shift_right_arithmetic3A_52 = vector.broadcast %shift_right_arithmetic3A_51 : i32 to vector<1x2048xi32>
    %shift_right_arithmetic3A_53 = arith.shrsi %get3A_3, %shift_right_arithmetic3A_52 : vector<1x2048xi32>
    %and3A_54 = arith.constant 255 : i32
    %and3A_55 = vector.broadcast %and3A_54 : i32 to vector<1x2048xi32>
    %and3A_56 = arith.andi %shift_right_arithmetic3A_53, %and3A_55 : vector<1x2048xi32>
    %and3A_57 = arith.constant 255 : i32
    %and3A_58 = vector.broadcast %and3A_57 : i32 to vector<1x2048xi32>
    %and3A_59 = arith.andi %get3A_3, %and3A_58 : vector<1x2048xi32>
    %concatenate3A_60 = tpu.concatenate %shift_right_arithmetic3A_50, %and3A_56, %and3A_59, %get3A_8 in 0 : vector<1x2048xi32>, vector<1x2048xi32>, vector<1x2048xi32>, vector<1x2048xi32> -> vector<4x2048xi32>
    %convert_element_type3A_61 = arith.sitofp %concatenate3A_60 : vector<4x2048xi32> to vector<4x2048xbf16>
    %slice3A = vector.extract_strided_slice %convert_element_type3A_61 {offsets = [0, 0], sizes = [4, 256], strides = [1, 1]} : vector<4x2048xbf16> to vector<4x256xbf16>
    %dot_general3A = arith.constant dense<0.000000e+00> : vector<256x4xf32>
    %dot_general3A_62 = tpu.matmul %convert_element_type3A_48, %slice3A, %dot_general3A {dimension_numbers = #tpu.dot_dimension_numbers<[1], [1], [0], [0], [0, 0, 1, 0], [], []>, transpose_lhs_hint = false} : vector<256x256xbf16>, vector<4x256xbf16>, vector<256x4xf32> -> vector<256x4xf32>
    %slice3A_63 = vector.extract_strided_slice %dot_general3A_62 {offsets = [0, 0], sizes = [256, 1], strides = [1, 1]} : vector<256x4xf32> to vector<256x1xf32>
    %convert_element_type3A_64 = arith.fptosi %slice3A_63 : vector<256x1xf32> to vector<256x1xi32>
    %mul3A_65 = arith.constant 65536 : i32
    %mul3A_66 = vector.broadcast %mul3A_65 : i32 to vector<256x1xi32>
    %mul3A_67 = arith.muli %convert_element_type3A_64, %mul3A_66 : vector<256x1xi32>
    %slice3A_68 = vector.extract_strided_slice %dot_general3A_62 {offsets = [0, 1], sizes = [256, 1], strides = [1, 1]} : vector<256x4xf32> to vector<256x1xf32>
    %convert_element_type3A_69 = arith.fptosi %slice3A_68 : vector<256x1xf32> to vector<256x1xi32>
    %mul3A_70 = arith.constant 256 : i32
    %mul3A_71 = vector.broadcast %mul3A_70 : i32 to vector<256x1xi32>
    %mul3A_72 = arith.muli %convert_element_type3A_69, %mul3A_71 : vector<256x1xi32>
    %add3A_73 = arith.addi %mul3A_67, %mul3A_72 : vector<256x1xi32>
    %slice3A_74 = vector.extract_strided_slice %dot_general3A_62 {offsets = [0, 2], sizes = [256, 1], strides = [1, 1]} : vector<256x4xf32> to vector<256x1xf32>
    %convert_element_type3A_75 = arith.fptosi %slice3A_74 : vector<256x1xf32> to vector<256x1xi32>
    %add3A_76 = arith.addi %add3A_73, %convert_element_type3A_75 : vector<256x1xi32>
    %mul3A_77 = arith.constant 170 : i32
    %mul3A_78 = vector.broadcast %mul3A_77 : i32 to vector<256x1xi32>
    %mul3A_79 = arith.muli %add3A_76, %mul3A_78 : vector<256x1xi32>
    %slice3A_80 = vector.extract_strided_slice %dot_general3A_62 {offsets = [0, 3], sizes = [256, 1], strides = [1, 1]} : vector<256x4xf32> to vector<256x1xf32>
    %convert_element_type3A_81 = arith.fptosi %slice3A_80 : vector<256x1xf32> to vector<256x1xi32>
    %add3A_82 = arith.addi %mul3A_79, %convert_element_type3A_81 : vector<256x1xi32>
    %eq3A_83 = vector.broadcast %add3A_82 : vector<256x1xi32> to vector<256x2048xi32>
    %eq3A_84 = vector.broadcast %add3A : vector<1x2048xi32> to vector<256x2048xi32>
    %eq3A_85 = arith.cmpi eq, %eq3A_83, %eq3A_84 : vector<256x2048xi32>
    %convert_element_type3A_86 = arith.extui %eq3A_85 : vector<256x2048xi1> to vector<256x2048xi32>
    %convert_element_type3A_87 = arith.sitofp %convert_element_type3A_86 : vector<256x2048xi32> to vector<256x2048xf32>
    %convert_element_type3A_88 = arith.truncf %convert_element_type3A_87 : vector<256x2048xf32> to vector<256x2048xbf16>
    %dot_general3A_89 = arith.constant dense<0.000000e+00> : vector<256x40xf32>
    %dot_general3A_90 = tpu.matmul %convert_element_type3A_88, %concatenate3A, %dot_general3A_89 {dimension_numbers = #tpu.dot_dimension_numbers<[1], [0], [0], [1], [0, 0, 1, 1], [], []>, transpose_lhs_hint = false} : vector<256x2048xbf16>, vector<2048x40xbf16>, vector<256x40xf32> -> vector<256x40xf32>
    %slice3A_91 = vector.extract_strided_slice %dot_general3A_90 {offsets = [0, 0], sizes = [256, 32], strides = [1, 1]} : vector<256x40xf32> to vector<256x32xf32>
    %slice3A_92 = vector.extract_strided_slice %dot_general3A_90 {offsets = [0, 32], sizes = [256, 8], strides = [1, 1]} : vector<256x40xf32> to vector<256x8xf32>
    %reduce_sum3A = arith.constant dense<0.000000e+00> : vector<256xf32>
    %reduce_sum3A_93 = vector.multi_reduction <add>, %slice3A_92, %reduce_sum3A [1] : vector<256x8xf32> to vector<256xf32>
    %broadcast_in_dim3A = vector.shape_cast %reduce_sum3A_93 : vector<256xf32> to vector<256x1xf32>
    %slice3A_94 = vector.extract_strided_slice %eq3A_85 {offsets = [0, 0], sizes = [256, 256], strides = [1, 1]} : vector<256x2048xi1> to vector<256x256xi1>
    %and3A_95 = arith.andi %slice3A_94, %lt3A : vector<256x256xi1>
    %jit3A_96 = arith.constant 1.000000e+00 : f32
    %jit3A_97 = arith.constant 0.000000e+00 : f32
    %broadcast_in_dim3A_98 = vector.broadcast %jit3A_96 : f32 to vector<256x256xf32>
    %broadcast_in_dim3A_99 = vector.broadcast %jit3A_97 : f32 to vector<256x256xf32>
    %select_n3A_100 = arith.select %and3A_95, %broadcast_in_dim3A_98, %broadcast_in_dim3A_99 : vector<256x256xi1>, vector<256x256xf32>
    %reduce_sum3A_101 = arith.constant dense<0.000000e+00> : vector<256xf32>
    %reduce_sum3A_102 = vector.multi_reduction <add>, %select_n3A_100, %reduce_sum3A_101 [1] : vector<256x256xf32> to vector<256xf32>
    %broadcast_in_dim3A_103 = vector.shape_cast %reduce_sum3A_102 : vector<256xf32> to vector<256x1xf32>
    %div3A_104 = vector.broadcast %broadcast_in_dim3A : vector<256x1xf32> to vector<256x32xf32>
    %div3A_105 = arith.divf %slice3A_91, %div3A_104 : vector<256x32xf32>
    %get3A_106 = arith.constant 0 : index
    %get3A_107 = arith.constant 0 : index
    %get3A_108 = vector.load %arg2[%get3A_106, %get3A_107] : memref<2048x128xf32, #tpu.memory_space<vmem>>, vector<256x96xf32>
    %concatenate3A_109 = tpu.concatenate %get3A_108, %div3A_105 in 1 : vector<256x96xf32>, vector<256x32xf32> -> vector<256x128xf32>
    %get3A_110 = arith.constant 0 : index
    %get3A_111 = arith.constant 0 : index
    %get3A_112 = vector.load %arg4[%get3A_110, %get3A_111] : memref<256x128xf32, #tpu.memory_space<vmem>>, vector<256x128xf32>
    %dot_general3A_113 = arith.constant dense<0.000000e+00> : vector<256x256xf32>
    %dot_general3A_114 = tpu.matmul %concatenate3A_109, %get3A_112, %dot_general3A_113 {dimension_numbers = #tpu.dot_dimension_numbers<[1], [1], [0], [0], [0, 0, 1, 0], [], []>, transpose_lhs_hint = false} : vector<256x128xf32>, vector<256x128xf32>, vector<256x256xf32> -> vector<256x256xf32>
    %get3A_115 = arith.constant 0 : index
    %get3A_116 = arith.constant 0 : index
    %get3A_117 = vector.load %arg5[%get3A_115, %get3A_116] : memref<1x256xf32, #tpu.memory_space<vmem>>, vector<1x256xf32>
    %add3A_118 = vector.broadcast %get3A_117 : vector<1x256xf32> to vector<256x256xf32>
    %add3A_119 = arith.addf %dot_general3A_114, %add3A_118 : vector<256x256xf32>
    %tanh3A = math.tanh %add3A_119 : vector<256x256xf32>
    %swap3A = arith.constant 0 : index
    %swap3A_120 = arith.constant 0 : index
    %swap3A_121 = vector.load %arg7[%swap3A, %swap3A_120] : memref<2048x256xf32, #tpu.memory_space<vmem>>, vector<256x256xf32>
    tpu.vector_store %arg7[%swap3A, %swap3A_120], %tanh3A {strides = array<i32>} : memref<2048x256xf32, #tpu.memory_space<vmem>>, vector<256x256xf32>,
    %get3A_122 = arith.constant 0 : index
    %get3A_123 = arith.constant 0 : index
    %get3A_124 = arith.constant 0 : index
    %get3A_125 = vector.load %arg3[%get3A_122, %get3A_123, %get3A_124] : memref<1x256x1xf32, #tpu.memory_space<vmem>>, vector<1x256x1xf32>
    %get3A_126 = vector.shape_cast %get3A_125 : vector<1x256x1xf32> to vector<256x1xf32>
    %dot_general3A_127 = arith.constant dense<0.000000e+00> : vector<256x1xf32>
    %dot_general3A_128 = tpu.matmul %tanh3A, %get3A_126, %dot_general3A_127 {dimension_numbers = #tpu.dot_dimension_numbers<[1], [0], [0], [1], [0, 0, 1, 1], [], []>, transpose_lhs_hint = false} : vector<256x256xf32>, vector<256x1xf32>, vector<256x1xf32> -> vector<256x1xf32>
    %div3A_129 = arith.constant 1.600000e+01 : f32
    %div3A_130 = vector.broadcast %div3A_129 : f32 to vector<256x1xf32>
    %div3A_131 = arith.divf %dot_general3A_128, %div3A_130 : vector<256x1xf32>
    %eq3A_132 = arith.constant 0.000000e+00 : f32
    %eq3A_133 = vector.broadcast %eq3A_132 : f32 to vector<256x1xf32>
    %eq3A_134 = arith.cmpf oeq, %broadcast_in_dim3A_103, %eq3A_133 : vector<256x1xf32>
    %jit3A_135 = arith.constant -1.000000e+30 : f32
    %broadcast_in_dim3A_136 = vector.broadcast %jit3A_135 : f32 to vector<256x1xf32>
    %select_n3A_137 = arith.select %eq3A_134, %div3A_131, %broadcast_in_dim3A_136 : vector<256x1xi1>, vector<256x1xf32>
    %swap3A_138 = arith.constant 0 : index
    %swap3A_139 = arith.constant 0 : index
    %swap3A_140 = vector.load %arg8[%swap3A_138, %swap3A_139] : memref<2048x1xf32, #tpu.memory_space<vmem>>, vector<256x1xf32>
    tpu.vector_store %arg8[%swap3A_138, %swap3A_139], %select_n3A_137 {strides = array<i32>} : memref<2048x1xf32, #tpu.memory_space<vmem>>, vector<256x1xf32>,
    %slice3A_141 = vector.extract_strided_slice %convert_element_type3A_61 {offsets = [0, 256], sizes = [4, 256], strides = [1, 1]} : vector<4x2048xbf16> to vector<4x256xbf16>
    %dot_general3A_142 = arith.constant dense<0.000000e+00> : vector<256x4xf32>
    %dot_general3A_143 = tpu.matmul %convert_element_type3A_48, %slice3A_141, %dot_general3A_142 {dimension_numbers = #tpu.dot_dimension_numbers<[1], [1], [0], [0], [0, 0, 1, 0], [], []>, transpose_lhs_hint = false} : vector<256x256xbf16>, vector<4x256xbf16>, vector<256x4xf32> -> vector<256x4xf32>
    %slice3A_144 = vector.extract_strided_slice %dot_general3A_143 {offsets = [0, 0], sizes = [256, 1], strides = [1, 1]} : vector<256x4xf32> to vector<256x1xf32>
    %convert_element_type3A_145 = arith.fptosi %slice3A_144 : vector<256x1xf32> to vector<256x1xi32>
    %mul3A_146 = arith.constant 65536 : i32
    %mul3A_147 = vector.broadcast %mul3A_146 : i32 to vector<256x1xi32>
    %mul3A_148 = arith.muli %convert_element_type3A_145, %mul3A_147 : vector<256x1xi32>
    %slice3A_149 = vector.extract_strided_slice %dot_general3A_143 {offsets = [0, 1], sizes = [256, 1], strides = [1, 1]} : vector<256x4xf32> to vector<256x1xf32>
    %convert_element_type3A_150 = arith.fptosi %slice3A_149 : vector<256x1xf32> to vector<256x1xi32>
    %mul3A_151 = arith.constant 256 : i32
    %mul3A_152 = vector.broadcast %mul3A_151 : i32 to vector<256x1xi32>
    %mul3A_153 = arith.muli %convert_element_type3A_150, %mul3A_152 : vector<256x1xi32>
    %add3A_154 = arith.addi %mul3A_148, %mul3A_153 : vector<256x1xi32>
    %slice3A_155 = vector.extract_strided_slice %dot_general3A_143 {offsets = [0, 2], sizes = [256, 1], strides = [1, 1]} : vector<256x4xf32> to vector<256x1xf32>
    %convert_element_type3A_156 = arith.fptosi %slice3A_155 : vector<256x1xf32> to vector<256x1xi32>
    %add3A_157 = arith.addi %add3A_154, %convert_element_type3A_156 : vector<256x1xi32>
    %mul3A_158 = arith.constant 170 : i32
    %mul3A_159 = vector.broadcast %mul3A_158 : i32 to vector<256x1xi32>
    %mul3A_160 = arith.muli %add3A_157, %mul3A_159 : vector<256x1xi32>
    %slice3A_161 = vector.extract_strided_slice %dot_general3A_143 {offsets = [0, 3], sizes = [256, 1], strides = [1, 1]} : vector<256x4xf32> to vector<256x1xf32>
    %convert_element_type3A_162 = arith.fptosi %slice3A_161 : vector<256x1xf32> to vector<256x1xi32>
    %add3A_163 = arith.addi %mul3A_160, %convert_element_type3A_162 : vector<256x1xi32>
    %eq3A_164 = vector.broadcast %add3A_163 : vector<256x1xi32> to vector<256x2048xi32>
    %eq3A_165 = vector.broadcast %add3A : vector<1x2048xi32> to vector<256x2048xi32>
    %eq3A_166 = arith.cmpi eq, %eq3A_164, %eq3A_165 : vector<256x2048xi32>
    %convert_element_type3A_167 = arith.extui %eq3A_166 : vector<256x2048xi1> to vector<256x2048xi32>
    %convert_element_type3A_168 = arith.sitofp %convert_element_type3A_167 : vector<256x2048xi32> to vector<256x2048xf32>
    %convert_element_type3A_169 = arith.truncf %convert_element_type3A_168 : vector<256x2048xf32> to vector<256x2048xbf16>
    %dot_general3A_170 = arith.constant dense<0.000000e+00> : vector<256x40xf32>
    %dot_general3A_171 = tpu.matmul %convert_element_type3A_169, %concatenate3A, %dot_general3A_170 {dimension_numbers = #tpu.dot_dimension_numbers<[1], [0], [0], [1], [0, 0, 1, 1], [], []>, transpose_lhs_hint = false} : vector<256x2048xbf16>, vector<2048x40xbf16>, vector<256x40xf32> -> vector<256x40xf32>
    %slice3A_172 = vector.extract_strided_slice %dot_general3A_171 {offsets = [0, 0], sizes = [256, 32], strides = [1, 1]} : vector<256x40xf32> to vector<256x32xf32>
    %slice3A_173 = vector.extract_strided_slice %dot_general3A_171 {offsets = [0, 32], sizes = [256, 8], strides = [1, 1]} : vector<256x40xf32> to vector<256x8xf32>
    %reduce_sum3A_174 = arith.constant dense<0.000000e+00> : vector<256xf32>
    %reduce_sum3A_175 = vector.multi_reduction <add>, %slice3A_173, %reduce_sum3A_174 [1] : vector<256x8xf32> to vector<256xf32>
    %broadcast_in_dim3A_176 = vector.shape_cast %reduce_sum3A_175 : vector<256xf32> to vector<256x1xf32>
    %slice3A_177 = vector.extract_strided_slice %eq3A_166 {offsets = [0, 256], sizes = [256, 256], strides = [1, 1]} : vector<256x2048xi1> to vector<256x256xi1>
    %and3A_178 = arith.andi %slice3A_177, %lt3A : vector<256x256xi1>
    %jit3A_179 = arith.constant 1.000000e+00 : f32
    %jit3A_180 = arith.constant 0.000000e+00 : f32
    %broadcast_in_dim3A_181 = vector.broadcast %jit3A_179 : f32 to vector<256x256xf32>
    %broadcast_in_dim3A_182 = vector.broadcast %jit3A_180 : f32 to vector<256x256xf32>
    %select_n3A_183 = arith.select %and3A_178, %broadcast_in_dim3A_181, %broadcast_in_dim3A_182 : vector<256x256xi1>, vector<256x256xf32>
    %reduce_sum3A_184 = arith.constant dense<0.000000e+00> : vector<256xf32>
    %reduce_sum3A_185 = vector.multi_reduction <add>, %select_n3A_183, %reduce_sum3A_184 [1] : vector<256x256xf32> to vector<256xf32>
    %broadcast_in_dim3A_186 = vector.shape_cast %reduce_sum3A_185 : vector<256xf32> to vector<256x1xf32>
    %slice3A_187 = vector.extract_strided_slice %slice3A_173 {offsets = [0, 0], sizes = [256, 1], strides = [1, 1]} : vector<256x8xf32> to vector<256x1xf32>
    %reduce_sum3A_188 = arith.constant dense<0.000000e+00> : vector<256xf32>
    %reduce_sum3A_189 = vector.multi_reduction <add>, %slice3A_187, %reduce_sum3A_188 [1] : vector<256x1xf32> to vector<256xf32>
    %broadcast_in_dim3A_190 = vector.shape_cast %reduce_sum3A_189 : vector<256xf32> to vector<256x1xf32>
    %add3A_191 = arith.addf %broadcast_in_dim3A_186, %broadcast_in_dim3A_190 : vector<256x1xf32>
    %div3A_192 = vector.broadcast %broadcast_in_dim3A_176 : vector<256x1xf32> to vector<256x32xf32>
    %div3A_193 = arith.divf %slice3A_172, %div3A_192 : vector<256x32xf32>
    %get3A_194 = arith.constant 256 : index
    %get3A_195 = arith.constant 0 : index
    %get3A_196 = vector.load %arg2[%get3A_194, %get3A_195] : memref<2048x128xf32, #tpu.memory_space<vmem>>, vector<256x96xf32>
    %concatenate3A_197 = tpu.concatenate %get3A_196, %div3A_193 in 1 : vector<256x96xf32>, vector<256x32xf32> -> vector<256x128xf32>
    %get3A_198 = arith.constant 0 : index
    %get3A_199 = arith.constant 0 : index
    %get3A_200 = vector.load %arg4[%get3A_198, %get3A_199] : memref<256x128xf32, #tpu.memory_space<vmem>>, vector<256x128xf32>
    %dot_general3A_201 = arith.constant dense<0.000000e+00> : vector<256x256xf32>
    %dot_general3A_202 = tpu.matmul %concatenate3A_197, %get3A_200, %dot_general3A_201 {dimension_numbers = #tpu.dot_dimension_numbers<[1], [1], [0], [0], [0, 0, 1, 0], [], []>, transpose_lhs_hint = false} : vector<256x128xf32>, vector<256x128xf32>, vector<256x256xf32> -> vector<256x256xf32>
    %get3A_203 = arith.constant 0 : index
    %get3A_204 = arith.constant 0 : index
    %get3A_205 = vector.load %arg5[%get3A_203, %get3A_204] : memref<1x256xf32, #tpu.memory_space<vmem>>, vector<1x256xf32>
    %add3A_206 = vector.broadcast %get3A_205 : vector<1x256xf32> to vector<256x256xf32>
    %add3A_207 = arith.addf %dot_general3A_202, %add3A_206 : vector<256x256xf32>
    %tanh3A_208 = math.tanh %add3A_207 : vector<256x256xf32>
    %swap3A_209 = arith.constant 256 : index
    %swap3A_210 = arith.constant 0 : index
    %swap3A_211 = vector.load %arg7[%swap3A_209, %swap3A_210] : memref<2048x256xf32, #tpu.memory_space<vmem>>, vector<256x256xf32>
    tpu.vector_store %arg7[%swap3A_209, %swap3A_210], %tanh3A_208 {strides = array<i32>} : memref<2048x256xf32, #tpu.memory_space<vmem>>, vector<256x256xf32>,
    %get3A_212 = arith.constant 0 : index
    %get3A_213 = arith.constant 0 : index
    %get3A_214 = arith.constant 0 : index
    %get3A_215 = vector.load %arg3[%get3A_212, %get3A_213, %get3A_214] : memref<1x256x1xf32, #tpu.memory_space<vmem>>, vector<1x256x1xf32>
    %get3A_216 = vector.shape_cast %get3A_215 : vector<1x256x1xf32> to vector<256x1xf32>
    %dot_general3A_217 = arith.constant dense<0.000000e+00> : vector<256x1xf32>
    %dot_general3A_218 = tpu.matmul %tanh3A_208, %get3A_216, %dot_general3A_217 {dimension_numbers = #tpu.dot_dimension_numbers<[1], [0], [0], [1], [0, 0, 1, 1], [], []>, transpose_lhs_hint = false} : vector<256x256xf32>, vector<256x1xf32>, vector<256x1xf32> -> vector<256x1xf32>
    %div3A_219 = arith.constant 1.600000e+01 : f32
    %div3A_220 = vector.broadcast %div3A_219 : f32 to vector<256x1xf32>
    %div3A_221 = arith.divf %dot_general3A_218, %div3A_220 : vector<256x1xf32>
    %eq3A_222 = arith.constant 0.000000e+00 : f32
    %eq3A_223 = vector.broadcast %eq3A_222 : f32 to vector<256x1xf32>
    %eq3A_224 = arith.cmpf oeq, %add3A_191, %eq3A_223 : vector<256x1xf32>
    %jit3A_225 = arith.constant -1.000000e+30 : f32
    %broadcast_in_dim3A_226 = vector.broadcast %jit3A_225 : f32 to vector<256x1xf32>
    %select_n3A_227 = arith.select %eq3A_224, %div3A_221, %broadcast_in_dim3A_226 : vector<256x1xi1>, vector<256x1xf32>
    %swap3A_228 = arith.constant 256 : index
    %swap3A_229 = arith.constant 0 : index
    %swap3A_230 = vector.load %arg8[%swap3A_228, %swap3A_229] : memref<2048x1xf32, #tpu.memory_space<vmem>>, vector<256x1xf32>
    tpu.vector_store %arg8[%swap3A_228, %swap3A_229], %select_n3A_227 {strides = array<i32>} : memref<2048x1xf32, #tpu.memory_space<vmem>>, vector<256x1xf32>,
    %slice3A_231 = vector.extract_strided_slice %convert_element_type3A_61 {offsets = [0, 512], sizes = [4, 256], strides = [1, 1]} : vector<4x2048xbf16> to vector<4x256xbf16>
    %dot_general3A_232 = arith.constant dense<0.000000e+00> : vector<256x4xf32>
    %dot_general3A_233 = tpu.matmul %convert_element_type3A_48, %slice3A_231, %dot_general3A_232 {dimension_numbers = #tpu.dot_dimension_numbers<[1], [1], [0], [0], [0, 0, 1, 0], [], []>, transpose_lhs_hint = false} : vector<256x256xbf16>, vector<4x256xbf16>, vector<256x4xf32> -> vector<256x4xf32>
    %slice3A_234 = vector.extract_strided_slice %dot_general3A_233 {offsets = [0, 0], sizes = [256, 1], strides = [1, 1]} : vector<256x4xf32> to vector<256x1xf32>
    %convert_element_type3A_235 = arith.fptosi %slice3A_234 : vector<256x1xf32> to vector<256x1xi32>
    %mul3A_236 = arith.constant 65536 : i32
    %mul3A_237 = vector.broadcast %mul3A_236 : i32 to vector<256x1xi32>
    %mul3A_238 = arith.muli %convert_element_type3A_235, %mul3A_237 : vector<256x1xi32>
    %slice3A_239 = vector.extract_strided_slice %dot_general3A_233 {offsets = [0, 1], sizes = [256, 1], strides = [1, 1]} : vector<256x4xf32> to vector<256x1xf32>
    %convert_element_type3A_240 = arith.fptosi %slice3A_239 : vector<256x1xf32> to vector<256x1xi32>
    %mul3A_241 = arith.constant 256 : i32
    %mul3A_242 = vector.broadcast %mul3A_241 : i32 to vector<256x1xi32>
    %mul3A_243 = arith.muli %convert_element_type3A_240, %mul3A_242 : vector<256x1xi32>
    %add3A_244 = arith.addi %mul3A_238, %mul3A_243 : vector<256x1xi32>
    %slice3A_245 = vector.extract_strided_slice %dot_general3A_233 {offsets = [0, 2], sizes = [256, 1], strides = [1, 1]} : vector<256x4xf32> to vector<256x1xf32>
    %convert_element_type3A_246 = arith.fptosi %slice3A_245 : vector<256x1xf32> to vector<256x1xi32>
    %add3A_247 = arith.addi %add3A_244, %convert_element_type3A_246 : vector<256x1xi32>
    %mul3A_248 = arith.constant 170 : i32
    %mul3A_249 = vector.broadcast %mul3A_248 : i32 to vector<256x1xi32>
    %mul3A_250 = arith.muli %add3A_247, %mul3A_249 : vector<256x1xi32>
    %slice3A_251 = vector.extract_strided_slice %dot_general3A_233 {offsets = [0, 3], sizes = [256, 1], strides = [1, 1]} : vector<256x4xf32> to vector<256x1xf32>
    %convert_element_type3A_252 = arith.fptosi %slice3A_251 : vector<256x1xf32> to vector<256x1xi32>
    %add3A_253 = arith.addi %mul3A_250, %convert_element_type3A_252 : vector<256x1xi32>
    %eq3A_254 = vector.broadcast %add3A_253 : vector<256x1xi32> to vector<256x2048xi32>
    %eq3A_255 = vector.broadcast %add3A : vector<1x2048xi32> to vector<256x2048xi32>
    %eq3A_256 = arith.cmpi eq, %eq3A_254, %eq3A_255 : vector<256x2048xi32>
    %convert_element_type3A_257 = arith.extui %eq3A_256 : vector<256x2048xi1> to vector<256x2048xi32>
    %convert_element_type3A_258 = arith.sitofp %convert_element_type3A_257 : vector<256x2048xi32> to vector<256x2048xf32>
    %convert_element_type3A_259 = arith.truncf %convert_element_type3A_258 : vector<256x2048xf32> to vector<256x2048xbf16>
    %dot_general3A_260 = arith.constant dense<0.000000e+00> : vector<256x40xf32>
    %dot_general3A_261 = tpu.matmul %convert_element_type3A_259, %concatenate3A, %dot_general3A_260 {dimension_numbers = #tpu.dot_dimension_numbers<[1], [0], [0], [1], [0, 0, 1, 1], [], []>, transpose_lhs_hint = false} : vector<256x2048xbf16>, vector<2048x40xbf16>, vector<256x40xf32> -> vector<256x40xf32>
    %slice3A_262 = vector.extract_strided_slice %dot_general3A_261 {offsets = [0, 0], sizes = [256, 32], strides = [1, 1]} : vector<256x40xf32> to vector<256x32xf32>
    %slice3A_263 = vector.extract_strided_slice %dot_general3A_261 {offsets = [0, 32], sizes = [256, 8], strides = [1, 1]} : vector<256x40xf32> to vector<256x8xf32>
    %reduce_sum3A_264 = arith.constant dense<0.000000e+00> : vector<256xf32>
    %reduce_sum3A_265 = vector.multi_reduction <add>, %slice3A_263, %reduce_sum3A_264 [1] : vector<256x8xf32> to vector<256xf32>
    %broadcast_in_dim3A_266 = vector.shape_cast %reduce_sum3A_265 : vector<256xf32> to vector<256x1xf32>
    %slice3A_267 = vector.extract_strided_slice %eq3A_256 {offsets = [0, 512], sizes = [256, 256], strides = [1, 1]} : vector<256x2048xi1> to vector<256x256xi1>
    %and3A_268 = arith.andi %slice3A_267, %lt3A : vector<256x256xi1>
    %jit3A_269 = arith.constant 1.000000e+00 : f32
    %jit3A_270 = arith.constant 0.000000e+00 : f32
    %broadcast_in_dim3A_271 = vector.broadcast %jit3A_269 : f32 to vector<256x256xf32>
    %broadcast_in_dim3A_272 = vector.broadcast %jit3A_270 : f32 to vector<256x256xf32>
    %select_n3A_273 = arith.select %and3A_268, %broadcast_in_dim3A_271, %broadcast_in_dim3A_272 : vector<256x256xi1>, vector<256x256xf32>
    %reduce_sum3A_274 = arith.constant dense<0.000000e+00> : vector<256xf32>
    %reduce_sum3A_275 = vector.multi_reduction <add>, %select_n3A_273, %reduce_sum3A_274 [1] : vector<256x256xf32> to vector<256xf32>
    %broadcast_in_dim3A_276 = vector.shape_cast %reduce_sum3A_275 : vector<256xf32> to vector<256x1xf32>
    %slice3A_277 = vector.extract_strided_slice %slice3A_263 {offsets = [0, 0], sizes = [256, 2], strides = [1, 1]} : vector<256x8xf32> to vector<256x2xf32>
    %reduce_sum3A_278 = arith.constant dense<0.000000e+00> : vector<256xf32>
    %reduce_sum3A_279 = vector.multi_reduction <add>, %slice3A_277, %reduce_sum3A_278 [1] : vector<256x2xf32> to vector<256xf32>
    %broadcast_in_dim3A_280 = vector.shape_cast %reduce_sum3A_279 : vector<256xf32> to vector<256x1xf32>
    %add3A_281 = arith.addf %broadcast_in_dim3A_276, %broadcast_in_dim3A_280 : vector<256x1xf32>
    %div3A_282 = vector.broadcast %broadcast_in_dim3A_266 : vector<256x1xf32> to vector<256x32xf32>
    %div3A_283 = arith.divf %slice3A_262, %div3A_282 : vector<256x32xf32>
    %get3A_284 = arith.constant 512 : index
    %get3A_285 = arith.constant 0 : index
    %get3A_286 = vector.load %arg2[%get3A_284, %get3A_285] : memref<2048x128xf32, #tpu.memory_space<vmem>>, vector<256x96xf32>
    %concatenate3A_287 = tpu.concatenate %get3A_286, %div3A_283 in 1 : vector<256x96xf32>, vector<256x32xf32> -> vector<256x128xf32>
    %get3A_288 = arith.constant 0 : index
    %get3A_289 = arith.constant 0 : index
    %get3A_290 = vector.load %arg4[%get3A_288, %get3A_289] : memref<256x128xf32, #tpu.memory_space<vmem>>, vector<256x128xf32>
    %dot_general3A_291 = arith.constant dense<0.000000e+00> : vector<256x256xf32>
    %dot_general3A_292 = tpu.matmul %concatenate3A_287, %get3A_290, %dot_general3A_291 {dimension_numbers = #tpu.dot_dimension_numbers<[1], [1], [0], [0], [0, 0, 1, 0], [], []>, transpose_lhs_hint = false} : vector<256x128xf32>, vector<256x128xf32>, vector<256x256xf32> -> vector<256x256xf32>
    %get3A_293 = arith.constant 0 : index
    %get3A_294 = arith.constant 0 : index
    %get3A_295 = vector.load %arg5[%get3A_293, %get3A_294] : memref<1x256xf32, #tpu.memory_space<vmem>>, vector<1x256xf32>
    %add3A_296 = vector.broadcast %get3A_295 : vector<1x256xf32> to vector<256x256xf32>
    %add3A_297 = arith.addf %dot_general3A_292, %add3A_296 : vector<256x256xf32>
    %tanh3A_298 = math.tanh %add3A_297 : vector<256x256xf32>
    %swap3A_299 = arith.constant 512 : index
    %swap3A_300 = arith.constant 0 : index
    %swap3A_301 = vector.load %arg7[%swap3A_299, %swap3A_300] : memref<2048x256xf32, #tpu.memory_space<vmem>>, vector<256x256xf32>
    tpu.vector_store %arg7[%swap3A_299, %swap3A_300], %tanh3A_298 {strides = array<i32>} : memref<2048x256xf32, #tpu.memory_space<vmem>>, vector<256x256xf32>,
    %get3A_302 = arith.constant 0 : index
    %get3A_303 = arith.constant 0 : index
    %get3A_304 = arith.constant 0 : index
    %get3A_305 = vector.load %arg3[%get3A_302, %get3A_303, %get3A_304] : memref<1x256x1xf32, #tpu.memory_space<vmem>>, vector<1x256x1xf32>
    %get3A_306 = vector.shape_cast %get3A_305 : vector<1x256x1xf32> to vector<256x1xf32>
    %dot_general3A_307 = arith.constant dense<0.000000e+00> : vector<256x1xf32>
    %dot_general3A_308 = tpu.matmul %tanh3A_298, %get3A_306, %dot_general3A_307 {dimension_numbers = #tpu.dot_dimension_numbers<[1], [0], [0], [1], [0, 0, 1, 1], [], []>, transpose_lhs_hint = false} : vector<256x256xf32>, vector<256x1xf32>, vector<256x1xf32> -> vector<256x1xf32>
    %div3A_309 = arith.constant 1.600000e+01 : f32
    %div3A_310 = vector.broadcast %div3A_309 : f32 to vector<256x1xf32>
    %div3A_311 = arith.divf %dot_general3A_308, %div3A_310 : vector<256x1xf32>
    %eq3A_312 = arith.constant 0.000000e+00 : f32
    %eq3A_313 = vector.broadcast %eq3A_312 : f32 to vector<256x1xf32>
    %eq3A_314 = arith.cmpf oeq, %add3A_281, %eq3A_313 : vector<256x1xf32>
    %jit3A_315 = arith.constant -1.000000e+30 : f32
    %broadcast_in_dim3A_316 = vector.broadcast %jit3A_315 : f32 to vector<256x1xf32>
    %select_n3A_317 = arith.select %eq3A_314, %div3A_311, %broadcast_in_dim3A_316 : vector<256x1xi1>, vector<256x1xf32>
    %swap3A_318 = arith.constant 512 : index
    %swap3A_319 = arith.constant 0 : index
    %swap3A_320 = vector.load %arg8[%swap3A_318, %swap3A_319] : memref<2048x1xf32, #tpu.memory_space<vmem>>, vector<256x1xf32>
    tpu.vector_store %arg8[%swap3A_318, %swap3A_319], %select_n3A_317 {strides = array<i32>} : memref<2048x1xf32, #tpu.memory_space<vmem>>, vector<256x1xf32>,
    %slice3A_321 = vector.extract_strided_slice %convert_element_type3A_61 {offsets = [0, 768], sizes = [4, 256], strides = [1, 1]} : vector<4x2048xbf16> to vector<4x256xbf16>
    %dot_general3A_322 = arith.constant dense<0.000000e+00> : vector<256x4xf32>
    %dot_general3A_323 = tpu.matmul %convert_element_type3A_48, %slice3A_321, %dot_general3A_322 {dimension_numbers = #tpu.dot_dimension_numbers<[1], [1], [0], [0], [0, 0, 1, 0], [], []>, transpose_lhs_hint = false} : vector<256x256xbf16>, vector<4x256xbf16>, vector<256x4xf32> -> vector<256x4xf32>
    %slice3A_324 = vector.extract_strided_slice %dot_general3A_323 {offsets = [0, 0], sizes = [256, 1], strides = [1, 1]} : vector<256x4xf32> to vector<256x1xf32>
    %convert_element_type3A_325 = arith.fptosi %slice3A_324 : vector<256x1xf32> to vector<256x1xi32>
    %mul3A_326 = arith.constant 65536 : i32
    %mul3A_327 = vector.broadcast %mul3A_326 : i32 to vector<256x1xi32>
    %mul3A_328 = arith.muli %convert_element_type3A_325, %mul3A_327 : vector<256x1xi32>
    %slice3A_329 = vector.extract_strided_slice %dot_general3A_323 {offsets = [0, 1], sizes = [256, 1], strides = [1, 1]} : vector<256x4xf32> to vector<256x1xf32>
    %convert_element_type3A_330 = arith.fptosi %slice3A_329 : vector<256x1xf32> to vector<256x1xi32>
    %mul3A_331 = arith.constant 256 : i32
    %mul3A_332 = vector.broadcast %mul3A_331 : i32 to vector<256x1xi32>
    %mul3A_333 = arith.muli %convert_element_type3A_330, %mul3A_332 : vector<256x1xi32>
    %add3A_334 = arith.addi %mul3A_328, %mul3A_333 : vector<256x1xi32>
    %slice3A_335 = vector.extract_strided_slice %dot_general3A_323 {offsets = [0, 2], sizes = [256, 1], strides = [1, 1]} : vector<256x4xf32> to vector<256x1xf32>
    %convert_element_type3A_336 = arith.fptosi %slice3A_335 : vector<256x1xf32> to vector<256x1xi32>
    %add3A_337 = arith.addi %add3A_334, %convert_element_type3A_336 : vector<256x1xi32>
    %mul3A_338 = arith.constant 170 : i32
    %mul3A_339 = vector.broadcast %mul3A_338 : i32 to vector<256x1xi32>
    %mul3A_340 = arith.muli %add3A_337, %mul3A_339 : vector<256x1xi32>
    %slice3A_341 = vector.extract_strided_slice %dot_general3A_323 {offsets = [0, 3], sizes = [256, 1], strides = [1, 1]} : vector<256x4xf32> to vector<256x1xf32>
    %convert_element_type3A_342 = arith.fptosi %slice3A_341 : vector<256x1xf32> to vector<256x1xi32>
    %add3A_343 = arith.addi %mul3A_340, %convert_element_type3A_342 : vector<256x1xi32>
    %eq3A_344 = vector.broadcast %add3A_343 : vector<256x1xi32> to vector<256x2048xi32>
    %eq3A_345 = vector.broadcast %add3A : vector<1x2048xi32> to vector<256x2048xi32>
    %eq3A_346 = arith.cmpi eq, %eq3A_344, %eq3A_345 : vector<256x2048xi32>
    %convert_element_type3A_347 = arith.extui %eq3A_346 : vector<256x2048xi1> to vector<256x2048xi32>
    %convert_element_type3A_348 = arith.sitofp %convert_element_type3A_347 : vector<256x2048xi32> to vector<256x2048xf32>
    %convert_element_type3A_349 = arith.truncf %convert_element_type3A_348 : vector<256x2048xf32> to vector<256x2048xbf16>
    %dot_general3A_350 = arith.constant dense<0.000000e+00> : vector<256x40xf32>
    %dot_general3A_351 = tpu.matmul %convert_element_type3A_349, %concatenate3A, %dot_general3A_350 {dimension_numbers = #tpu.dot_dimension_numbers<[1], [0], [0], [1], [0, 0, 1, 1], [], []>, transpose_lhs_hint = false} : vector<256x2048xbf16>, vector<2048x40xbf16>, vector<256x40xf32> -> vector<256x40xf32>
    %slice3A_352 = vector.extract_strided_slice %dot_general3A_351 {offsets = [0, 0], sizes = [256, 32], strides = [1, 1]} : vector<256x40xf32> to vector<256x32xf32>
    %slice3A_353 = vector.extract_strided_slice %dot_general3A_351 {offsets = [0, 32], sizes = [256, 8], strides = [1, 1]} : vector<256x40xf32> to vector<256x8xf32>
    %reduce_sum3A_354 = arith.constant dense<0.000000e+00> : vector<256xf32>
    %reduce_sum3A_355 = vector.multi_reduction <add>, %slice3A_353, %reduce_sum3A_354 [1] : vector<256x8xf32> to vector<256xf32>
    %broadcast_in_dim3A_356 = vector.shape_cast %reduce_sum3A_355 : vector<256xf32> to vector<256x1xf32>
    %slice3A_357 = vector.extract_strided_slice %eq3A_346 {offsets = [0, 768], sizes = [256, 256], strides = [1, 1]} : vector<256x2048xi1> to vector<256x256xi1>
    %and3A_358 = arith.andi %slice3A_357, %lt3A : vector<256x256xi1>
    %jit3A_359 = arith.constant 1.000000e+00 : f32
    %jit3A_360 = arith.constant 0.000000e+00 : f32
    %broadcast_in_dim3A_361 = vector.broadcast %jit3A_359 : f32 to vector<256x256xf32>
    %broadcast_in_dim3A_362 = vector.broadcast %jit3A_360 : f32 to vector<256x256xf32>
    %select_n3A_363 = arith.select %and3A_358, %broadcast_in_dim3A_361, %broadcast_in_dim3A_362 : vector<256x256xi1>, vector<256x256xf32>
    %reduce_sum3A_364 = arith.constant dense<0.000000e+00> : vector<256xf32>
    %reduce_sum3A_365 = vector.multi_reduction <add>, %select_n3A_363, %reduce_sum3A_364 [1] : vector<256x256xf32> to vector<256xf32>
    %broadcast_in_dim3A_366 = vector.shape_cast %reduce_sum3A_365 : vector<256xf32> to vector<256x1xf32>
    %slice3A_367 = vector.extract_strided_slice %slice3A_353 {offsets = [0, 0], sizes = [256, 3], strides = [1, 1]} : vector<256x8xf32> to vector<256x3xf32>
    %reduce_sum3A_368 = arith.constant dense<0.000000e+00> : vector<256xf32>
    %reduce_sum3A_369 = vector.multi_reduction <add>, %slice3A_367, %reduce_sum3A_368 [1] : vector<256x3xf32> to vector<256xf32>
    %broadcast_in_dim3A_370 = vector.shape_cast %reduce_sum3A_369 : vector<256xf32> to vector<256x1xf32>
    %add3A_371 = arith.addf %broadcast_in_dim3A_366, %broadcast_in_dim3A_370 : vector<256x1xf32>
    %div3A_372 = vector.broadcast %broadcast_in_dim3A_356 : vector<256x1xf32> to vector<256x32xf32>
    %div3A_373 = arith.divf %slice3A_352, %div3A_372 : vector<256x32xf32>
    %get3A_374 = arith.constant 768 : index
    %get3A_375 = arith.constant 0 : index
    %get3A_376 = vector.load %arg2[%get3A_374, %get3A_375] : memref<2048x128xf32, #tpu.memory_space<vmem>>, vector<256x96xf32>
    %concatenate3A_377 = tpu.concatenate %get3A_376, %div3A_373 in 1 : vector<256x96xf32>, vector<256x32xf32> -> vector<256x128xf32>
    %get3A_378 = arith.constant 0 : index
    %get3A_379 = arith.constant 0 : index
    %get3A_380 = vector.load %arg4[%get3A_378, %get3A_379] : memref<256x128xf32, #tpu.memory_space<vmem>>, vector<256x128xf32>
    %dot_general3A_381 = arith.constant dense<0.000000e+00> : vector<256x256xf32>
    %dot_general3A_382 = tpu.matmul %concatenate3A_377, %get3A_380, %dot_general3A_381 {dimension_numbers = #tpu.dot_dimension_numbers<[1], [1], [0], [0], [0, 0, 1, 0], [], []>, transpose_lhs_hint = false} : vector<256x128xf32>, vector<256x128xf32>, vector<256x256xf32> -> vector<256x256xf32>
    %get3A_383 = arith.constant 0 : index
    %get3A_384 = arith.constant 0 : index
    %get3A_385 = vector.load %arg5[%get3A_383, %get3A_384] : memref<1x256xf32, #tpu.memory_space<vmem>>, vector<1x256xf32>
    %add3A_386 = vector.broadcast %get3A_385 : vector<1x256xf32> to vector<256x256xf32>
    %add3A_387 = arith.addf %dot_general3A_382, %add3A_386 : vector<256x256xf32>
    %tanh3A_388 = math.tanh %add3A_387 : vector<256x256xf32>
    %swap3A_389 = arith.constant 768 : index
    %swap3A_390 = arith.constant 0 : index
    %swap3A_391 = vector.load %arg7[%swap3A_389, %swap3A_390] : memref<2048x256xf32, #tpu.memory_space<vmem>>, vector<256x256xf32>
    tpu.vector_store %arg7[%swap3A_389, %swap3A_390], %tanh3A_388 {strides = array<i32>} : memref<2048x256xf32, #tpu.memory_space<vmem>>, vector<256x256xf32>,
    %get3A_392 = arith.constant 0 : index
    %get3A_393 = arith.constant 0 : index
    %get3A_394 = arith.constant 0 : index
    %get3A_395 = vector.load %arg3[%get3A_392, %get3A_393, %get3A_394] : memref<1x256x1xf32, #tpu.memory_space<vmem>>, vector<1x256x1xf32>
    %get3A_396 = vector.shape_cast %get3A_395 : vector<1x256x1xf32> to vector<256x1xf32>
    %dot_general3A_397 = arith.constant dense<0.000000e+00> : vector<256x1xf32>
    %dot_general3A_398 = tpu.matmul %tanh3A_388, %get3A_396, %dot_general3A_397 {dimension_numbers = #tpu.dot_dimension_numbers<[1], [0], [0], [1], [0, 0, 1, 1], [], []>, transpose_lhs_hint = false} : vector<256x256xf32>, vector<256x1xf32>, vector<256x1xf32> -> vector<256x1xf32>
    %div3A_399 = arith.constant 1.600000e+01 : f32
    %div3A_400 = vector.broadcast %div3A_399 : f32 to vector<256x1xf32>
    %div3A_401 = arith.divf %dot_general3A_398, %div3A_400 : vector<256x1xf32>
    %eq3A_402 = arith.constant 0.000000e+00 : f32
    %eq3A_403 = vector.broadcast %eq3A_402 : f32 to vector<256x1xf32>
    %eq3A_404 = arith.cmpf oeq, %add3A_371, %eq3A_403 : vector<256x1xf32>
    %jit3A_405 = arith.constant -1.000000e+30 : f32
    %broadcast_in_dim3A_406 = vector.broadcast %jit3A_405 : f32 to vector<256x1xf32>
    %select_n3A_407 = arith.select %eq3A_404, %div3A_401, %broadcast_in_dim3A_406 : vector<256x1xi1>, vector<256x1xf32>
    %swap3A_408 = arith.constant 768 : index
    %swap3A_409 = arith.constant 0 : index
    %swap3A_410 = vector.load %arg8[%swap3A_408, %swap3A_409] : memref<2048x1xf32, #tpu.memory_space<vmem>>, vector<256x1xf32>
    tpu.vector_store %arg8[%swap3A_408, %swap3A_409], %select_n3A_407 {strides = array<i32>} : memref<2048x1xf32, #tpu.memory_space<vmem>>, vector<256x1xf32>,
    %slice3A_411 = vector.extract_strided_slice %convert_element_type3A_61 {offsets = [0, 1024], sizes = [4, 256], strides = [1, 1]} : vector<4x2048xbf16> to vector<4x256xbf16>
    %dot_general3A_412 = arith.constant dense<0.000000e+00> : vector<256x4xf32>
    %dot_general3A_413 = tpu.matmul %convert_element_type3A_48, %slice3A_411, %dot_general3A_412 {dimension_numbers = #tpu.dot_dimension_numbers<[1], [1], [0], [0], [0, 0, 1, 0], [], []>, transpose_lhs_hint = false} : vector<256x256xbf16>, vector<4x256xbf16>, vector<256x4xf32> -> vector<256x4xf32>
    %slice3A_414 = vector.extract_strided_slice %dot_general3A_413 {offsets = [0, 0], sizes = [256, 1], strides = [1, 1]} : vector<256x4xf32> to vector<256x1xf32>
    %convert_element_type3A_415 = arith.fptosi %slice3A_414 : vector<256x1xf32> to vector<256x1xi32>
    %mul3A_416 = arith.constant 65536 : i32
    %mul3A_417 = vector.broadcast %mul3A_416 : i32 to vector<256x1xi32>
    %mul3A_418 = arith.muli %convert_element_type3A_415, %mul3A_417 : vector<256x1xi32>
    %slice3A_419 = vector.extract_strided_slice %dot_general3A_413 {offsets = [0, 1], sizes = [256, 1], strides = [1, 1]} : vector<256x4xf32> to vector<256x1xf32>
    %convert_element_type3A_420 = arith.fptosi %slice3A_419 : vector<256x1xf32> to vector<256x1xi32>
    %mul3A_421 = arith.constant 256 : i32
    %mul3A_422 = vector.broadcast %mul3A_421 : i32 to vector<256x1xi32>
    %mul3A_423 = arith.muli %convert_element_type3A_420, %mul3A_422 : vector<256x1xi32>
    %add3A_424 = arith.addi %mul3A_418, %mul3A_423 : vector<256x1xi32>
    %slice3A_425 = vector.extract_strided_slice %dot_general3A_413 {offsets = [0, 2], sizes = [256, 1], strides = [1, 1]} : vector<256x4xf32> to vector<256x1xf32>
    %convert_element_type3A_426 = arith.fptosi %slice3A_425 : vector<256x1xf32> to vector<256x1xi32>
    %add3A_427 = arith.addi %add3A_424, %convert_element_type3A_426 : vector<256x1xi32>
    %mul3A_428 = arith.constant 170 : i32
    %mul3A_429 = vector.broadcast %mul3A_428 : i32 to vector<256x1xi32>
    %mul3A_430 = arith.muli %add3A_427, %mul3A_429 : vector<256x1xi32>
    %slice3A_431 = vector.extract_strided_slice %dot_general3A_413 {offsets = [0, 3], sizes = [256, 1], strides = [1, 1]} : vector<256x4xf32> to vector<256x1xf32>
    %convert_element_type3A_432 = arith.fptosi %slice3A_431 : vector<256x1xf32> to vector<256x1xi32>
    %add3A_433 = arith.addi %mul3A_430, %convert_element_type3A_432 : vector<256x1xi32>
    %eq3A_434 = vector.broadcast %add3A_433 : vector<256x1xi32> to vector<256x2048xi32>
    %eq3A_435 = vector.broadcast %add3A : vector<1x2048xi32> to vector<256x2048xi32>
    %eq3A_436 = arith.cmpi eq, %eq3A_434, %eq3A_435 : vector<256x2048xi32>
    %convert_element_type3A_437 = arith.extui %eq3A_436 : vector<256x2048xi1> to vector<256x2048xi32>
    %convert_element_type3A_438 = arith.sitofp %convert_element_type3A_437 : vector<256x2048xi32> to vector<256x2048xf32>
    %convert_element_type3A_439 = arith.truncf %convert_element_type3A_438 : vector<256x2048xf32> to vector<256x2048xbf16>
    %dot_general3A_440 = arith.constant dense<0.000000e+00> : vector<256x40xf32>
    %dot_general3A_441 = tpu.matmul %convert_element_type3A_439, %concatenate3A, %dot_general3A_440 {dimension_numbers = #tpu.dot_dimension_numbers<[1], [0], [0], [1], [0, 0, 1, 1], [], []>, transpose_lhs_hint = false} : vector<256x2048xbf16>, vector<2048x40xbf16>, vector<256x40xf32> -> vector<256x40xf32>
    %slice3A_442 = vector.extract_strided_slice %dot_general3A_441 {offsets = [0, 0], sizes = [256, 32], strides = [1, 1]} : vector<256x40xf32> to vector<256x32xf32>
    %slice3A_443 = vector.extract_strided_slice %dot_general3A_441 {offsets = [0, 32], sizes = [256, 8], strides = [1, 1]} : vector<256x40xf32> to vector<256x8xf32>
    %reduce_sum3A_444 = arith.constant dense<0.000000e+00> : vector<256xf32>
    %reduce_sum3A_445 = vector.multi_reduction <add>, %slice3A_443, %reduce_sum3A_444 [1] : vector<256x8xf32> to vector<256xf32>
    %broadcast_in_dim3A_446 = vector.shape_cast %reduce_sum3A_445 : vector<256xf32> to vector<256x1xf32>
    %slice3A_447 = vector.extract_strided_slice %eq3A_436 {offsets = [0, 1024], sizes = [256, 256], strides = [1, 1]} : vector<256x2048xi1> to vector<256x256xi1>
    %and3A_448 = arith.andi %slice3A_447, %lt3A : vector<256x256xi1>
    %jit3A_449 = arith.constant 1.000000e+00 : f32
    %jit3A_450 = arith.constant 0.000000e+00 : f32
    %broadcast_in_dim3A_451 = vector.broadcast %jit3A_449 : f32 to vector<256x256xf32>
    %broadcast_in_dim3A_452 = vector.broadcast %jit3A_450 : f32 to vector<256x256xf32>
    %select_n3A_453 = arith.select %and3A_448, %broadcast_in_dim3A_451, %broadcast_in_dim3A_452 : vector<256x256xi1>, vector<256x256xf32>
    %reduce_sum3A_454 = arith.constant dense<0.000000e+00> : vector<256xf32>
    %reduce_sum3A_455 = vector.multi_reduction <add>, %select_n3A_453, %reduce_sum3A_454 [1] : vector<256x256xf32> to vector<256xf32>
    %broadcast_in_dim3A_456 = vector.shape_cast %reduce_sum3A_455 : vector<256xf32> to vector<256x1xf32>
    %slice3A_457 = vector.extract_strided_slice %slice3A_443 {offsets = [0, 0], sizes = [256, 4], strides = [1, 1]} : vector<256x8xf32> to vector<256x4xf32>
    %reduce_sum3A_458 = arith.constant dense<0.000000e+00> : vector<256xf32>
    %reduce_sum3A_459 = vector.multi_reduction <add>, %slice3A_457, %reduce_sum3A_458 [1] : vector<256x4xf32> to vector<256xf32>
    %broadcast_in_dim3A_460 = vector.shape_cast %reduce_sum3A_459 : vector<256xf32> to vector<256x1xf32>
    %add3A_461 = arith.addf %broadcast_in_dim3A_456, %broadcast_in_dim3A_460 : vector<256x1xf32>
    %div3A_462 = vector.broadcast %broadcast_in_dim3A_446 : vector<256x1xf32> to vector<256x32xf32>
    %div3A_463 = arith.divf %slice3A_442, %div3A_462 : vector<256x32xf32>
    %get3A_464 = arith.constant 1024 : index
    %get3A_465 = arith.constant 0 : index
    %get3A_466 = vector.load %arg2[%get3A_464, %get3A_465] : memref<2048x128xf32, #tpu.memory_space<vmem>>, vector<256x96xf32>
    %concatenate3A_467 = tpu.concatenate %get3A_466, %div3A_463 in 1 : vector<256x96xf32>, vector<256x32xf32> -> vector<256x128xf32>
    %get3A_468 = arith.constant 0 : index
    %get3A_469 = arith.constant 0 : index
    %get3A_470 = vector.load %arg4[%get3A_468, %get3A_469] : memref<256x128xf32, #tpu.memory_space<vmem>>, vector<256x128xf32>
    %dot_general3A_471 = arith.constant dense<0.000000e+00> : vector<256x256xf32>
    %dot_general3A_472 = tpu.matmul %concatenate3A_467, %get3A_470, %dot_general3A_471 {dimension_numbers = #tpu.dot_dimension_numbers<[1], [1], [0], [0], [0, 0, 1, 0], [], []>, transpose_lhs_hint = false} : vector<256x128xf32>, vector<256x128xf32>, vector<256x256xf32> -> vector<256x256xf32>
    %get3A_473 = arith.constant 0 : index
    %get3A_474 = arith.constant 0 : index
    %get3A_475 = vector.load %arg5[%get3A_473, %get3A_474] : memref<1x256xf32, #tpu.memory_space<vmem>>, vector<1x256xf32>
    %add3A_476 = vector.broadcast %get3A_475 : vector<1x256xf32> to vector<256x256xf32>
    %add3A_477 = arith.addf %dot_general3A_472, %add3A_476 : vector<256x256xf32>
    %tanh3A_478 = math.tanh %add3A_477 : vector<256x256xf32>
    %swap3A_479 = arith.constant 1024 : index
    %swap3A_480 = arith.constant 0 : index
    %swap3A_481 = vector.load %arg7[%swap3A_479, %swap3A_480] : memref<2048x256xf32, #tpu.memory_space<vmem>>, vector<256x256xf32>
    tpu.vector_store %arg7[%swap3A_479, %swap3A_480], %tanh3A_478 {strides = array<i32>} : memref<2048x256xf32, #tpu.memory_space<vmem>>, vector<256x256xf32>,
    %get3A_482 = arith.constant 0 : index
    %get3A_483 = arith.constant 0 : index
    %get3A_484 = arith.constant 0 : index
    %get3A_485 = vector.load %arg3[%get3A_482, %get3A_483, %get3A_484] : memref<1x256x1xf32, #tpu.memory_space<vmem>>, vector<1x256x1xf32>
    %get3A_486 = vector.shape_cast %get3A_485 : vector<1x256x1xf32> to vector<256x1xf32>
    %dot_general3A_487 = arith.constant dense<0.000000e+00> : vector<256x1xf32>
    %dot_general3A_488 = tpu.matmul %tanh3A_478, %get3A_486, %dot_general3A_487 {dimension_numbers = #tpu.dot_dimension_numbers<[1], [0], [0], [1], [0, 0, 1, 1], [], []>, transpose_lhs_hint = false} : vector<256x256xf32>, vector<256x1xf32>, vector<256x1xf32> -> vector<256x1xf32>
    %div3A_489 = arith.constant 1.600000e+01 : f32
    %div3A_490 = vector.broadcast %div3A_489 : f32 to vector<256x1xf32>
    %div3A_491 = arith.divf %dot_general3A_488, %div3A_490 : vector<256x1xf32>
    %eq3A_492 = arith.constant 0.000000e+00 : f32
    %eq3A_493 = vector.broadcast %eq3A_492 : f32 to vector<256x1xf32>
    %eq3A_494 = arith.cmpf oeq, %add3A_461, %eq3A_493 : vector<256x1xf32>
    %jit3A_495 = arith.constant -1.000000e+30 : f32
    %broadcast_in_dim3A_496 = vector.broadcast %jit3A_495 : f32 to vector<256x1xf32>
    %select_n3A_497 = arith.select %eq3A_494, %div3A_491, %broadcast_in_dim3A_496 : vector<256x1xi1>, vector<256x1xf32>
    %swap3A_498 = arith.constant 1024 : index
    %swap3A_499 = arith.constant 0 : index
    %swap3A_500 = vector.load %arg8[%swap3A_498, %swap3A_499] : memref<2048x1xf32, #tpu.memory_space<vmem>>, vector<256x1xf32>
    tpu.vector_store %arg8[%swap3A_498, %swap3A_499], %select_n3A_497 {strides = array<i32>} : memref<2048x1xf32, #tpu.memory_space<vmem>>, vector<256x1xf32>,
    %slice3A_501 = vector.extract_strided_slice %convert_element_type3A_61 {offsets = [0, 1280], sizes = [4, 256], strides = [1, 1]} : vector<4x2048xbf16> to vector<4x256xbf16>
    %dot_general3A_502 = arith.constant dense<0.000000e+00> : vector<256x4xf32>
    %dot_general3A_503 = tpu.matmul %convert_element_type3A_48, %slice3A_501, %dot_general3A_502 {dimension_numbers = #tpu.dot_dimension_numbers<[1], [1], [0], [0], [0, 0, 1, 0], [], []>, transpose_lhs_hint = false} : vector<256x256xbf16>, vector<4x256xbf16>, vector<256x4xf32> -> vector<256x4xf32>
    %slice3A_504 = vector.extract_strided_slice %dot_general3A_503 {offsets = [0, 0], sizes = [256, 1], strides = [1, 1]} : vector<256x4xf32> to vector<256x1xf32>
    %convert_element_type3A_505 = arith.fptosi %slice3A_504 : vector<256x1xf32> to vector<256x1xi32>
    %mul3A_506 = arith.constant 65536 : i32
    %mul3A_507 = vector.broadcast %mul3A_506 : i32 to vector<256x1xi32>
    %mul3A_508 = arith.muli %convert_element_type3A_505, %mul3A_507 : vector<256x1xi32>
    %slice3A_509 = vector.extract_strided_slice %dot_general3A_503 {offsets = [0, 1], sizes = [256, 1], strides = [1, 1]} : vector<256x4xf32> to vector<256x1xf32>
    %convert_element_type3A_510 = arith.fptosi %slice3A_509 : vector<256x1xf32> to vector<256x1xi32>
    %mul3A_511 = arith.constant 256 : i32
    %mul3A_512 = vector.broadcast %mul3A_511 : i32 to vector<256x1xi32>
    %mul3A_513 = arith.muli %convert_element_type3A_510, %mul3A_512 : vector<256x1xi32>
    %add3A_514 = arith.addi %mul3A_508, %mul3A_513 : vector<256x1xi32>
    %slice3A_515 = vector.extract_strided_slice %dot_general3A_503 {offsets = [0, 2], sizes = [256, 1], strides = [1, 1]} : vector<256x4xf32> to vector<256x1xf32>
    %convert_element_type3A_516 = arith.fptosi %slice3A_515 : vector<256x1xf32> to vector<256x1xi32>
    %add3A_517 = arith.addi %add3A_514, %convert_element_type3A_516 : vector<256x1xi32>
    %mul3A_518 = arith.constant 170 : i32
    %mul3A_519 = vector.broadcast %mul3A_518 : i32 to vector<256x1xi32>
    %mul3A_520 = arith.muli %add3A_517, %mul3A_519 : vector<256x1xi32>
    %slice3A_521 = vector.extract_strided_slice %dot_general3A_503 {offsets = [0, 3], sizes = [256, 1], strides = [1, 1]} : vector<256x4xf32> to vector<256x1xf32>
    %convert_element_type3A_522 = arith.fptosi %slice3A_521 : vector<256x1xf32> to vector<256x1xi32>
    %add3A_523 = arith.addi %mul3A_520, %convert_element_type3A_522 : vector<256x1xi32>
    %eq3A_524 = vector.broadcast %add3A_523 : vector<256x1xi32> to vector<256x2048xi32>
    %eq3A_525 = vector.broadcast %add3A : vector<1x2048xi32> to vector<256x2048xi32>
    %eq3A_526 = arith.cmpi eq, %eq3A_524, %eq3A_525 : vector<256x2048xi32>
    %convert_element_type3A_527 = arith.extui %eq3A_526 : vector<256x2048xi1> to vector<256x2048xi32>
    %convert_element_type3A_528 = arith.sitofp %convert_element_type3A_527 : vector<256x2048xi32> to vector<256x2048xf32>
    %convert_element_type3A_529 = arith.truncf %convert_element_type3A_528 : vector<256x2048xf32> to vector<256x2048xbf16>
    %dot_general3A_530 = arith.constant dense<0.000000e+00> : vector<256x40xf32>
    %dot_general3A_531 = tpu.matmul %convert_element_type3A_529, %concatenate3A, %dot_general3A_530 {dimension_numbers = #tpu.dot_dimension_numbers<[1], [0], [0], [1], [0, 0, 1, 1], [], []>, transpose_lhs_hint = false} : vector<256x2048xbf16>, vector<2048x40xbf16>, vector<256x40xf32> -> vector<256x40xf32>
    %slice3A_532 = vector.extract_strided_slice %dot_general3A_531 {offsets = [0, 0], sizes = [256, 32], strides = [1, 1]} : vector<256x40xf32> to vector<256x32xf32>
    %slice3A_533 = vector.extract_strided_slice %dot_general3A_531 {offsets = [0, 32], sizes = [256, 8], strides = [1, 1]} : vector<256x40xf32> to vector<256x8xf32>
    %reduce_sum3A_534 = arith.constant dense<0.000000e+00> : vector<256xf32>
    %reduce_sum3A_535 = vector.multi_reduction <add>, %slice3A_533, %reduce_sum3A_534 [1] : vector<256x8xf32> to vector<256xf32>
    %broadcast_in_dim3A_536 = vector.shape_cast %reduce_sum3A_535 : vector<256xf32> to vector<256x1xf32>
    %slice3A_537 = vector.extract_strided_slice %eq3A_526 {offsets = [0, 1280], sizes = [256, 256], strides = [1, 1]} : vector<256x2048xi1> to vector<256x256xi1>
    %and3A_538 = arith.andi %slice3A_537, %lt3A : vector<256x256xi1>
    %jit3A_539 = arith.constant 1.000000e+00 : f32
    %jit3A_540 = arith.constant 0.000000e+00 : f32
    %broadcast_in_dim3A_541 = vector.broadcast %jit3A_539 : f32 to vector<256x256xf32>
    %broadcast_in_dim3A_542 = vector.broadcast %jit3A_540 : f32 to vector<256x256xf32>
    %select_n3A_543 = arith.select %and3A_538, %broadcast_in_dim3A_541, %broadcast_in_dim3A_542 : vector<256x256xi1>, vector<256x256xf32>
    %reduce_sum3A_544 = arith.constant dense<0.000000e+00> : vector<256xf32>
    %reduce_sum3A_545 = vector.multi_reduction <add>, %select_n3A_543, %reduce_sum3A_544 [1] : vector<256x256xf32> to vector<256xf32>
    %broadcast_in_dim3A_546 = vector.shape_cast %reduce_sum3A_545 : vector<256xf32> to vector<256x1xf32>
    %slice3A_547 = vector.extract_strided_slice %slice3A_533 {offsets = [0, 0], sizes = [256, 5], strides = [1, 1]} : vector<256x8xf32> to vector<256x5xf32>
    %reduce_sum3A_548 = arith.constant dense<0.000000e+00> : vector<256xf32>
    %reduce_sum3A_549 = vector.multi_reduction <add>, %slice3A_547, %reduce_sum3A_548 [1] : vector<256x5xf32> to vector<256xf32>
    %broadcast_in_dim3A_550 = vector.shape_cast %reduce_sum3A_549 : vector<256xf32> to vector<256x1xf32>
    %add3A_551 = arith.addf %broadcast_in_dim3A_546, %broadcast_in_dim3A_550 : vector<256x1xf32>
    %div3A_552 = vector.broadcast %broadcast_in_dim3A_536 : vector<256x1xf32> to vector<256x32xf32>
    %div3A_553 = arith.divf %slice3A_532, %div3A_552 : vector<256x32xf32>
    %get3A_554 = arith.constant 1280 : index
    %get3A_555 = arith.constant 0 : index
    %get3A_556 = vector.load %arg2[%get3A_554, %get3A_555] : memref<2048x128xf32, #tpu.memory_space<vmem>>, vector<256x96xf32>
    %concatenate3A_557 = tpu.concatenate %get3A_556, %div3A_553 in 1 : vector<256x96xf32>, vector<256x32xf32> -> vector<256x128xf32>
    %get3A_558 = arith.constant 0 : index
    %get3A_559 = arith.constant 0 : index
    %get3A_560 = vector.load %arg4[%get3A_558, %get3A_559] : memref<256x128xf32, #tpu.memory_space<vmem>>, vector<256x128xf32>
    %dot_general3A_561 = arith.constant dense<0.000000e+00> : vector<256x256xf32>
    %dot_general3A_562 = tpu.matmul %concatenate3A_557, %get3A_560, %dot_general3A_561 {dimension_numbers = #tpu.dot_dimension_numbers<[1], [1], [0], [0], [0, 0, 1, 0], [], []>, transpose_lhs_hint = false} : vector<256x128xf32>, vector<256x128xf32>, vector<256x256xf32> -> vector<256x256xf32>
    %get3A_563 = arith.constant 0 : index
    %get3A_564 = arith.constant 0 : index
    %get3A_565 = vector.load %arg5[%get3A_563, %get3A_564] : memref<1x256xf32, #tpu.memory_space<vmem>>, vector<1x256xf32>
    %add3A_566 = vector.broadcast %get3A_565 : vector<1x256xf32> to vector<256x256xf32>
    %add3A_567 = arith.addf %dot_general3A_562, %add3A_566 : vector<256x256xf32>
    %tanh3A_568 = math.tanh %add3A_567 : vector<256x256xf32>
    %swap3A_569 = arith.constant 1280 : index
    %swap3A_570 = arith.constant 0 : index
    %swap3A_571 = vector.load %arg7[%swap3A_569, %swap3A_570] : memref<2048x256xf32, #tpu.memory_space<vmem>>, vector<256x256xf32>
    tpu.vector_store %arg7[%swap3A_569, %swap3A_570], %tanh3A_568 {strides = array<i32>} : memref<2048x256xf32, #tpu.memory_space<vmem>>, vector<256x256xf32>,
    %get3A_572 = arith.constant 0 : index
    %get3A_573 = arith.constant 0 : index
    %get3A_574 = arith.constant 0 : index
    %get3A_575 = vector.load %arg3[%get3A_572, %get3A_573, %get3A_574] : memref<1x256x1xf32, #tpu.memory_space<vmem>>, vector<1x256x1xf32>
    %get3A_576 = vector.shape_cast %get3A_575 : vector<1x256x1xf32> to vector<256x1xf32>
    %dot_general3A_577 = arith.constant dense<0.000000e+00> : vector<256x1xf32>
    %dot_general3A_578 = tpu.matmul %tanh3A_568, %get3A_576, %dot_general3A_577 {dimension_numbers = #tpu.dot_dimension_numbers<[1], [0], [0], [1], [0, 0, 1, 1], [], []>, transpose_lhs_hint = false} : vector<256x256xf32>, vector<256x1xf32>, vector<256x1xf32> -> vector<256x1xf32>
    %div3A_579 = arith.constant 1.600000e+01 : f32
    %div3A_580 = vector.broadcast %div3A_579 : f32 to vector<256x1xf32>
    %div3A_581 = arith.divf %dot_general3A_578, %div3A_580 : vector<256x1xf32>
    %eq3A_582 = arith.constant 0.000000e+00 : f32
    %eq3A_583 = vector.broadcast %eq3A_582 : f32 to vector<256x1xf32>
    %eq3A_584 = arith.cmpf oeq, %add3A_551, %eq3A_583 : vector<256x1xf32>
    %jit3A_585 = arith.constant -1.000000e+30 : f32
    %broadcast_in_dim3A_586 = vector.broadcast %jit3A_585 : f32 to vector<256x1xf32>
    %select_n3A_587 = arith.select %eq3A_584, %div3A_581, %broadcast_in_dim3A_586 : vector<256x1xi1>, vector<256x1xf32>
    %swap3A_588 = arith.constant 1280 : index
    %swap3A_589 = arith.constant 0 : index
    %swap3A_590 = vector.load %arg8[%swap3A_588, %swap3A_589] : memref<2048x1xf32, #tpu.memory_space<vmem>>, vector<256x1xf32>
    tpu.vector_store %arg8[%swap3A_588, %swap3A_589], %select_n3A_587 {strides = array<i32>} : memref<2048x1xf32, #tpu.memory_space<vmem>>, vector<256x1xf32>,
    %slice3A_591 = vector.extract_strided_slice %convert_element_type3A_61 {offsets = [0, 1536], sizes = [4, 256], strides = [1, 1]} : vector<4x2048xbf16> to vector<4x256xbf16>
    %dot_general3A_592 = arith.constant dense<0.000000e+00> : vector<256x4xf32>
    %dot_general3A_593 = tpu.matmul %convert_element_type3A_48, %slice3A_591, %dot_general3A_592 {dimension_numbers = #tpu.dot_dimension_numbers<[1], [1], [0], [0], [0, 0, 1, 0], [], []>, transpose_lhs_hint = false} : vector<256x256xbf16>, vector<4x256xbf16>, vector<256x4xf32> -> vector<256x4xf32>
    %slice3A_594 = vector.extract_strided_slice %dot_general3A_593 {offsets = [0, 0], sizes = [256, 1], strides = [1, 1]} : vector<256x4xf32> to vector<256x1xf32>
    %convert_element_type3A_595 = arith.fptosi %slice3A_594 : vector<256x1xf32> to vector<256x1xi32>
    %mul3A_596 = arith.constant 65536 : i32
    %mul3A_597 = vector.broadcast %mul3A_596 : i32 to vector<256x1xi32>
    %mul3A_598 = arith.muli %convert_element_type3A_595, %mul3A_597 : vector<256x1xi32>
    %slice3A_599 = vector.extract_strided_slice %dot_general3A_593 {offsets = [0, 1], sizes = [256, 1], strides = [1, 1]} : vector<256x4xf32> to vector<256x1xf32>
    %convert_element_type3A_600 = arith.fptosi %slice3A_599 : vector<256x1xf32> to vector<256x1xi32>
    %mul3A_601 = arith.constant 256 : i32
    %mul3A_602 = vector.broadcast %mul3A_601 : i32 to vector<256x1xi32>
    %mul3A_603 = arith.muli %convert_element_type3A_600, %mul3A_602 : vector<256x1xi32>
    %add3A_604 = arith.addi %mul3A_598, %mul3A_603 : vector<256x1xi32>
    %slice3A_605 = vector.extract_strided_slice %dot_general3A_593 {offsets = [0, 2], sizes = [256, 1], strides = [1, 1]} : vector<256x4xf32> to vector<256x1xf32>
    %convert_element_type3A_606 = arith.fptosi %slice3A_605 : vector<256x1xf32> to vector<256x1xi32>
    %add3A_607 = arith.addi %add3A_604, %convert_element_type3A_606 : vector<256x1xi32>
    %mul3A_608 = arith.constant 170 : i32
    %mul3A_609 = vector.broadcast %mul3A_608 : i32 to vector<256x1xi32>
    %mul3A_610 = arith.muli %add3A_607, %mul3A_609 : vector<256x1xi32>
    %slice3A_611 = vector.extract_strided_slice %dot_general3A_593 {offsets = [0, 3], sizes = [256, 1], strides = [1, 1]} : vector<256x4xf32> to vector<256x1xf32>
    %convert_element_type3A_612 = arith.fptosi %slice3A_611 : vector<256x1xf32> to vector<256x1xi32>
    %add3A_613 = arith.addi %mul3A_610, %convert_element_type3A_612 : vector<256x1xi32>
    %eq3A_614 = vector.broadcast %add3A_613 : vector<256x1xi32> to vector<256x2048xi32>
    %eq3A_615 = vector.broadcast %add3A : vector<1x2048xi32> to vector<256x2048xi32>
    %eq3A_616 = arith.cmpi eq, %eq3A_614, %eq3A_615 : vector<256x2048xi32>
    %convert_element_type3A_617 = arith.extui %eq3A_616 : vector<256x2048xi1> to vector<256x2048xi32>
    %convert_element_type3A_618 = arith.sitofp %convert_element_type3A_617 : vector<256x2048xi32> to vector<256x2048xf32>
    %convert_element_type3A_619 = arith.truncf %convert_element_type3A_618 : vector<256x2048xf32> to vector<256x2048xbf16>
    %dot_general3A_620 = arith.constant dense<0.000000e+00> : vector<256x40xf32>
    %dot_general3A_621 = tpu.matmul %convert_element_type3A_619, %concatenate3A, %dot_general3A_620 {dimension_numbers = #tpu.dot_dimension_numbers<[1], [0], [0], [1], [0, 0, 1, 1], [], []>, transpose_lhs_hint = false} : vector<256x2048xbf16>, vector<2048x40xbf16>, vector<256x40xf32> -> vector<256x40xf32>
    %slice3A_622 = vector.extract_strided_slice %dot_general3A_621 {offsets = [0, 0], sizes = [256, 32], strides = [1, 1]} : vector<256x40xf32> to vector<256x32xf32>
    %slice3A_623 = vector.extract_strided_slice %dot_general3A_621 {offsets = [0, 32], sizes = [256, 8], strides = [1, 1]} : vector<256x40xf32> to vector<256x8xf32>
    %reduce_sum3A_624 = arith.constant dense<0.000000e+00> : vector<256xf32>
    %reduce_sum3A_625 = vector.multi_reduction <add>, %slice3A_623, %reduce_sum3A_624 [1] : vector<256x8xf32> to vector<256xf32>
    %broadcast_in_dim3A_626 = vector.shape_cast %reduce_sum3A_625 : vector<256xf32> to vector<256x1xf32>
    %slice3A_627 = vector.extract_strided_slice %eq3A_616 {offsets = [0, 1536], sizes = [256, 256], strides = [1, 1]} : vector<256x2048xi1> to vector<256x256xi1>
    %and3A_628 = arith.andi %slice3A_627, %lt3A : vector<256x256xi1>
    %jit3A_629 = arith.constant 1.000000e+00 : f32
    %jit3A_630 = arith.constant 0.000000e+00 : f32
    %broadcast_in_dim3A_631 = vector.broadcast %jit3A_629 : f32 to vector<256x256xf32>
    %broadcast_in_dim3A_632 = vector.broadcast %jit3A_630 : f32 to vector<256x256xf32>
    %select_n3A_633 = arith.select %and3A_628, %broadcast_in_dim3A_631, %broadcast_in_dim3A_632 : vector<256x256xi1>, vector<256x256xf32>
    %reduce_sum3A_634 = arith.constant dense<0.000000e+00> : vector<256xf32>
    %reduce_sum3A_635 = vector.multi_reduction <add>, %select_n3A_633, %reduce_sum3A_634 [1] : vector<256x256xf32> to vector<256xf32>
    %broadcast_in_dim3A_636 = vector.shape_cast %reduce_sum3A_635 : vector<256xf32> to vector<256x1xf32>
    %slice3A_637 = vector.extract_strided_slice %slice3A_623 {offsets = [0, 0], sizes = [256, 6], strides = [1, 1]} : vector<256x8xf32> to vector<256x6xf32>
    %reduce_sum3A_638 = arith.constant dense<0.000000e+00> : vector<256xf32>
    %reduce_sum3A_639 = vector.multi_reduction <add>, %slice3A_637, %reduce_sum3A_638 [1] : vector<256x6xf32> to vector<256xf32>
    %broadcast_in_dim3A_640 = vector.shape_cast %reduce_sum3A_639 : vector<256xf32> to vector<256x1xf32>
    %add3A_641 = arith.addf %broadcast_in_dim3A_636, %broadcast_in_dim3A_640 : vector<256x1xf32>
    %div3A_642 = vector.broadcast %broadcast_in_dim3A_626 : vector<256x1xf32> to vector<256x32xf32>
    %div3A_643 = arith.divf %slice3A_622, %div3A_642 : vector<256x32xf32>
    %get3A_644 = arith.constant 1536 : index
    %get3A_645 = arith.constant 0 : index
    %get3A_646 = vector.load %arg2[%get3A_644, %get3A_645] : memref<2048x128xf32, #tpu.memory_space<vmem>>, vector<256x96xf32>
    %concatenate3A_647 = tpu.concatenate %get3A_646, %div3A_643 in 1 : vector<256x96xf32>, vector<256x32xf32> -> vector<256x128xf32>
    %get3A_648 = arith.constant 0 : index
    %get3A_649 = arith.constant 0 : index
    %get3A_650 = vector.load %arg4[%get3A_648, %get3A_649] : memref<256x128xf32, #tpu.memory_space<vmem>>, vector<256x128xf32>
    %dot_general3A_651 = arith.constant dense<0.000000e+00> : vector<256x256xf32>
    %dot_general3A_652 = tpu.matmul %concatenate3A_647, %get3A_650, %dot_general3A_651 {dimension_numbers = #tpu.dot_dimension_numbers<[1], [1], [0], [0], [0, 0, 1, 0], [], []>, transpose_lhs_hint = false} : vector<256x128xf32>, vector<256x128xf32>, vector<256x256xf32> -> vector<256x256xf32>
    %get3A_653 = arith.constant 0 : index
    %get3A_654 = arith.constant 0 : index
    %get3A_655 = vector.load %arg5[%get3A_653, %get3A_654] : memref<1x256xf32, #tpu.memory_space<vmem>>, vector<1x256xf32>
    %add3A_656 = vector.broadcast %get3A_655 : vector<1x256xf32> to vector<256x256xf32>
    %add3A_657 = arith.addf %dot_general3A_652, %add3A_656 : vector<256x256xf32>
    %tanh3A_658 = math.tanh %add3A_657 : vector<256x256xf32>
    %swap3A_659 = arith.constant 1536 : index
    %swap3A_660 = arith.constant 0 : index
    %swap3A_661 = vector.load %arg7[%swap3A_659, %swap3A_660] : memref<2048x256xf32, #tpu.memory_space<vmem>>, vector<256x256xf32>
    tpu.vector_store %arg7[%swap3A_659, %swap3A_660], %tanh3A_658 {strides = array<i32>} : memref<2048x256xf32, #tpu.memory_space<vmem>>, vector<256x256xf32>,
    %get3A_662 = arith.constant 0 : index
    %get3A_663 = arith.constant 0 : index
    %get3A_664 = arith.constant 0 : index
    %get3A_665 = vector.load %arg3[%get3A_662, %get3A_663, %get3A_664] : memref<1x256x1xf32, #tpu.memory_space<vmem>>, vector<1x256x1xf32>
    %get3A_666 = vector.shape_cast %get3A_665 : vector<1x256x1xf32> to vector<256x1xf32>
    %dot_general3A_667 = arith.constant dense<0.000000e+00> : vector<256x1xf32>
    %dot_general3A_668 = tpu.matmul %tanh3A_658, %get3A_666, %dot_general3A_667 {dimension_numbers = #tpu.dot_dimension_numbers<[1], [0], [0], [1], [0, 0, 1, 1], [], []>, transpose_lhs_hint = false} : vector<256x256xf32>, vector<256x1xf32>, vector<256x1xf32> -> vector<256x1xf32>
    %div3A_669 = arith.constant 1.600000e+01 : f32
    %div3A_670 = vector.broadcast %div3A_669 : f32 to vector<256x1xf32>
    %div3A_671 = arith.divf %dot_general3A_668, %div3A_670 : vector<256x1xf32>
    %eq3A_672 = arith.constant 0.000000e+00 : f32
    %eq3A_673 = vector.broadcast %eq3A_672 : f32 to vector<256x1xf32>
    %eq3A_674 = arith.cmpf oeq, %add3A_641, %eq3A_673 : vector<256x1xf32>
    %jit3A_675 = arith.constant -1.000000e+30 : f32
    %broadcast_in_dim3A_676 = vector.broadcast %jit3A_675 : f32 to vector<256x1xf32>
    %select_n3A_677 = arith.select %eq3A_674, %div3A_671, %broadcast_in_dim3A_676 : vector<256x1xi1>, vector<256x1xf32>
    %swap3A_678 = arith.constant 1536 : index
    %swap3A_679 = arith.constant 0 : index
    %swap3A_680 = vector.load %arg8[%swap3A_678, %swap3A_679] : memref<2048x1xf32, #tpu.memory_space<vmem>>, vector<256x1xf32>
    tpu.vector_store %arg8[%swap3A_678, %swap3A_679], %select_n3A_677 {strides = array<i32>} : memref<2048x1xf32, #tpu.memory_space<vmem>>, vector<256x1xf32>,
    %slice3A_681 = vector.extract_strided_slice %convert_element_type3A_61 {offsets = [0, 1792], sizes = [4, 256], strides = [1, 1]} : vector<4x2048xbf16> to vector<4x256xbf16>
    %dot_general3A_682 = arith.constant dense<0.000000e+00> : vector<256x4xf32>
    %dot_general3A_683 = tpu.matmul %convert_element_type3A_48, %slice3A_681, %dot_general3A_682 {dimension_numbers = #tpu.dot_dimension_numbers<[1], [1], [0], [0], [0, 0, 1, 0], [], []>, transpose_lhs_hint = false} : vector<256x256xbf16>, vector<4x256xbf16>, vector<256x4xf32> -> vector<256x4xf32>
    %slice3A_684 = vector.extract_strided_slice %dot_general3A_683 {offsets = [0, 0], sizes = [256, 1], strides = [1, 1]} : vector<256x4xf32> to vector<256x1xf32>
    %convert_element_type3A_685 = arith.fptosi %slice3A_684 : vector<256x1xf32> to vector<256x1xi32>
    %mul3A_686 = arith.constant 65536 : i32
    %mul3A_687 = vector.broadcast %mul3A_686 : i32 to vector<256x1xi32>
    %mul3A_688 = arith.muli %convert_element_type3A_685, %mul3A_687 : vector<256x1xi32>
    %slice3A_689 = vector.extract_strided_slice %dot_general3A_683 {offsets = [0, 1], sizes = [256, 1], strides = [1, 1]} : vector<256x4xf32> to vector<256x1xf32>
    %convert_element_type3A_690 = arith.fptosi %slice3A_689 : vector<256x1xf32> to vector<256x1xi32>
    %mul3A_691 = arith.constant 256 : i32
    %mul3A_692 = vector.broadcast %mul3A_691 : i32 to vector<256x1xi32>
    %mul3A_693 = arith.muli %convert_element_type3A_690, %mul3A_692 : vector<256x1xi32>
    %add3A_694 = arith.addi %mul3A_688, %mul3A_693 : vector<256x1xi32>
    %slice3A_695 = vector.extract_strided_slice %dot_general3A_683 {offsets = [0, 2], sizes = [256, 1], strides = [1, 1]} : vector<256x4xf32> to vector<256x1xf32>
    %convert_element_type3A_696 = arith.fptosi %slice3A_695 : vector<256x1xf32> to vector<256x1xi32>
    %add3A_697 = arith.addi %add3A_694, %convert_element_type3A_696 : vector<256x1xi32>
    %mul3A_698 = arith.constant 170 : i32
    %mul3A_699 = vector.broadcast %mul3A_698 : i32 to vector<256x1xi32>
    %mul3A_700 = arith.muli %add3A_697, %mul3A_699 : vector<256x1xi32>
    %slice3A_701 = vector.extract_strided_slice %dot_general3A_683 {offsets = [0, 3], sizes = [256, 1], strides = [1, 1]} : vector<256x4xf32> to vector<256x1xf32>
    %convert_element_type3A_702 = arith.fptosi %slice3A_701 : vector<256x1xf32> to vector<256x1xi32>
    %add3A_703 = arith.addi %mul3A_700, %convert_element_type3A_702 : vector<256x1xi32>
    %eq3A_704 = vector.broadcast %add3A_703 : vector<256x1xi32> to vector<256x2048xi32>
    %eq3A_705 = vector.broadcast %add3A : vector<1x2048xi32> to vector<256x2048xi32>
    %eq3A_706 = arith.cmpi eq, %eq3A_704, %eq3A_705 : vector<256x2048xi32>
    %convert_element_type3A_707 = arith.extui %eq3A_706 : vector<256x2048xi1> to vector<256x2048xi32>
    %convert_element_type3A_708 = arith.sitofp %convert_element_type3A_707 : vector<256x2048xi32> to vector<256x2048xf32>
    %convert_element_type3A_709 = arith.truncf %convert_element_type3A_708 : vector<256x2048xf32> to vector<256x2048xbf16>
    %dot_general3A_710 = arith.constant dense<0.000000e+00> : vector<256x40xf32>
    %dot_general3A_711 = tpu.matmul %convert_element_type3A_709, %concatenate3A, %dot_general3A_710 {dimension_numbers = #tpu.dot_dimension_numbers<[1], [0], [0], [1], [0, 0, 1, 1], [], []>, transpose_lhs_hint = false} : vector<256x2048xbf16>, vector<2048x40xbf16>, vector<256x40xf32> -> vector<256x40xf32>
    %slice3A_712 = vector.extract_strided_slice %dot_general3A_711 {offsets = [0, 0], sizes = [256, 32], strides = [1, 1]} : vector<256x40xf32> to vector<256x32xf32>
    %slice3A_713 = vector.extract_strided_slice %dot_general3A_711 {offsets = [0, 32], sizes = [256, 8], strides = [1, 1]} : vector<256x40xf32> to vector<256x8xf32>
    %reduce_sum3A_714 = arith.constant dense<0.000000e+00> : vector<256xf32>
    %reduce_sum3A_715 = vector.multi_reduction <add>, %slice3A_713, %reduce_sum3A_714 [1] : vector<256x8xf32> to vector<256xf32>
    %broadcast_in_dim3A_716 = vector.shape_cast %reduce_sum3A_715 : vector<256xf32> to vector<256x1xf32>
    %slice3A_717 = vector.extract_strided_slice %eq3A_706 {offsets = [0, 1792], sizes = [256, 256], strides = [1, 1]} : vector<256x2048xi1> to vector<256x256xi1>
    %and3A_718 = arith.andi %slice3A_717, %lt3A : vector<256x256xi1>
    %jit3A_719 = arith.constant 1.000000e+00 : f32
    %jit3A_720 = arith.constant 0.000000e+00 : f32
    %broadcast_in_dim3A_721 = vector.broadcast %jit3A_719 : f32 to vector<256x256xf32>
    %broadcast_in_dim3A_722 = vector.broadcast %jit3A_720 : f32 to vector<256x256xf32>
    %select_n3A_723 = arith.select %and3A_718, %broadcast_in_dim3A_721, %broadcast_in_dim3A_722 : vector<256x256xi1>, vector<256x256xf32>
    %reduce_sum3A_724 = arith.constant dense<0.000000e+00> : vector<256xf32>
    %reduce_sum3A_725 = vector.multi_reduction <add>, %select_n3A_723, %reduce_sum3A_724 [1] : vector<256x256xf32> to vector<256xf32>
    %broadcast_in_dim3A_726 = vector.shape_cast %reduce_sum3A_725 : vector<256xf32> to vector<256x1xf32>
    %slice3A_727 = vector.extract_strided_slice %slice3A_713 {offsets = [0, 0], sizes = [256, 7], strides = [1, 1]} : vector<256x8xf32> to vector<256x7xf32>
    %reduce_sum3A_728 = arith.constant dense<0.000000e+00> : vector<256xf32>
    %reduce_sum3A_729 = vector.multi_reduction <add>, %slice3A_727, %reduce_sum3A_728 [1] : vector<256x7xf32> to vector<256xf32>
    %broadcast_in_dim3A_730 = vector.shape_cast %reduce_sum3A_729 : vector<256xf32> to vector<256x1xf32>
    %add3A_731 = arith.addf %broadcast_in_dim3A_726, %broadcast_in_dim3A_730 : vector<256x1xf32>
    %div3A_732 = vector.broadcast %broadcast_in_dim3A_716 : vector<256x1xf32> to vector<256x32xf32>
    %div3A_733 = arith.divf %slice3A_712, %div3A_732 : vector<256x32xf32>
    %get3A_734 = arith.constant 1792 : index
    %get3A_735 = arith.constant 0 : index
    %get3A_736 = vector.load %arg2[%get3A_734, %get3A_735] : memref<2048x128xf32, #tpu.memory_space<vmem>>, vector<256x96xf32>
    %concatenate3A_737 = tpu.concatenate %get3A_736, %div3A_733 in 1 : vector<256x96xf32>, vector<256x32xf32> -> vector<256x128xf32>
    %get3A_738 = arith.constant 0 : index
    %get3A_739 = arith.constant 0 : index
    %get3A_740 = vector.load %arg4[%get3A_738, %get3A_739] : memref<256x128xf32, #tpu.memory_space<vmem>>, vector<256x128xf32>
    %dot_general3A_741 = arith.constant dense<0.000000e+00> : vector<256x256xf32>
    %dot_general3A_742 = tpu.matmul %concatenate3A_737, %get3A_740, %dot_general3A_741 {dimension_numbers = #tpu.dot_dimension_numbers<[1], [1], [0], [0], [0, 0, 1, 0], [], []>, transpose_lhs_hint = false} : vector<256x128xf32>, vector<256x128xf32>, vector<256x256xf32> -> vector<256x256xf32>
    %get3A_743 = arith.constant 0 : index
    %get3A_744 = arith.constant 0 : index
    %get3A_745 = vector.load %arg5[%get3A_743, %get3A_744] : memref<1x256xf32, #tpu.memory_space<vmem>>, vector<1x256xf32>
    %add3A_746 = vector.broadcast %get3A_745 : vector<1x256xf32> to vector<256x256xf32>
    %add3A_747 = arith.addf %dot_general3A_742, %add3A_746 : vector<256x256xf32>
    %tanh3A_748 = math.tanh %add3A_747 : vector<256x256xf32>
    %swap3A_749 = arith.constant 1792 : index
    %swap3A_750 = arith.constant 0 : index
    %swap3A_751 = vector.load %arg7[%swap3A_749, %swap3A_750] : memref<2048x256xf32, #tpu.memory_space<vmem>>, vector<256x256xf32>
    tpu.vector_store %arg7[%swap3A_749, %swap3A_750], %tanh3A_748 {strides = array<i32>} : memref<2048x256xf32, #tpu.memory_space<vmem>>, vector<256x256xf32>,
    %get3A_752 = arith.constant 0 : index
    %get3A_753 = arith.constant 0 : index
    %get3A_754 = arith.constant 0 : index
    %get3A_755 = vector.load %arg3[%get3A_752, %get3A_753, %get3A_754] : memref<1x256x1xf32, #tpu.memory_space<vmem>>, vector<1x256x1xf32>
    %get3A_756 = vector.shape_cast %get3A_755 : vector<1x256x1xf32> to vector<256x1xf32>
    %dot_general3A_757 = arith.constant dense<0.000000e+00> : vector<256x1xf32>
    %dot_general3A_758 = tpu.matmul %tanh3A_748, %get3A_756, %dot_general3A_757 {dimension_numbers = #tpu.dot_dimension_numbers<[1], [0], [0], [1], [0, 0, 1, 1], [], []>, transpose_lhs_hint = false} : vector<256x256xf32>, vector<256x1xf32>, vector<256x1xf32> -> vector<256x1xf32>
    %div3A_759 = arith.constant 1.600000e+01 : f32
    %div3A_760 = vector.broadcast %div3A_759 : f32 to vector<256x1xf32>
    %div3A_761 = arith.divf %dot_general3A_758, %div3A_760 : vector<256x1xf32>
    %eq3A_762 = arith.constant 0.000000e+00 : f32
    %eq3A_763 = vector.broadcast %eq3A_762 : f32 to vector<256x1xf32>
    %eq3A_764 = arith.cmpf oeq, %add3A_731, %eq3A_763 : vector<256x1xf32>
    %jit3A_765 = arith.constant -1.000000e+30 : f32
    %broadcast_in_dim3A_766 = vector.broadcast %jit3A_765 : f32 to vector<256x1xf32>
    %select_n3A_767 = arith.select %eq3A_764, %div3A_761, %broadcast_in_dim3A_766 : vector<256x1xi1>, vector<256x1xf32>
    %swap3A_768 = arith.constant 1792 : index
    %swap3A_769 = arith.constant 0 : index
    %swap3A_770 = vector.load %arg8[%swap3A_768, %swap3A_769] : memref<2048x1xf32, #tpu.memory_space<vmem>>, vector<256x1xf32>
    tpu.vector_store %arg8[%swap3A_768, %swap3A_769], %select_n3A_767 {strides = array<i32>} : memref<2048x1xf32, #tpu.memory_space<vmem>>, vector<256x1xf32>,
    %get3A_771 = arith.constant 0 : index
    %get3A_772 = arith.constant 0 : index
    %get3A_773 = vector.load %arg8[%get3A_771, %get3A_772] : memref<2048x1xf32, #tpu.memory_space<vmem>>, vector<2048x1xf32>
    %reduce_max3A = vector.shape_cast %get3A_773 : vector<2048x1xf32> to vector<1x2048x1xf32>
    %reduce_max3A_774 = arith.constant dense<0xFF800000> : vector<1xf32>
    %reduce_max3A_775 = vector.multi_reduction <maximumf>, %reduce_max3A, %reduce_max3A_774 [1, 2] : vector<1x2048x1xf32> to vector<1xf32>
    %reduce_max3A_776 = vector.shape_cast %reduce_max3A_775 : vector<1xf32> to vector<1x1x1xf32>
    %reduce_max3A_777 = vector.extract %reduce_max3A_776[0, 0, 0] : f32 from vector<1x1x1xf32>
    %sub3A_778 = vector.broadcast %reduce_max3A_777 : f32 to vector<2048x1xf32>
    %sub3A_779 = arith.subf %get3A_773, %sub3A_778 : vector<2048x1xf32>
    %exp3A = math.exp %sub3A_779 : vector<2048x1xf32>
    %reduce_sum3A_780 = vector.shape_cast %exp3A : vector<2048x1xf32> to vector<1x2048x1xf32>
    %reduce_sum3A_781 = arith.constant dense<0.000000e+00> : vector<1xf32>
    %reduce_sum3A_782 = vector.multi_reduction <add>, %reduce_sum3A_780, %reduce_sum3A_781 [1, 2] : vector<1x2048x1xf32> to vector<1xf32>
    %reduce_sum3A_783 = vector.shape_cast %reduce_sum3A_782 : vector<1xf32> to vector<1x1x1xf32>
    %reduce_sum3A_784 = vector.extract %reduce_sum3A_783[0, 0, 0] : f32 from vector<1x1x1xf32>
    %get3A_785 = arith.constant 0 : index
    %get3A_786 = arith.constant 0 : index
    %get3A_787 = vector.load %arg7[%get3A_785, %get3A_786] : memref<2048x256xf32, #tpu.memory_space<vmem>>, vector<2048x256xf32>
    %mul3A_788 = vector.broadcast %exp3A : vector<2048x1xf32> to vector<2048x256xf32>
    %mul3A_789 = arith.mulf %mul3A_788, %get3A_787 : vector<2048x256xf32>
    %reduce_sum3A_790 = arith.constant dense<0.000000e+00> : vector<256xf32>
    %reduce_sum3A_791 = vector.multi_reduction <add>, %mul3A_789, %reduce_sum3A_790 [0] : vector<2048x256xf32> to vector<256xf32>
    %broadcast_in_dim3A_792 = vector.shape_cast %reduce_sum3A_791 : vector<256xf32> to vector<1x256xf32>
    %div3A_793 = vector.broadcast %reduce_sum3A_784 : f32 to vector<1x256xf32>
    %div3A_794 = arith.divf %broadcast_in_dim3A_792, %div3A_793 : vector<1x256xf32>
    %swap3A_795 = arith.constant 0 : index
    %swap3A_796 = arith.constant 0 : index
    %swap3A_797 = arith.constant 0 : index
    %swap3A_798 = vector.load %arg6[%swap3A_795, %swap3A_796, %swap3A_797] : memref<1x1x256xf32, #tpu.memory_space<vmem>>, vector<1x1x256xf32>
    %swap3A_799 = vector.shape_cast %swap3A_798 : vector<1x1x256xf32> to vector<1x256xf32>
    %swap3A_800 = vector.shape_cast %div3A_794 : vector<1x256xf32> to vector<1x1x256xf32>
    tpu.vector_store %arg6[%swap3A_795, %swap3A_796, %swap3A_797], %swap3A_800 {strides = array<i32>} : memref<1x1x256xf32, #tpu.memory_space<vmem>>, vector<1x1x256xf32>,
    return
  }
  func.func @transform_0(%arg0: i32) -> (i32, i32, i32) {
    %c0_i32 = arith.constant 0 : i32
    %c0_i32_0 = arith.constant 0 : i32
    %c0_i32_1 = arith.constant 0 : i32
    return %arg0, %c0_i32, %c0_i32_0 : i32, i32, i32
  }
  func.func @transform_1(%arg0: i32) -> (i32, i32) {
    %c0_i32 = arith.constant 0 : i32
    %c0_i32_0 = arith.constant 0 : i32
    return %arg0, %c0_i32 : i32, i32
  }
  func.func @transform_2(%arg0: i32) -> (i32, i32, i32) {
    %c0_i32 = arith.constant 0 : i32
    %c0_i32_0 = arith.constant 0 : i32
    %c0_i32_1 = arith.constant 0 : i32
    return %arg0, %c0_i32, %c0_i32_0 : i32, i32, i32
  }
  func.func @transform_3(%arg0: i32) -> (i32, i32) {
    %c0_i32 = arith.constant 0 : i32
    %c0_i32_0 = arith.constant 0 : i32
    %c0_i32_1 = arith.constant 0 : i32
    return %c0_i32, %c0_i32_0 : i32, i32
  }
  func.func @transform_4(%arg0: i32) -> (i32, i32) {
    %c0_i32 = arith.constant 0 : i32
    %c0_i32_0 = arith.constant 0 : i32
    %c0_i32_1 = arith.constant 0 : i32
    return %c0_i32, %c0_i32_0 : i32, i32
  }
  func.func @transform_5(%arg0: i32) -> (i32, i32, i32) {
    %c0_i32 = arith.constant 0 : i32
    %c0_i32_0 = arith.constant 0 : i32
    %c0_i32_1 = arith.constant 0 : i32
    return %arg0, %c0_i32, %c0_i32_0 : i32, i32, i32
  }
}

module attributes {stable_mosaic.version = 14 : i64} {
  func.func @_clf_body(%arg0: memref<16x512xf32, #tpu.memory_space<vmem>>, %arg1: memref<10000x512xf32, #tpu.memory_space<vmem>>, %arg2: memref<1x10000xf32, #tpu.memory_space<vmem>>, %arg3: memref<16x10000xf32, #tpu.memory_space<vmem>>) attributes {dimension_semantics = [], scalar_prefetch = 0 : i64, scratch_operands = 0 : i64, tpu.core_type = #tpu.core_type<tc>} {
    %get3A = arith.constant 0 : index
    %get3A_0 = arith.constant 0 : index
    %get3A_1 = vector.load %arg0[%get3A, %get3A_0] : memref<16x512xf32, #tpu.memory_space<vmem>>, vector<16x512xf32>
    %get3A_2 = arith.constant 0 : index
    %get3A_3 = arith.constant 0 : index
    %get3A_4 = vector.load %arg1[%get3A_2, %get3A_3] : memref<10000x512xf32, #tpu.memory_space<vmem>>, vector<10000x512xf32>
    %dot_general3A = arith.constant dense<0.000000e+00> : vector<16x10000xf32>
    %dot_general3A_5 = tpu.matmul %get3A_1, %get3A_4, %dot_general3A {dimension_numbers = #tpu.dot_dimension_numbers<[1], [1], [0], [0], [0, 0, 1, 0], [], []>, transpose_lhs_hint = false} : vector<16x512xf32>, vector<10000x512xf32>, vector<16x10000xf32> -> vector<16x10000xf32>
    %get3A_6 = arith.constant 0 : index
    %get3A_7 = arith.constant 0 : index
    %get3A_8 = vector.load %arg2[%get3A_6, %get3A_7] : memref<1x10000xf32, #tpu.memory_space<vmem>>, vector<1x10000xf32>
    %add3A = vector.broadcast %get3A_8 : vector<1x10000xf32> to vector<16x10000xf32>
    %add3A_9 = arith.addf %dot_general3A_5, %add3A : vector<16x10000xf32>
    %swap3A = arith.constant 0 : index
    %swap3A_10 = arith.constant 0 : index
    %swap3A_11 = vector.load %arg3[%swap3A, %swap3A_10] : memref<16x10000xf32, #tpu.memory_space<vmem>>, vector<16x10000xf32>
    tpu.vector_store %arg3[%swap3A, %swap3A_10], %add3A_9 {strides = array<i32>} : memref<16x10000xf32, #tpu.memory_space<vmem>>, vector<16x10000xf32>,
    return
  }
}

</mosaic_0001>

<sc_bundles>
// kernel: sc_cur_gather.3.cloned.1.call-start
scs
__scs_entry_jumppad:
0x0: {  	(pc) =	sbr.rel $0x88, $3  }
0x1: {  	(tag) =	ssettag $0x0;
	lr =	simm.s32 $0x1  }
0x2: {  	[smem:$0x3F8D] =	sst lr;
	_ =	strace $0xD0000000  }
0x3: {  	_ = 	snop  }
0x4: {  	_ = 	snop  }
0x5: {  	_ = 	snop  }
0x6: {  	_ = 	snop  }
0x7: {  	_ = 	snop  }
__scs_overlays_trampoline_lowered:
0x8: {  	[smem:$0x3F9C] =	sst s0  }
0x9: {  	[smem:$0x3F9D] =	sst s1  }
0xa: {  	[smem:$0x3F9E] =	sst s2  }
0xb: {  	[smem:$0x3F9F] =	sst s3  }
0xc: {  	[smem:$0x3FA0] =	sst s4  }
0xd: {  	[smem:$0x3FA1] =	sst s5  }
0xe: {  	[smem:$0x3FA2] =	sst s6  }
0xf: {  	[smem:$0x3FA3] =	sst s7  }
0x10: {  	[smem:$0x3FA4] =	sst s8  }
0x11: {  	[smem:$0x3FA5] =	sst s9;
	s0 =	simm.s32 @!p0 $0x0  }
0x12: {  	s1 =	sld [smem:$0x3F8B];
	s0 =	simm.s32 @p0 $0x1  }
0x13: {  	[smem:$0x3FA6] =	sst s0;
	s0 =	simm.s32 @!p1 $0x0  }
0x14: {  	s2 =	sld [smem:$0x3F8A];
	s0 =	simm.s32 @p1 $0x1  }
0x15: {  	[smem:$0x3FA7] =	sst s0;
	s0 =	simm.s32 @!p2 $0x0  }
0x16: {  	s3 =	sld [smem:$0x3FDB];
	s0 =	simm.s32 @p2 $0x1  }
0x17: {  	s4 =	simm.s32 $0x1BF5;
	[smem:$0x3FA9] =	sst s0  }
0x18: {  	s0 =	sld [smem:$0x3F8C];
	_ =	swait.ge [sflag:s4], $0x0  }
0x19: {  	s7 =	sld [smem:$0x3F8D]  }
0x1a: {  	s8 =	sadd.s32 $0xFFFFE003, lr  }
0x1b: {  	s9 =	sadd.s32 $0xFFFFFEF7, lr;
	s5 =	simm.s32 $0xFFFFFFFF;
	p2 =	slt.u32 s8, $0xFFFFF086  }
0x1c: {  	p1 =	slt.u32 s9, $0xF7A;
	s5 =	simm.s32 @!p2 $0x0  }
0x1d: {  	s5 =	simm.s32 @p1 $0x1;
	p0 =	seq.s32 s7, s2  }
0x1e: {  	s7 =	smul.u32 @!p0 $0xF7A, s2;
	p2 =	seq.s32 @!p0 s5, $0x0  }
0x1f: {  	s9 =	smul.u32 $0xF7A, s1;
	s8 =	simm.s32 @!p0 $0x1BF5;
	p2 =	por !p2, p0  }
0x20: {  	[sflag:s8] =	ssyncset.s32 @!p0 $0xFFFFF086;
	s6 =	sadd.s32 @!p0 s3, s7;
	s7 =	simm.s32 @!p0 $0x108  }
0x21: {  	s3 =	sadd.s32 s3, s9;
	s6 =	sadd.s32 @!p0 $0x88, s6;
	s7 =	simm.s32 @p2 $0x1082  }
0x22: {  	[simem:s7], [sflag:s8] =	dma.local @!p0 [hbm:s6], $0xF7A  }
0x23: {  	s9 =	sor.u32 $0xD0000000, s2;
	s6 =	simm.s32 $0x108;
	_ =	swait.ge @!p0 [sflag:s8], $0x0  }
0x24: {  	s3 =	sadd.s32 $0x88, s3;
	s6 =	simm.s32 @!p1 $0x1082;
	[sflag:s4] =	ssyncset.s32 $0xFFFFF086  }
0x25: {  	[simem:s6], [sflag:s4] =	dma.local [hbm:s3], $0xF7A  }
0x26: {  	[smem:$0x3F8D] =	sst s1;
	(tag) =	ssettag s2;
	_ =	strace s9  }
0x27: {  	s1 =	sld [smem:$0x3F9D]  }
0x28: {  	s2 =	sld [smem:$0x3F9E]  }
0x29: {  	s4 =	sld [smem:$0x3FA0]  }
0x2a: {  	p0 =	seq.s32 s5, $0x0;
	s5 =	sld [smem:$0x3FA1]  }
0x2b: {  	s6 =	sld [smem:$0x3FA2]  }
0x2c: {  	s7 =	sld [smem:$0x3FA3]  }
0x2d: {  	s3 =	simm.s32 $0x108;
	s8 =	sld [smem:$0x3FA4]  }
0x2e: {  	s3 =	simm.s32 @!p0 $0x1082;
	s9 =	sld [smem:$0x3FA5]  }
0x2f: {  	lr =	sadd.s32 s0, s3;
	s0 =	sld [smem:$0x3F9C]  }
0x30: {  	s3 =	sld [smem:$0x3F9F]  }
0x31: {  	[smem:$0x3FA8] =	sst s10  }
0x32: {  	s10 =	sld [smem:$0x3FA6];
	_ =	sdelay $0x3  }
0x33: {  	p0 =	seq.s32 s10, $0x1;
	s10 =	sld [smem:$0x3FA8];
	_ =	sdelay $0x3  }
0x34: {  	[smem:$0x3FA8] =	sst s10  }
0x35: {  	s10 =	sld [smem:$0x3FA7];
	_ =	sdelay $0x3  }
0x36: {  	p1 =	seq.s32 s10, $0x1;
	s10 =	sld [smem:$0x3FA8];
	_ =	sdelay $0x3  }
0x37: {  	[smem:$0x3FA8] =	sst s10  }
0x38: {  	s10 =	sld [smem:$0x3FA9]  }
0x39: {  	_ = 	snop;
	(pc) =	sbr.ind lr, $3  }
0x3a: {  	_ = 	snop  }
0x3b: {  	_ = 	snop  }
0x3c: {  	p2 =	seq.s32 s10, $0x1;
	s10 =	sld [smem:$0x3FA8]  }
0x3d: {  	_ =	shalt  }
0x3e: {  	_ =	shalt  }
0x3f: {  	_ =	shalt  }
0x40: {  	_ =	shalt  }
0x41: {  	_ =	shalt  }
0x42: {  	_ =	shalt  }
0x43: {  	_ =	shalt  }
0x44: {  	_ =	shalt  }
0x45: {  	_ =	shalt  }
0x46: {  	_ =	shalt  }
0x47: {  	_ =	shalt  }
0x48: {  	_ =	shalt  }
0x49: {  	_ =	shalt  }
0x4a: {  	_ =	shalt  }
0x4b: {  	_ =	shalt  }
0x4c: {  	_ =	shalt  }
0x4d: {  	_ =	shalt  }
0x4e: {  	_ =	shalt  }
0x4f: {  	_ =	shalt  }
0x50: {  	_ =	shalt  }
0x51: {  	_ =	shalt  }
0x52: {  	_ =	shalt  }
0x53: {  	_ =	shalt  }
0x54: {  	_ =	shalt  }
0x55: {  	_ =	shalt  }
0x56: {  	_ =	shalt  }
0x57: {  	_ =	shalt  }
0x58: {  	_ =	shalt  }
0x59: {  	_ =	shalt  }
0x5a: {  	_ =	shalt  }
0x5b: {  	_ =	shalt  }
0x5c: {  	_ =	shalt  }
0x5d: {  	_ =	shalt  }
0x5e: {  	_ =	shalt  }
0x5f: {  	_ =	shalt  }
0x60: {  	_ =	shalt  }
0x61: {  	_ =	shalt  }
0x62: {  	_ =	shalt  }
0x63: {  	_ =	shalt  }
0x64: {  	_ =	shalt  }
0x65: {  	_ =	shalt  }
0x66: {  	_ =	shalt  }
0x67: {  	_ =	shalt  }
0x68: {  	_ =	shalt  }
0x69: {  	_ =	shalt  }
0x6a: {  	_ =	shalt  }
0x6b: {  	_ =	shalt  }
0x6c: {  	_ =	shalt  }
0x6d: {  	_ =	shalt  }
0x6e: {  	_ =	shalt  }
0x6f: {  	_ =	shalt  }
0x70: {  	_ =	shalt  }
0x71: {  	_ =	shalt  }
0x72: {  	_ =	shalt  }
0x73: {  	_ =	shalt  }
0x74: {  	_ =	shalt  }
0x75: {  	_ =	shalt  }
0x76: {  	_ =	shalt  }
0x77: {  	_ =	shalt  }
0x78: {  	_ =	shalt  }
0x79: {  	_ =	shalt  }
0x7a: {  	_ =	shalt  }
0x7b: {  	_ =	shalt  }
0x7c: {  	_ =	shalt  }
0x7d: {  	_ =	shalt  }
0x7e: {  	_ =	shalt  }
0x7f: {  	_ =	shalt  }
0x80: {  	_ =	shalt  }
0x81: {  	_ =	shalt  }
0x82: {  	_ =	shalt  }
0x83: {  	_ =	shalt  }
0x84: {  	_ =	shalt  }
0x85: {  	_ =	shalt  }
0x86: {  	_ =	shalt  }
0x87: {  	_ =	shalt  }
.Lfunc_end0:
.L_simem_size_0:
called_computation_lowered:
.L_overlay_start_0:
0x88: {  	s2 =	sld [smem:$0x3FD9]  }
0x89: {  	s3 =	sld [smem:$0x3FFE];
	_ =	sdelay $0x1  }
0x8a: {  	s1 =	srdreg.scid  }
0x8b: {  	s0 =	sand.u32 $0x1, s1  }
0x8c: {  	s17 =	sshll.u32 s0, $0xA;
	s2 =	sadd.s32 s3, s2  }
0x8d: {  	s2 =	sadd.s32 s2, s17  }
0x8e: {  	[smem:$0x3FB4] =	sst s2  }
0x8f: {  	_ = 	snop  }
0x90: {  	s2 =	sld [smem:$0x3FD0];
	(tm) =	ssettm $0x1  }
0x91: {  	s18 =	sld [smem:$0x3FFB];
	_ =	sdelay $0x3  }
0x92: {  	_ =	strace s18  }
0x93: {  	s3 =	sld [smem:$0x3FFC];
	_ =	sdelay $0x3  }
0x94: {  	_ =	strace s3  }
0x95: {  	s3 =	sld [smem:$0x3FFD];
	_ =	sdelay $0x3  }
0x96: {  	_ =	strace s3  }
0x97: {  	_ =	strace $0x8FFFFFFF  }
0x98: {  	s19 =	sld [smem:$0x3FDB];
	_ =	sdelay $0x1  }
0x99: {  	s4 =	simm.s32 $_scs_section_size  }
0x9a: {  	s5 =	simm.s32 $_size__tile_overlayer_lowered;
	s6 =	simm.s32 $_tile_overlayer_lowered  }
0x9b: {  	s22 =	simm.s32 $0x1BFF;
	s21 =	sshll.u32 s6, $0x1;
	s3 =	sadd.s32 s4, s19  }
0x9c: {  	s7 =	simm.s32 $0x0;
	s20 =	sshll.u32 s5, $0x1;
	s5 =	sadd.s32 s21, s3  }
0x9d: {  	[timem:s7], [sflag:s22] =	dma.local [hbm:s5], s20  }
0x9e: {  	_ =	swait.ge [sflag:s22], s20  }
0x9f: {  	s4 =	ssub.s32 $0x0, s20;
	[sflag:s22] =	ssyncset.done $0x0  }
0xa0: {  	[sflag:s22] =	ssyncadd.s32 s4;
	_ =	sdelay $0x1  }
0xa1: {  	s23 =	simm.s32 $0x1B8B  }
0xa2: {  	_ =	swait.ge [sflag:s23], $0x1  }
0xa3: {  	[sflag:s23] =	ssyncset.done $0x0  }
0xa4: {  	s25 =	simm.s32 $0x1B8E;
	s24 =	sld [smem:$0x3FFE];
	[sflag:s23] =	ssyncadd.s32 $0xFFFFFFFF  }
0xa5: {  	s26 =	simm.s32 $execute0_lowered;
	[smem:$0x3FD2] =	sst s25  }
0xa6: {  	s5 =	sshll.u32 s26, $0x1;
	_ =	strace $0x80000046;
	[dreg:$0x1] =	wrdreg $0xFFFFFFFF  }
0xa7: {  	s28 =	simm.s32 $_size_execute0_lowered;
	s3 =	sadd.s32 s3, s5;
	[dreg:$0x0] =	wrdreg $0x0  }
0xa8: {  	s5 =	sshll.u32 s28, $0x1;
	[dreg:$0x2] =	wrdreg s3  }
0xa9: {  	[dreg:$0x3] =	wrdreg s5  }
0xaa: {  	[dreg:$0x4] =	wrdreg $0xC0  }
0xab: {  	_ =	task [dreg:s7], $0x5FFFF  }
0xac: {  	[dreg:$0x1] =	wrdreg $0xFFFFFFFF  }
0xad: {  	[dreg:$0x0] =	wrdreg $0x60  }
0xae: {  	[dreg:$0x2] =	wrdreg s2  }
0xaf: {  	[dreg:$0x3] =	wrdreg s24  }
0xb0: {  	[dreg:$0x4] =	wrdreg $0x9  }
0xb1: {  	_ =	task.clear_ibuf [dreg:s7], $0x5FFFF;
	_ =	strace $0x90000046  }
0xb2: {  	s29 =	simm.s32 $0x9;
	_ =	strace $0x80000048  }
0xb3: {  	_ =	swait.ge [sflag:s29], $0x1  }
0xb4: {  	[sflag:s29] =	ssyncadd.s32 $0xFFFFFFFF  }
0xb5: {  	_ =	strace $0x90000048  }
0xb6: {  	_ =	sfence  }
0xb7: {  	s30 =	sld [smem:$0x0];
	_ =	sdelay $0x2  }
0xb8: {  	s31 =	sshll.u32 s1, $0xD;
	s1 =	sshrl.u32 s1, $0x2  }
0xb9: {  	s3 =	sand.u32 $0x4000, s31;
	s1 =	sadd.s32 s1, s30  }
0xba: {  	s0 =	sor.u32 s3, s0;
	s1 =	sshll.u32 s1, $0x11  }
0xbb: {  	s0 =	sor.u32 s1, s0  }
0xbc: {  	s0 =	sadd.s32 $0x8F2B, s0  }
0xbd: {  	[sflag:s0] =	ssyncadd.remote.s32 $0x1  }
0xbe: {  	_ =	sfence.sel $0xFFFF  }
0xbf: {  	[dreg:$0x0] =	wrdreg $0xFFFFFFFF;
	(pc) =	sbr.abs _section_cstart, $3  }
0xc0: {  	[dreg:$0x1] =	wrdreg $0xFFFFFFFF  }
0xc1: {  	_ =	task.clear_ibuf [dreg:s7], $0x2FFFF;
	_ =	strace $0x9FFFFFFF  }
0xc2: {  	(tm) =	ssettm $0x7FFFFFFF  }
0xc3: {  	_ =	shalt  }
tec
execute0_lowered:
.L_overlay_start_1:
0x0: {  	(tag) =	ssettag $0x1  }
0x1: {  	s5 =	rddreg [dreg:$0x0]  }
0x2: {  	s6 =	rddreg [dreg:$0x1]  }
0x3: {  	s0 =	rddreg [dreg:$0x2]  }
0x4: {  	s2 =	simm.s32 $0x0;
	s3 =	srdreg.scid;
	s1 =	stileid.u32  }
0x5: {  	s11 =	simm.s32 $0x80;
	s12 =	simm.s32 $0x4100;
	s13 =	simm.s32 $0x1  }
0x6: {  	s14 =	simm.s32 $0x0;
	[smem:$0x7FF] =	sst s2;
	s7 =	sand.u32 $0x1, s3  }
0x7: {  	s3 =	sadd.s32 $0x18A000, s6;
	s8 =	sshll.u32 s1, $0x8;
	s9 =	sshll.u32 s7, $0x7  }
0x8: {  	s4 =	sadd.s32 $0x3400, s6;
	_ =	strace $0x80000047;
	s8 =	sor.u32 s9, s8  }
0x9: {  	s7 =	ssub.s32 $0x2, s7;
	s9 =	sshll.u32 s8, $0x4;
	s8 =	sshrl.u32 s8, $0x3  }
0xa: {  	s10 =	sshrl.u32 s7, $0x1;
	s9 =	sadd.s32 s9, s6;
	s5 =	sadd.s32 s5, s8  }
0xb: {  	s10 =	ssub.s32 s7, s10;
	s6 =	sadd.s32 $0x200, s5;
	s7 =	sadd.s32 $0x4000, s9  }
0xc: {  	s8 =	sadd.s32 $0x4008, s9;
	s9 =	smax.u32 s10, $0x1;
	s10 =	simm.s32 $0x2  }
.LBB2_1:
0xd: {  	[tilespmem:s2], [sflag:$0x2] =	stream.linear.gather [hbm4b:s5+s2], $0x80, $0x38;
	[tilespmem:$0x8100] =	vst v63  }
0xe: {  	_ =	swait.ge [sflag:s10], $0x80  }
0xf: {  	[sflag:s10] =	ssyncset.done $0x0  }
0x10: {  	[sflag:s10] =	ssyncadd.s32 $0xFFFFFF80  }
0x11: {  	[tilespmem:s11], [sflag:$0x2] =	stream.linear.gather [hbm4b:s6+s2], $0x80, $0x38;
	[tilespmem:$0x8100] =	vst v63  }
0x12: {  	_ =	swait.ge [sflag:s10], $0x80  }
0x13: {  	[sflag:s10] =	ssyncset.done $0x0  }
0x14: {  	s15 =	simm.s32 $0x100;
	[sflag:s10] =	ssyncadd.s32 $0xFFFFFF80  }
0x15: {  	[tilespmem:s15], [sflag:$0x1] =	stream.indirect.gather [hbm4b:s3+s11], $0x80, s2, s11, $0xb8;
	[tilespmem:$0x8100] =	vst v63  }
0x16: {  	_ = 	snop  }
0x17: {  	[tilespmem:s12], [sflag:$0x1] =	stream.indirect.gather [hbm4b:s4+s11], $0x80, s11, s11, $0xb8;
	[tilespmem:$0x8100] =	vst v63  }
0x18: {  	_ =	swait.ge [sflag:s13], $0x4000  }
0x19: {  	[sflag:s13] =	ssyncset.done $0x0  }
0x1a: {  	[sflag:s13] =	ssyncadd.s32 $0xFFFFC000  }
0x1b: {  	_ =	swait.ge [sflag:s13], $0x4000  }
0x1c: {  	s16 =	simm.s32 $0x10;
	[sflag:s13] =	ssyncset.done $0x0  }
0x1d: {  	s18 =	sadd.s32 $0x0, s7;
	s17 =	simm.s32 $0x180;
	[sflag:s13] =	ssyncadd.s32 $0xFFFFC000  }
.LBB2_2:
0x1e: {  	[hbm4b:s18+s2] =	stream.linear.scatter [tilespmem:s15], [sflag:$0x2], $0x40, $0x38;
	[tilespmem:$0x8100] =	vst v63  }
0x1f: {  	s18 =	smov.u32 s16;
	s15 =	smov.u32 s17;
	p0 =	sne.s32 s16, $0x7F0  }
.Ltmp0:
0x20: {  	s16 =	sadd.s32 $0x10, s16;
	(pc) =	sbr.rel @p0 .LBB2_2-.Ltmp0, $2  }
0x21: {  	_ =	sdelay $0x2  }
0x22: {  	s17 =	sadd.s32 $0x80, s17;
	s18 =	sadd.s32 s18, s7  }
0x23: {  	[hbm4b:s18+s2] =	stream.linear.scatter [tilespmem:s15], [sflag:$0x2], $0x40, $0x38;
	[tilespmem:$0x8100] =	vst v63  }
0x24: {  	_ =	swait.ge [sflag:s10], $0x2000  }
0x25: {  	s15 =	simm.s32 $0x4100;
	s16 =	simm.s32 $0x10;
	[sflag:s10] =	ssyncset.done $0x0  }
0x26: {  	s18 =	sadd.s32 $0x0, s8;
	s17 =	simm.s32 $0x4180;
	[sflag:s10] =	ssyncadd.s32 $0xFFFFE000  }
.LBB2_4:
0x27: {  	[hbm4b:s18+s2] =	stream.linear.scatter [tilespmem:s15], [sflag:$0x2], $0x20, $0x38;
	[tilespmem:$0x8100] =	vst v63  }
0x28: {  	s18 =	smov.u32 s16;
	s15 =	smov.u32 s17;
	p0 =	sne.s32 s16, $0x7F0  }
.Ltmp1:
0x29: {  	s16 =	sadd.s32 $0x10, s16;
	(pc) =	sbr.rel @p0 .LBB2_4-.Ltmp1, $2  }
0x2a: {  	_ =	sdelay $0x2  }
0x2b: {  	s17 =	sadd.s32 $0x80, s17;
	s18 =	sadd.s32 s18, s8  }
0x2c: {  	s14 =	sadd.s32 $0x1, s14  }
0x2d: {  	p0 =	sne.s32 s14, s9  }
.Ltmp2:
0x2e: {  	_ = 	snop;
	(pc) =	sbr.rel @p0 .LBB2_1-.Ltmp2, $4  }
0x2f: {  	[hbm4b:s18+s2] =	stream.linear.scatter [tilespmem:s15], [sflag:$0x2], $0x20, $0x38;
	[tilespmem:$0x8100] =	vst v63  }
0x30: {  	_ =	swait.ge [sflag:s10], $0x1000  }
0x31: {  	[sflag:s10] =	ssyncset.done $0x0  }
0x32: {  	[sflag:s10] =	ssyncadd.s32 $0xFFFFF000  }
0x33: {  	_ =	sfence.sel $0x180000  }
0x34: {  	[bflag:$0x0] =	sbarrier.arrive $0xFFFF  }
0x35: {  	p0 =	sne.s32 s1, $0x0;
	_ =	strace $0x90000047  }
0x36: {  	s0 =	sadd.s32 @!p0 $0x100000, s0;
	[bflag:$0x2] =	sbarrier.arrive $0xFFFF  }
0x37: {  	[sflag:s0] =	ssyncadd.tile.s32 @!p0 $0x1;
	_ =	shalt  }
.Lfunc_end2:
_tile_overlayer_lowered:
.L_overlay_start_2:
0x38: {  	(tag) =	ssettag $0x2  }
0x39: {  	s0 =	rddreg [dreg:$0x0];
	s2 =	stileid.u32  }
0x3a: {  	s1 =	rddreg [dreg:$0x1];
	p0 =	sne.s32 s2, $0x0  }
0x3b: {  	s3 =	rddreg [dreg:$0x2];
	[bflag:$0x3] =	sbarrier.arrive $0xFFFF;
	s2 =	simm.s32 @!p0 $0x1C02  }
0x3c: {  	[timem:s3], [sflag:s2] =	dma.local @!p0 [hbm:s0], s1  }
0x3d: {  	s0 =	simm.s32 @!p0 $0x2  }
0x3e: {  	_ =	swait.ge @!p0 [sflag:s0], s1  }
0x3f: {  	s1 =	ssub.s32 @!p0 $0x0, s1;
	[sflag:s0] =	ssyncset.done @!p0 $0x0  }
0x40: {  	[sflag:s0] =	ssyncadd.s32 @!p0 s1  }
0x41: {  	[bflag:$0x3] =	sbarrier.arrive $0xFFFF  }
0x42: {  	_ =	shalt  }

// kernel: sc_hist_gather.3.cloned.1.call-start
scs
__scs_entry_jumppad:
0x0: {  	(pc) =	sbr.rel $0x88, $3  }
0x1: {  	(tag) =	ssettag $0x0;
	lr =	simm.s32 $0x1  }
0x2: {  	[smem:$0x3F8D] =	sst lr;
	_ =	strace $0xD0000000  }
0x3: {  	_ = 	snop  }
0x4: {  	_ = 	snop  }
0x5: {  	_ = 	snop  }
0x6: {  	_ = 	snop  }
0x7: {  	_ = 	snop  }
__scs_overlays_trampoline_lowered:
0x8: {  	[smem:$0x3F9C] =	sst s0  }
0x9: {  	[smem:$0x3F9D] =	sst s1  }
0xa: {  	[smem:$0x3F9E] =	sst s2  }
0xb: {  	[smem:$0x3F9F] =	sst s3  }
0xc: {  	[smem:$0x3FA0] =	sst s4  }
0xd: {  	[smem:$0x3FA1] =	sst s5  }
0xe: {  	[smem:$0x3FA2] =	sst s6  }
0xf: {  	[smem:$0x3FA3] =	sst s7  }
0x10: {  	[smem:$0x3FA4] =	sst s8  }
0x11: {  	[smem:$0x3FA5] =	sst s9;
	s0 =	simm.s32 @!p0 $0x0  }
0x12: {  	s1 =	sld [smem:$0x3F8B];
	s0 =	simm.s32 @p0 $0x1  }
0x13: {  	[smem:$0x3FA6] =	sst s0;
	s0 =	simm.s32 @!p1 $0x0  }
0x14: {  	s2 =	sld [smem:$0x3F8A];
	s0 =	simm.s32 @p1 $0x1  }
0x15: {  	[smem:$0x3FA7] =	sst s0;
	s0 =	simm.s32 @!p2 $0x0  }
0x16: {  	s3 =	sld [smem:$0x3FDB];
	s0 =	simm.s32 @p2 $0x1  }
0x17: {  	s4 =	simm.s32 $0x1BF5;
	[smem:$0x3FA9] =	sst s0  }
0x18: {  	s0 =	sld [smem:$0x3F8C];
	_ =	swait.ge [sflag:s4], $0x0  }
0x19: {  	s7 =	sld [smem:$0x3F8D]  }
0x1a: {  	s8 =	sadd.s32 $0xFFFFE003, lr  }
0x1b: {  	s9 =	sadd.s32 $0xFFFFFEF7, lr;
	s5 =	simm.s32 $0xFFFFFFFF;
	p2 =	slt.u32 s8, $0xFFFFF086  }
0x1c: {  	p1 =	slt.u32 s9, $0xF7A;
	s5 =	simm.s32 @!p2 $0x0  }
0x1d: {  	s5 =	simm.s32 @p1 $0x1;
	p0 =	seq.s32 s7, s2  }
0x1e: {  	s7 =	smul.u32 @!p0 $0xF7A, s2;
	p2 =	seq.s32 @!p0 s5, $0x0  }
0x1f: {  	s9 =	smul.u32 $0xF7A, s1;
	s8 =	simm.s32 @!p0 $0x1BF5;
	p2 =	por !p2, p0  }
0x20: {  	[sflag:s8] =	ssyncset.s32 @!p0 $0xFFFFF086;
	s6 =	sadd.s32 @!p0 s3, s7;
	s7 =	simm.s32 @!p0 $0x108  }
0x21: {  	s3 =	sadd.s32 s3, s9;
	s6 =	sadd.s32 @!p0 $0x88, s6;
	s7 =	simm.s32 @p2 $0x1082  }
0x22: {  	[simem:s7], [sflag:s8] =	dma.local @!p0 [hbm:s6], $0xF7A  }
0x23: {  	s9 =	sor.u32 $0xD0000000, s2;
	s6 =	simm.s32 $0x108;
	_ =	swait.ge @!p0 [sflag:s8], $0x0  }
0x24: {  	s3 =	sadd.s32 $0x88, s3;
	s6 =	simm.s32 @!p1 $0x1082;
	[sflag:s4] =	ssyncset.s32 $0xFFFFF086  }
0x25: {  	[simem:s6], [sflag:s4] =	dma.local [hbm:s3], $0xF7A  }
0x26: {  	[smem:$0x3F8D] =	sst s1;
	(tag) =	ssettag s2;
	_ =	strace s9  }
0x27: {  	s1 =	sld [smem:$0x3F9D]  }
0x28: {  	s2 =	sld [smem:$0x3F9E]  }
0x29: {  	s4 =	sld [smem:$0x3FA0]  }
0x2a: {  	p0 =	seq.s32 s5, $0x0;
	s5 =	sld [smem:$0x3FA1]  }
0x2b: {  	s6 =	sld [smem:$0x3FA2]  }
0x2c: {  	s7 =	sld [smem:$0x3FA3]  }
0x2d: {  	s3 =	simm.s32 $0x108;
	s8 =	sld [smem:$0x3FA4]  }
0x2e: {  	s3 =	simm.s32 @!p0 $0x1082;
	s9 =	sld [smem:$0x3FA5]  }
0x2f: {  	lr =	sadd.s32 s0, s3;
	s0 =	sld [smem:$0x3F9C]  }
0x30: {  	s3 =	sld [smem:$0x3F9F]  }
0x31: {  	[smem:$0x3FA8] =	sst s10  }
0x32: {  	s10 =	sld [smem:$0x3FA6];
	_ =	sdelay $0x3  }
0x33: {  	p0 =	seq.s32 s10, $0x1;
	s10 =	sld [smem:$0x3FA8];
	_ =	sdelay $0x3  }
0x34: {  	[smem:$0x3FA8] =	sst s10  }
0x35: {  	s10 =	sld [smem:$0x3FA7];
	_ =	sdelay $0x3  }
0x36: {  	p1 =	seq.s32 s10, $0x1;
	s10 =	sld [smem:$0x3FA8];
	_ =	sdelay $0x3  }
0x37: {  	[smem:$0x3FA8] =	sst s10  }
0x38: {  	s10 =	sld [smem:$0x3FA9]  }
0x39: {  	_ = 	snop;
	(pc) =	sbr.ind lr, $3  }
0x3a: {  	_ = 	snop  }
0x3b: {  	_ = 	snop  }
0x3c: {  	p2 =	seq.s32 s10, $0x1;
	s10 =	sld [smem:$0x3FA8]  }
0x3d: {  	_ =	shalt  }
0x3e: {  	_ =	shalt  }
0x3f: {  	_ =	shalt  }
0x40: {  	_ =	shalt  }
0x41: {  	_ =	shalt  }
0x42: {  	_ =	shalt  }
0x43: {  	_ =	shalt  }
0x44: {  	_ =	shalt  }
0x45: {  	_ =	shalt  }
0x46: {  	_ =	shalt  }
0x47: {  	_ =	shalt  }
0x48: {  	_ =	shalt  }
0x49: {  	_ =	shalt  }
0x4a: {  	_ =	shalt  }
0x4b: {  	_ =	shalt  }
0x4c: {  	_ =	shalt  }
0x4d: {  	_ =	shalt  }
0x4e: {  	_ =	shalt  }
0x4f: {  	_ =	shalt  }
0x50: {  	_ =	shalt  }
0x51: {  	_ =	shalt  }
0x52: {  	_ =	shalt  }
0x53: {  	_ =	shalt  }
0x54: {  	_ =	shalt  }
0x55: {  	_ =	shalt  }
0x56: {  	_ =	shalt  }
0x57: {  	_ =	shalt  }
0x58: {  	_ =	shalt  }
0x59: {  	_ =	shalt  }
0x5a: {  	_ =	shalt  }
0x5b: {  	_ =	shalt  }
0x5c: {  	_ =	shalt  }
0x5d: {  	_ =	shalt  }
0x5e: {  	_ =	shalt  }
0x5f: {  	_ =	shalt  }
0x60: {  	_ =	shalt  }
0x61: {  	_ =	shalt  }
0x62: {  	_ =	shalt  }
0x63: {  	_ =	shalt  }
0x64: {  	_ =	shalt  }
0x65: {  	_ =	shalt  }
0x66: {  	_ =	shalt  }
0x67: {  	_ =	shalt  }
0x68: {  	_ =	shalt  }
0x69: {  	_ =	shalt  }
0x6a: {  	_ =	shalt  }
0x6b: {  	_ =	shalt  }
0x6c: {  	_ =	shalt  }
0x6d: {  	_ =	shalt  }
0x6e: {  	_ =	shalt  }
0x6f: {  	_ =	shalt  }
0x70: {  	_ =	shalt  }
0x71: {  	_ =	shalt  }
0x72: {  	_ =	shalt  }
0x73: {  	_ =	shalt  }
0x74: {  	_ =	shalt  }
0x75: {  	_ =	shalt  }
0x76: {  	_ =	shalt  }
0x77: {  	_ =	shalt  }
0x78: {  	_ =	shalt  }
0x79: {  	_ =	shalt  }
0x7a: {  	_ =	shalt  }
0x7b: {  	_ =	shalt  }
0x7c: {  	_ =	shalt  }
0x7d: {  	_ =	shalt  }
0x7e: {  	_ =	shalt  }
0x7f: {  	_ =	shalt  }
0x80: {  	_ =	shalt  }
0x81: {  	_ =	shalt  }
0x82: {  	_ =	shalt  }
0x83: {  	_ =	shalt  }
0x84: {  	_ =	shalt  }
0x85: {  	_ =	shalt  }
0x86: {  	_ =	shalt  }
0x87: {  	_ =	shalt  }
.Lfunc_end0:
.L_simem_size_0:
called_computation.1_lowered:
.L_overlay_start_0:
0x88: {  	s2 =	sld [smem:$0x3FD9]  }
0x89: {  	s3 =	sld [smem:$0x3FFE];
	_ =	sdelay $0x1  }
0x8a: {  	s1 =	srdreg.scid  }
0x8b: {  	s0 =	sand.u32 $0x1, s1  }
0x8c: {  	s17 =	sshll.u32 s0, $0xA;
	s2 =	sadd.s32 s3, s2  }
0x8d: {  	s2 =	sadd.s32 s2, s17  }
0x8e: {  	[smem:$0x3FB4] =	sst s2  }
0x8f: {  	_ = 	snop  }
0x90: {  	s18 =	sld [smem:$0x3FD0];
	(tm) =	ssettm $0x1  }
0x91: {  	s19 =	sld [smem:$0x3FFB];
	_ =	sdelay $0x3  }
0x92: {  	_ =	strace s19  }
0x93: {  	s2 =	sld [smem:$0x3FFC];
	_ =	sdelay $0x3  }
0x94: {  	_ =	strace s2  }
0x95: {  	s2 =	sld [smem:$0x3FFD];
	_ =	sdelay $0x3  }
0x96: {  	_ =	strace s2  }
0x97: {  	_ =	strace $0x8FFFFFFF  }
0x98: {  	s20 =	sld [smem:$0x3FDB];
	_ =	sdelay $0x1  }
0x99: {  	s4 =	simm.s32 $_scs_section_size  }
0x9a: {  	s5 =	simm.s32 $_size__tile_overlayer_lowered;
	s6 =	simm.s32 $_tile_overlayer_lowered  }
0x9b: {  	s7 =	simm.s32 $0x1BFF;
	s21 =	sshll.u32 s6, $0x1;
	s4 =	sadd.s32 s4, s20  }
0x9c: {  	s22 =	simm.s32 $0x0;
	s5 =	sshll.u32 s5, $0x1;
	s6 =	sadd.s32 s21, s4  }
0x9d: {  	[timem:s22], [sflag:s7] =	dma.local [hbm:s6], s5  }
0x9e: {  	_ =	swait.ge [sflag:s7], s5  }
0x9f: {  	s5 =	ssub.s32 $0x0, s5;
	[sflag:s7] =	ssyncset.done $0x0  }
0xa0: {  	[sflag:s7] =	ssyncadd.s32 s5;
	_ =	sdelay $0x1  }
0xa1: {  	s23 =	simm.s32 $0x1B8B  }
0xa2: {  	_ =	swait.ge [sflag:s23], $0x1  }
0xa3: {  	[sflag:s23] =	ssyncset.done $0x0  }
0xa4: {  	[sflag:s23] =	ssyncadd.s32 $0xFFFFFFFF  }
0xa5: {  	s5 =	sld [smem:$0x0]  }
0xa6: {  	s6 =	sand.u32 $0xFFFFFFFE, s1  }
0xa7: {  	p0 =	sne.s32 s1, s6  }
0xa8: {  	s6 =	sshll.u32 @p0 s6, $0xE  }
0xa9: {  	s6 =	sadd.s32 @p0 $0x11B8D, s6;
	s7 =	sshll.u32 @p0 s5, $0x11  }
0xaa: {  	s6 =	sor.u32 @p0 s7, s6  }
0xab: {  	[sflag:s6] =	ssyncadd.remote.s32 @p0 $0x1;
	_ =	sdelay $0x1  }
0xac: {  	s6 =	simm.s32 @p0 $0x1B8D  }
0xad: {  	_ =	swait.eq @p0 [sflag:s6], $0x1  }
0xae: {  	[sflag:s6] =	ssyncadd.s32 @p0 $0xFFFFFFFF  }
0xaf: {  	s7 =	sshll.u32 @!p0 s1, $0xE  }
0xb0: {  	s7 =	sor.u32 @!p0 $0x4000, s7;
	s6 =	simm.s32 @!p0 $0x1B8D  }
0xb1: {  	s5 =	sshll.u32 @!p0 s5, $0x11;
	s7 =	sadd.s32 @!p0 $0x11B8D, s7;
	_ =	swait.eq @!p0 [sflag:s6], $0x1  }
0xb2: {  	s5 =	sor.u32 @!p0 s5, s7;
	[sflag:s6] =	ssyncadd.s32 @!p0 $0xFFFFFFFF  }
0xb3: {  	s25 =	simm.s32 $0x1B8E;
	s24 =	sld [smem:$0x3FFE];
	[sflag:s5] =	ssyncadd.remote.s32 @!p0 $0x1  }
0xb4: {  	s26 =	simm.s32 $execute0_lowered;
	[smem:$0x3FD2] =	sst s25  }
0xb5: {  	s6 =	sshll.u32 s26, $0x1;
	_ =	strace $0x80000049;
	[dreg:$0x1] =	wrdreg $0xFFFFFFFF  }
0xb6: {  	s28 =	simm.s32 $_size_execute0_lowered;
	s4 =	sadd.s32 s4, s6;
	[dreg:$0x0] =	wrdreg $0x0  }
0xb7: {  	s6 =	sshll.u32 s28, $0x1;
	[dreg:$0x2] =	wrdreg s4  }
0xb8: {  	[dreg:$0x3] =	wrdreg s6  }
0xb9: {  	[dreg:$0x4] =	wrdreg $0xC0  }
0xba: {  	_ =	task [dreg:s22], $0x5FFFF  }
0xbb: {  	[dreg:$0x1] =	wrdreg $0xFFFFFFFF  }
0xbc: {  	[dreg:$0x0] =	wrdreg $0x60  }
0xbd: {  	[dreg:$0x2] =	wrdreg s18  }
0xbe: {  	[dreg:$0x3] =	wrdreg s24  }
0xbf: {  	[dreg:$0x4] =	wrdreg $0xA  }
0xc0: {  	_ =	task.clear_ibuf [dreg:s22], $0x5FFFF;
	_ =	strace $0x90000049  }
0xc1: {  	s29 =	simm.s32 $0xA;
	_ =	strace $0x8000004B  }
0xc2: {  	_ =	swait.ge [sflag:s29], $0x1  }
0xc3: {  	[sflag:s29] =	ssyncadd.s32 $0xFFFFFFFF  }
0xc4: {  	_ =	strace $0x9000004B  }
0xc5: {  	_ =	sfence  }
0xc6: {  	s30 =	sld [smem:$0x0];
	_ =	sdelay $0x2  }
0xc7: {  	s31 =	sshll.u32 s1, $0xD;
	s1 =	sshrl.u32 s1, $0x2  }
0xc8: {  	s4 =	sand.u32 $0x4000, s31;
	s1 =	sadd.s32 s1, s30  }
0xc9: {  	s0 =	sor.u32 s4, s0;
	s1 =	sshll.u32 s1, $0x11  }
0xca: {  	s0 =	sor.u32 s1, s0  }
0xcb: {  	s0 =	sadd.s32 $0x8F2B, s0  }
0xcc: {  	[sflag:s0] =	ssyncadd.remote.s32 $0x1  }
0xcd: {  	_ =	sfence.sel $0xFFFF  }
0xce: {  	[dreg:$0x0] =	wrdreg $0xFFFFFFFF;
	(pc) =	sbr.abs _section_cstart, $3  }
0xcf: {  	[dreg:$0x1] =	wrdreg $0xFFFFFFFF  }
0xd0: {  	_ =	task.clear_ibuf [dreg:s22], $0x2FFFF;
	_ =	strace $0x9FFFFFFF  }
0xd1: {  	(tm) =	ssettm $0x7FFFFFFF  }
tec
execute0_lowered:
.L_overlay_start_1:
0x0: {  	(tag) =	ssettag $0x1  }
0x1: {  	s0 =	rddreg [dreg:$0x0]  }
0x2: {  	s2 =	rddreg [dreg:$0x1];
	s1 =	simm.s32 $0x0;
	s3 =	srdreg.scid  }
0x3: {  	s23 =	stileid.u32;
	[smem:$0x7FF] =	sst s1  }
0x4: {  	s4 =	sadd.s32 $0x18A000, s2;
	s3 =	sand.u32 $0x1, s3;
	s5 =	sadd.s32 $0x3400, s2  }
0x5: {  	s6 =	sadd.s32 $0x14000, s2;
	_ =	strace $0x8000004A;
	[dreg:$0x3] =	wrdreg s4  }
0x6: {  	[dreg:$0x4] =	wrdreg s5;
	s4 =	sshll.u32 s23, $0xB;
	s24 =	sshll.u32 s3, $0xA  }
0x7: {  	[dreg:$0x5] =	wrdreg s6;
	s3 =	ssub.s32 $0x2, s3;
	s4 =	sor.u32 s24, s4  }
0x8: {  	s25 =	sshrl.u32 s3, $0x1;
	s5 =	sshll.u32 s4, $0x4;
	s4 =	sshrl.u32 s4, $0x3  }
0x9: {  	s3 =	ssub.s32 s3, s25;
	s2 =	sadd.s32 s5, s2;
	s0 =	sadd.s32 s0, s4  }
0xa: {  	s3 =	smax.u32 s3, $0x1;
	s4 =	sadd.s32 $0x400, s0;
	s26 =	sadd.s32 $0x1400, s0  }
0xb: {  	s0 =	sadd.s32 $0x2400, s0;
	s9 =	sadd.s32 $0x3B200, s2;
	s10 =	sadd.s32 $0x3B208, s2  }
0xc: {  	s11 =	sadd.s32 $0x3B20C, s2;
	s12 =	sadd.s32 $0x3BA00, s2;
	s13 =	sadd.s32 $0x3BA08, s2  }
0xd: {  	s14 =	sadd.s32 $0x3BA0C, s2;
	s15 =	sadd.s32 $0x3C200, s2;
	s16 =	sadd.s32 $0x3C208, s2  }
0xe: {  	s17 =	sadd.s32 $0x3C20C, s2;
	s18 =	sadd.s32 $0x3CA00, s2;
	s19 =	sadd.s32 $0x3CA08, s2  }
0xf: {  	s20 =	sadd.s32 $0x3CA0C, s2;
	s21 =	sadd.s32 $0x3D200, s2;
	s22 =	sadd.s32 $0x3D208, s2  }
0x10: {  	s23 =	sadd.s32 $0x3D20C, s2;
	s24 =	sadd.s32 $0x3DA00, s2;
	[dreg:$0x9] =	wrdreg s3  }
0x11: {  	s25 =	sadd.s32 $0x3DA08, s2;
	s28 =	sadd.s32 $0x3E200, s2;
	[dreg:$0x6] =	wrdreg s4  }
0x12: {  	s29 =	sadd.s32 $0x3E208, s2;
	s30 =	sadd.s32 $0x3E20C, s2;
	[dreg:$0x7] =	wrdreg s26  }
0x13: {  	s31 =	sadd.s32 $0x3EA00, s2;
	[dreg:$0x8] =	wrdreg s0;
	s26 =	sadd.s32 $0x3DA0C, s2  }
0x14: {  	s0 =	sadd.s32 $0x3EA08, s2;
	s2 =	sadd.s32 $0x3EA0C, s2;
	s4 =	simm.s32 $0x0  }
.LBB2_1:
0x15: {  	[dreg:$0xa] =	wrdreg s4  }
0x16: {  	s5 =	rddreg [dreg:$0x6];
	s6 =	simm.s32 $0x5  }
0x17: {  	[tilespmem:s1], [sflag:$0x5] =	stream.linear.gather [hbm4b:s5+s1], $0x400, $0x38;
	[tilespmem:$0x18C00] =	vst v63  }
0x18: {  	_ =	swait.ge [sflag:s6], $0x400  }
0x19: {  	[sflag:s6] =	ssyncset.done $0x0  }
0x1a: {  	s7 =	simm.s32 $0x400;
	s3 =	rddreg [dreg:$0x7];
	[sflag:s6] =	ssyncadd.s32 $0xFFFFFC00  }
0x1b: {  	[tilespmem:s7], [sflag:$0x5] =	stream.linear.gather [hbm4b:s3+s1], $0x400, $0x38;
	[tilespmem:$0x18C00] =	vst v63  }
0x1c: {  	_ =	swait.ge [sflag:s6], $0x400  }
0x1d: {  	[sflag:s6] =	ssyncset.done $0x0  }
0x1e: {  	s8 =	simm.s32 $0x800;
	s4 =	rddreg [dreg:$0x8];
	[sflag:s6] =	ssyncadd.s32 $0xFFFFFC00  }
0x1f: {  	[tilespmem:s8], [sflag:$0x5] =	stream.linear.gather [hbm4b:s4+s1], $0x400, $0x38;
	[tilespmem:$0x18C00] =	vst v63  }
0x20: {  	_ =	swait.ge [sflag:s6], $0x400  }
0x21: {  	s3 =	simm.s32 $0x80;
	[sflag:s6] =	ssyncset.done $0x0  }
0x22: {  	s5 =	rddreg [dreg:$0x3];
	[sflag:s6] =	ssyncadd.s32 $0xFFFFFC00;
	s6 =	simm.s32 $0xC00  }
0x23: {  	[tilespmem:s6], [sflag:$0x1] =	stream.indirect.gather [hbm4b:s5+s3], $0x80, s1, s3, $0xb8;
	[tilespmem:$0x18C00] =	vst v63  }
0x24: {  	s4 =	simm.s32 $0x4C00;
	s6 =	rddreg [dreg:$0x4]  }
0x25: {  	[tilespmem:s4], [sflag:$0x1] =	stream.indirect.gather [hbm4b:s6+s3], $0x80, s7, s3, $0xb8;
	[tilespmem:$0x18C00] =	vst v63  }
0x26: {  	s7 =	rddreg [dreg:$0x5];
	s4 =	simm.s32 $0x8C00  }
0x27: {  	[tilespmem:s4], [sflag:$0x1] =	stream.indirect.gather [hbm4b:s7+s3], $0x80, s8, s3, $0xb8;
	[tilespmem:$0x18C00] =	vst v63  }
0x28: {  	s8 =	simm.s32 $0x1  }
0x29: {  	_ =	swait.ge [sflag:s8], $0x4000  }
0x2a: {  	[sflag:s8] =	ssyncset.done $0x0  }
0x2b: {  	[sflag:s8] =	ssyncadd.s32 $0xFFFFC000  }
0x2c: {  	_ =	swait.ge [sflag:s8], $0x4000  }
0x2d: {  	[sflag:s8] =	ssyncset.done $0x0  }
0x2e: {  	[sflag:s8] =	ssyncadd.s32 $0xFFFFC000  }
0x2f: {  	_ =	swait.ge [sflag:s8], $0x4000  }
0x30: {  	[sflag:s8] =	ssyncset.done $0x0  }
0x31: {  	[sflag:s8] =	ssyncadd.s32 $0xFFFFC000;
	s8 =	simm.s32 $0xCC00  }
0x32: {  	[tilespmem:s8], [sflag:$0x2] =	stream.indirect.gather [hbm4b:s5+s3], $0x80, s3, s3, $0xb8;
	[tilespmem:$0x18C00] =	vst v63  }
0x33: {  	s5 =	simm.s32 $0x480;
	s8 =	simm.s32 $0x10C00  }
0x34: {  	[tilespmem:s8], [sflag:$0x2] =	stream.indirect.gather [hbm4b:s6+s3], $0x80, s5, s3, $0xb8;
	[tilespmem:$0x18C00] =	vst v63  }
0x35: {  	s6 =	simm.s32 $0x880;
	s8 =	simm.s32 $0x14C00;
	s5 =	simm.s32 $0x10  }
0x36: {  	[tilespmem:s8], [sflag:$0x2] =	stream.indirect.gather [hbm4b:s7+s3], $0x80, s6, s3, $0xb8;
	[tilespmem:$0x18C00] =	vst v63  }
0x37: {  	s7 =	sadd.s32 $0x0, s9;
	s8 =	simm.s32 $0xC80;
	s6 =	simm.s32 $0xC00  }
.LBB2_2:
0x38: {  	[hbm4b:s7+s1] =	stream.linear.scatter [tilespmem:s6], [sflag:$0x3], $0x40, $0x38;
	[tilespmem:$0x18C00] =	vst v63  }
0x39: {  	s7 =	smov.u32 s5;
	s6 =	smov.u32 s8;
	p0 =	sne.s32 s5, $0x7F0  }
.Ltmp0:
0x3a: {  	s5 =	sadd.s32 $0x10, s5;
	(pc) =	sbr.rel @p0 .LBB2_2-.Ltmp0, $2  }
0x3b: {  	_ =	sdelay $0x2  }
0x3c: {  	s8 =	sadd.s32 $0x80, s8;
	s7 =	sadd.s32 s7, s9  }
0x3d: {  	[hbm4b:s7+s1] =	stream.linear.scatter [tilespmem:s6], [sflag:$0x3], $0x40, $0x38;
	[tilespmem:$0x18C00] =	vst v63  }
0x3e: {  	s5 =	simm.s32 $0x4C00  }
0x3f: {  	s8 =	simm.s32 $0x10;
	s7 =	sadd.s32 $0x0, s10;
	s6 =	simm.s32 $0x4C80  }
.LBB2_4:
0x40: {  	[hbm4b:s7+s1] =	stream.linear.scatter [tilespmem:s5], [sflag:$0x3], $0x20, $0x38;
	[tilespmem:$0x18C00] =	vst v63  }
0x41: {  	s7 =	smov.u32 s8;
	s5 =	smov.u32 s6;
	p0 =	sne.s32 s8, $0x7F0  }
.Ltmp1:
0x42: {  	s8 =	sadd.s32 $0x10, s8;
	(pc) =	sbr.rel @p0 .LBB2_4-.Ltmp1, $2  }
0x43: {  	_ =	sdelay $0x2  }
0x44: {  	s6 =	sadd.s32 $0x80, s6;
	s7 =	sadd.s32 s7, s10  }
0x45: {  	[hbm4b:s7+s1] =	stream.linear.scatter [tilespmem:s5], [sflag:$0x3], $0x20, $0x38;
	[tilespmem:$0x18C00] =	vst v63  }
0x46: {  	s5 =	simm.s32 $0x8C00  }
0x47: {  	s8 =	simm.s32 $0x10;
	s7 =	sadd.s32 $0x0, s11;
	s6 =	simm.s32 $0x8C80  }
.LBB2_6:
0x48: {  	[hbm4b:s7+s1] =	stream.linear.scatter [tilespmem:s5], [sflag:$0x3], $0x20, $0x38;
	[tilespmem:$0x18C00] =	vst v63  }
0x49: {  	s7 =	smov.u32 s8;
	s5 =	smov.u32 s6;
	p0 =	sne.s32 s8, $0x7F0  }
.Ltmp2:
0x4a: {  	s8 =	sadd.s32 $0x10, s8;
	(pc) =	sbr.rel @p0 .LBB2_6-.Ltmp2, $2  }
0x4b: {  	_ =	sdelay $0x2  }
0x4c: {  	s6 =	sadd.s32 $0x80, s6;
	s7 =	sadd.s32 s7, s11  }
0x4d: {  	[hbm4b:s7+s1] =	stream.linear.scatter [tilespmem:s5], [sflag:$0x3], $0x20, $0x38;
	[tilespmem:$0x18C00] =	vst v63  }
0x4e: {  	s3 =	simm.s32 $0x2  }
0x4f: {  	_ =	swait.ge [sflag:s3], $0x4000  }
0x50: {  	[sflag:s3] =	ssyncset.done $0x0  }
0x51: {  	[sflag:s3] =	ssyncadd.s32 $0xFFFFC000  }
0x52: {  	_ =	swait.ge [sflag:s3], $0x4000  }
0x53: {  	[sflag:s3] =	ssyncset.done $0x0  }
0x54: {  	[sflag:s3] =	ssyncadd.s32 $0xFFFFC000  }
0x55: {  	_ =	swait.ge [sflag:s3], $0x4000  }
0x56: {  	[sflag:s3] =	ssyncset.done $0x0  }
0x57: {  	s7 =	simm.s32 $0x3;
	[sflag:s3] =	ssyncadd.s32 $0xFFFFC000  }
0x58: {  	_ =	swait.ge [sflag:s7], $0x2000  }
0x59: {  	[sflag:s7] =	ssyncset.done $0x0  }
0x5a: {  	[sflag:s7] =	ssyncadd.s32 $0xFFFFE000  }
0x5b: {  	_ =	swait.ge [sflag:s7], $0x1000  }
0x5c: {  	[sflag:s7] =	ssyncset.done $0x0  }
0x5d: {  	[sflag:s7] =	ssyncadd.s32 $0xFFFFF000  }
0x5e: {  	s4 =	simm.s32 $0x100;
	_ =	swait.ge [sflag:s7], $0x1000  }
0x5f: {  	s6 =	simm.s32 $0xC00;
	s5 =	simm.s32 $0xCC00;
	[sflag:s7] =	ssyncset.done $0x0  }
0x60: {  	s3 =	simm.s32 $0x80;
	s8 =	rddreg [dreg:$0x3];
	[sflag:s7] =	ssyncadd.s32 $0xFFFFF000  }
0x61: {  	[tilespmem:s6], [sflag:$0x1] =	stream.indirect.gather [hbm4b:s8+s3], $0x80, s4, s3, $0xb8;
	[tilespmem:$0x18C00] =	vst v63  }
0x62: {  	s7 =	simm.s32 $0x4C00;
	s6 =	rddreg [dreg:$0x4];
	s8 =	simm.s32 $0x500  }
0x63: {  	[tilespmem:s7], [sflag:$0x1] =	stream.indirect.gather [hbm4b:s6+s3], $0x80, s8, s3, $0xb8;
	[tilespmem:$0x18C00] =	vst v63  }
0x64: {  	s6 =	rddreg [dreg:$0x5];
	s7 =	simm.s32 $0x8C00;
	s8 =	simm.s32 $0x900  }
0x65: {  	[tilespmem:s7], [sflag:$0x1] =	stream.indirect.gather [hbm4b:s6+s3], $0x80, s8, s3, $0xb8;
	[tilespmem:$0x18C00] =	vst v63  }
0x66: {  	s8 =	simm.s32 $0x10;
	s7 =	sadd.s32 $0x0, s12;
	s6 =	simm.s32 $0xCC80  }
.LBB2_8:
0x67: {  	[hbm4b:s7+s1] =	stream.linear.scatter [tilespmem:s5], [sflag:$0x4], $0x40, $0x38;
	[tilespmem:$0x18C00] =	vst v63  }
0x68: {  	s7 =	smov.u32 s8;
	s5 =	smov.u32 s6;
	p0 =	sne.s32 s8, $0x7F0  }
.Ltmp3:
0x69: {  	s8 =	sadd.s32 $0x10, s8;
	(pc) =	sbr.rel @p0 .LBB2_8-.Ltmp3, $2  }
0x6a: {  	_ =	sdelay $0x2  }
0x6b: {  	s6 =	sadd.s32 $0x80, s6;
	s7 =	sadd.s32 s7, s12  }
0x6c: {  	[hbm4b:s7+s1] =	stream.linear.scatter [tilespmem:s5], [sflag:$0x4], $0x40, $0x38;
	[tilespmem:$0x18C00] =	vst v63  }
0x6d: {  	s5 =	simm.s32 $0x10C00  }
0x6e: {  	s8 =	simm.s32 $0x10;
	s7 =	sadd.s32 $0x0, s13;
	s6 =	simm.s32 $0x10C80  }
.LBB2_10:
0x6f: {  	[hbm4b:s7+s1] =	stream.linear.scatter [tilespmem:s5], [sflag:$0x4], $0x20, $0x38;
	[tilespmem:$0x18C00] =	vst v63  }
0x70: {  	s7 =	smov.u32 s8;
	s5 =	smov.u32 s6;
	p0 =	sne.s32 s8, $0x7F0  }
.Ltmp4:
0x71: {  	s8 =	sadd.s32 $0x10, s8;
	(pc) =	sbr.rel @p0 .LBB2_10-.Ltmp4, $2  }
0x72: {  	_ =	sdelay $0x2  }
0x73: {  	s6 =	sadd.s32 $0x80, s6;
	s7 =	sadd.s32 s7, s13  }
0x74: {  	[hbm4b:s7+s1] =	stream.linear.scatter [tilespmem:s5], [sflag:$0x4], $0x20, $0x38;
	[tilespmem:$0x18C00] =	vst v63  }
0x75: {  	s5 =	simm.s32 $0x14C00  }
0x76: {  	s8 =	simm.s32 $0x10;
	s7 =	sadd.s32 $0x0, s14;
	s6 =	simm.s32 $0x14C80  }
.LBB2_12:
0x77: {  	[hbm4b:s7+s1] =	stream.linear.scatter [tilespmem:s5], [sflag:$0x4], $0x20, $0x38;
	[tilespmem:$0x18C00] =	vst v63  }
0x78: {  	s7 =	smov.u32 s8;
	s5 =	smov.u32 s6;
	p0 =	sne.s32 s8, $0x7F0  }
.Ltmp5:
0x79: {  	s8 =	sadd.s32 $0x10, s8;
	(pc) =	sbr.rel @p0 .LBB2_12-.Ltmp5, $2  }
0x7a: {  	_ =	sdelay $0x2  }
0x7b: {  	s6 =	sadd.s32 $0x80, s6;
	s7 =	sadd.s32 s7, s14  }
0x7c: {  	[hbm4b:s7+s1] =	stream.linear.scatter [tilespmem:s5], [sflag:$0x4], $0x20, $0x38;
	[tilespmem:$0x18C00] =	vst v63  }
0x7d: {  	s3 =	simm.s32 $0x1  }
0x7e: {  	_ =	swait.ge [sflag:s3], $0x4000  }
0x7f: {  	[sflag:s3] =	ssyncset.done $0x0  }
0x80: {  	[sflag:s3] =	ssyncadd.s32 $0xFFFFC000  }
0x81: {  	_ =	swait.ge [sflag:s3], $0x4000  }
0x82: {  	[sflag:s3] =	ssyncset.done $0x0  }
0x83: {  	[sflag:s3] =	ssyncadd.s32 $0xFFFFC000  }
0x84: {  	_ =	swait.ge [sflag:s3], $0x4000  }
0x85: {  	[sflag:s3] =	ssyncset.done $0x0  }
0x86: {  	s7 =	simm.s32 $0x4;
	[sflag:s3] =	ssyncadd.s32 $0xFFFFC000  }
0x87: {  	_ =	swait.ge [sflag:s7], $0x2000  }
0x88: {  	[sflag:s7] =	ssyncset.done $0x0  }
0x89: {  	[sflag:s7] =	ssyncadd.s32 $0xFFFFE000  }
0x8a: {  	_ =	swait.ge [sflag:s7], $0x1000  }
0x8b: {  	[sflag:s7] =	ssyncset.done $0x0  }
0x8c: {  	[sflag:s7] =	ssyncadd.s32 $0xFFFFF000  }
0x8d: {  	s4 =	simm.s32 $0xCC00;
	_ =	swait.ge [sflag:s7], $0x1000  }
0x8e: {  	s6 =	simm.s32 $0x180;
	s5 =	simm.s32 $0xC00;
	[sflag:s7] =	ssyncset.done $0x0  }
0x8f: {  	s3 =	simm.s32 $0x80;
	s8 =	rddreg [dreg:$0x3];
	[sflag:s7] =	ssyncadd.s32 $0xFFFFF000  }
0x90: {  	[tilespmem:s4], [sflag:$0x2] =	stream.indirect.gather [hbm4b:s8+s3], $0x80, s6, s3, $0xb8;
	[tilespmem:$0x18C00] =	vst v63  }
0x91: {  	s7 =	simm.s32 $0x10C00;
	s6 =	rddreg [dreg:$0x4];
	s8 =	simm.s32 $0x580  }
0x92: {  	[tilespmem:s7], [sflag:$0x2] =	stream.indirect.gather [hbm4b:s6+s3], $0x80, s8, s3, $0xb8;
	[tilespmem:$0x18C00] =	vst v63  }
0x93: {  	s6 =	rddreg [dreg:$0x5];
	s7 =	simm.s32 $0x14C00;
	s8 =	simm.s32 $0x980  }
0x94: {  	[tilespmem:s7], [sflag:$0x2] =	stream.indirect.gather [hbm4b:s6+s3], $0x80, s8, s3, $0xb8;
	[tilespmem:$0x18C00] =	vst v63  }
0x95: {  	s8 =	simm.s32 $0x10;
	s7 =	sadd.s32 $0x0, s15;
	s6 =	simm.s32 $0xC80  }
.LBB2_14:
0x96: {  	[hbm4b:s7+s1] =	stream.linear.scatter [tilespmem:s5], [sflag:$0x3], $0x40, $0x38;
	[tilespmem:$0x18C00] =	vst v63  }
0x97: {  	s7 =	smov.u32 s8;
	s5 =	smov.u32 s6;
	p0 =	sne.s32 s8, $0x7F0  }
.Ltmp6:
0x98: {  	s8 =	sadd.s32 $0x10, s8;
	(pc) =	sbr.rel @p0 .LBB2_14-.Ltmp6, $2  }
0x99: {  	_ =	sdelay $0x2  }
0x9a: {  	s6 =	sadd.s32 $0x80, s6;
	s7 =	sadd.s32 s7, s15  }
0x9b: {  	[hbm4b:s7+s1] =	stream.linear.scatter [tilespmem:s5], [sflag:$0x3], $0x40, $0x38;
	[tilespmem:$0x18C00] =	vst v63  }
0x9c: {  	s5 =	simm.s32 $0x4C00  }
0x9d: {  	s8 =	simm.s32 $0x10;
	s7 =	sadd.s32 $0x0, s16;
	s6 =	simm.s32 $0x4C80  }
.LBB2_16:
0x9e: {  	[hbm4b:s7+s1] =	stream.linear.scatter [tilespmem:s5], [sflag:$0x3], $0x20, $0x38;
	[tilespmem:$0x18C00] =	vst v63  }
0x9f: {  	s7 =	smov.u32 s8;
	s5 =	smov.u32 s6;
	p0 =	sne.s32 s8, $0x7F0  }
.Ltmp7:
0xa0: {  	s8 =	sadd.s32 $0x10, s8;
	(pc) =	sbr.rel @p0 .LBB2_16-.Ltmp7, $2  }
0xa1: {  	_ =	sdelay $0x2  }
0xa2: {  	s6 =	sadd.s32 $0x80, s6;
	s7 =	sadd.s32 s7, s16  }
0xa3: {  	[hbm4b:s7+s1] =	stream.linear.scatter [tilespmem:s5], [sflag:$0x3], $0x20, $0x38;
	[tilespmem:$0x18C00] =	vst v63  }
0xa4: {  	s5 =	simm.s32 $0x8C00  }
0xa5: {  	s8 =	simm.s32 $0x10;
	s7 =	sadd.s32 $0x0, s17;
	s6 =	simm.s32 $0x8C80  }
.LBB2_18:
0xa6: {  	[hbm4b:s7+s1] =	stream.linear.scatter [tilespmem:s5], [sflag:$0x3], $0x20, $0x38;
	[tilespmem:$0x18C00] =	vst v63  }
0xa7: {  	s7 =	smov.u32 s8;
	s5 =	smov.u32 s6;
	p0 =	sne.s32 s8, $0x7F0  }
.Ltmp8:
0xa8: {  	s8 =	sadd.s32 $0x10, s8;
	(pc) =	sbr.rel @p0 .LBB2_18-.Ltmp8, $2  }
0xa9: {  	_ =	sdelay $0x2  }
0xaa: {  	s6 =	sadd.s32 $0x80, s6;
	s7 =	sadd.s32 s7, s17  }
0xab: {  	[hbm4b:s7+s1] =	stream.linear.scatter [tilespmem:s5], [sflag:$0x3], $0x20, $0x38;
	[tilespmem:$0x18C00] =	vst v63  }
0xac: {  	s3 =	simm.s32 $0x2  }
0xad: {  	_ =	swait.ge [sflag:s3], $0x4000  }
0xae: {  	[sflag:s3] =	ssyncset.done $0x0  }
0xaf: {  	[sflag:s3] =	ssyncadd.s32 $0xFFFFC000  }
0xb0: {  	_ =	swait.ge [sflag:s3], $0x4000  }
0xb1: {  	[sflag:s3] =	ssyncset.done $0x0  }
0xb2: {  	[sflag:s3] =	ssyncadd.s32 $0xFFFFC000  }
0xb3: {  	_ =	swait.ge [sflag:s3], $0x4000  }
0xb4: {  	[sflag:s3] =	ssyncset.done $0x0  }
0xb5: {  	s7 =	simm.s32 $0x3;
	[sflag:s3] =	ssyncadd.s32 $0xFFFFC000  }
0xb6: {  	_ =	swait.ge [sflag:s7], $0x2000  }
0xb7: {  	[sflag:s7] =	ssyncset.done $0x0  }
0xb8: {  	[sflag:s7] =	ssyncadd.s32 $0xFFFFE000  }
0xb9: {  	_ =	swait.ge [sflag:s7], $0x1000  }
0xba: {  	[sflag:s7] =	ssyncset.done $0x0  }
0xbb: {  	[sflag:s7] =	ssyncadd.s32 $0xFFFFF000  }
0xbc: {  	s4 =	simm.s32 $0xC00;
	_ =	swait.ge [sflag:s7], $0x1000  }
0xbd: {  	s6 =	simm.s32 $0x200;
	s5 =	simm.s32 $0xCC00;
	[sflag:s7] =	ssyncset.done $0x0  }
0xbe: {  	s3 =	simm.s32 $0x80;
	s8 =	rddreg [dreg:$0x3];
	[sflag:s7] =	ssyncadd.s32 $0xFFFFF000  }
0xbf: {  	[tilespmem:s4], [sflag:$0x1] =	stream.indirect.gather [hbm4b:s8+s3], $0x80, s6, s3, $0xb8;
	[tilespmem:$0x18C00] =	vst v63  }
0xc0: {  	s7 =	simm.s32 $0x4C00;
	s6 =	rddreg [dreg:$0x4];
	s8 =	simm.s32 $0x600  }
0xc1: {  	[tilespmem:s7], [sflag:$0x1] =	stream.indirect.gather [hbm4b:s6+s3], $0x80, s8, s3, $0xb8;
	[tilespmem:$0x18C00] =	vst v63  }
0xc2: {  	s6 =	rddreg [dreg:$0x5];
	s7 =	simm.s32 $0x8C00;
	s8 =	simm.s32 $0xA00  }
0xc3: {  	[tilespmem:s7], [sflag:$0x1] =	stream.indirect.gather [hbm4b:s6+s3], $0x80, s8, s3, $0xb8;
	[tilespmem:$0x18C00] =	vst v63  }
0xc4: {  	s8 =	simm.s32 $0x10;
	s7 =	sadd.s32 $0x0, s18;
	s6 =	simm.s32 $0xCC80  }
.LBB2_20:
0xc5: {  	[hbm4b:s7+s1] =	stream.linear.scatter [tilespmem:s5], [sflag:$0x4], $0x40, $0x38;
	[tilespmem:$0x18C00] =	vst v63  }
0xc6: {  	s7 =	smov.u32 s8;
	s5 =	smov.u32 s6;
	p0 =	sne.s32 s8, $0x7F0  }
.Ltmp9:
0xc7: {  	s8 =	sadd.s32 $0x10, s8;
	(pc) =	sbr.rel @p0 .LBB2_20-.Ltmp9, $2  }
0xc8: {  	_ =	sdelay $0x2  }
0xc9: {  	s6 =	sadd.s32 $0x80, s6;
	s7 =	sadd.s32 s7, s18  }
0xca: {  	[hbm4b:s7+s1] =	stream.linear.scatter [tilespmem:s5], [sflag:$0x4], $0x40, $0x38;
	[tilespmem:$0x18C00] =	vst v63  }
0xcb: {  	s5 =	simm.s32 $0x10C00  }
0xcc: {  	s8 =	simm.s32 $0x10;
	s7 =	sadd.s32 $0x0, s19;
	s6 =	simm.s32 $0x10C80  }
.LBB2_22:
0xcd: {  	[hbm4b:s7+s1] =	stream.linear.scatter [tilespmem:s5], [sflag:$0x4], $0x20, $0x38;
	[tilespmem:$0x18C00] =	vst v63  }
0xce: {  	s7 =	smov.u32 s8;
	s5 =	smov.u32 s6;
	p0 =	sne.s32 s8, $0x7F0  }
.Ltmp10:
0xcf: {  	s8 =	sadd.s32 $0x10, s8;
	(pc) =	sbr.rel @p0 .LBB2_22-.Ltmp10, $2  }
0xd0: {  	_ =	sdelay $0x2  }
0xd1: {  	s6 =	sadd.s32 $0x80, s6;
	s7 =	sadd.s32 s7, s19  }
0xd2: {  	[hbm4b:s7+s1] =	stream.linear.scatter [tilespmem:s5], [sflag:$0x4], $0x20, $0x38;
	[tilespmem:$0x18C00] =	vst v63  }
0xd3: {  	s5 =	simm.s32 $0x14C00  }
0xd4: {  	s8 =	simm.s32 $0x10;
	s7 =	sadd.s32 $0x0, s20;
	s6 =	simm.s32 $0x14C80  }
.LBB2_24:
0xd5: {  	[hbm4b:s7+s1] =	stream.linear.scatter [tilespmem:s5], [sflag:$0x4], $0x20, $0x38;
	[tilespmem:$0x18C00] =	vst v63  }
0xd6: {  	s7 =	smov.u32 s8;
	s5 =	smov.u32 s6;
	p0 =	sne.s32 s8, $0x7F0  }
.Ltmp11:
0xd7: {  	s8 =	sadd.s32 $0x10, s8;
	(pc) =	sbr.rel @p0 .LBB2_24-.Ltmp11, $2  }
0xd8: {  	_ =	sdelay $0x2  }
0xd9: {  	s6 =	sadd.s32 $0x80, s6;
	s7 =	sadd.s32 s7, s20  }
0xda: {  	[hbm4b:s7+s1] =	stream.linear.scatter [tilespmem:s5], [sflag:$0x4], $0x20, $0x38;
	[tilespmem:$0x18C00] =	vst v63  }
0xdb: {  	s3 =	simm.s32 $0x1  }
0xdc: {  	_ =	swait.ge [sflag:s3], $0x4000  }
0xdd: {  	[sflag:s3] =	ssyncset.done $0x0  }
0xde: {  	[sflag:s3] =	ssyncadd.s32 $0xFFFFC000  }
0xdf: {  	_ =	swait.ge [sflag:s3], $0x4000  }
0xe0: {  	[sflag:s3] =	ssyncset.done $0x0  }
0xe1: {  	[sflag:s3] =	ssyncadd.s32 $0xFFFFC000  }
0xe2: {  	_ =	swait.ge [sflag:s3], $0x4000  }
0xe3: {  	[sflag:s3] =	ssyncset.done $0x0  }
0xe4: {  	s7 =	simm.s32 $0x4;
	[sflag:s3] =	ssyncadd.s32 $0xFFFFC000  }
0xe5: {  	_ =	swait.ge [sflag:s7], $0x2000  }
0xe6: {  	[sflag:s7] =	ssyncset.done $0x0  }
0xe7: {  	[sflag:s7] =	ssyncadd.s32 $0xFFFFE000  }
0xe8: {  	_ =	swait.ge [sflag:s7], $0x1000  }
0xe9: {  	[sflag:s7] =	ssyncset.done $0x0  }
0xea: {  	[sflag:s7] =	ssyncadd.s32 $0xFFFFF000  }
0xeb: {  	s4 =	simm.s32 $0xCC00;
	_ =	swait.ge [sflag:s7], $0x1000  }
0xec: {  	s6 =	simm.s32 $0x280;
	s5 =	simm.s32 $0xC00;
	[sflag:s7] =	ssyncset.done $0x0  }
0xed: {  	s3 =	simm.s32 $0x80;
	s8 =	rddreg [dreg:$0x3];
	[sflag:s7] =	ssyncadd.s32 $0xFFFFF000  }
0xee: {  	[tilespmem:s4], [sflag:$0x2] =	stream.indirect.gather [hbm4b:s8+s3], $0x80, s6, s3, $0xb8;
	[tilespmem:$0x18C00] =	vst v63  }
0xef: {  	s7 =	simm.s32 $0x10C00;
	s6 =	rddreg [dreg:$0x4];
	s8 =	simm.s32 $0x680  }
0xf0: {  	[tilespmem:s7], [sflag:$0x2] =	stream.indirect.gather [hbm4b:s6+s3], $0x80, s8, s3, $0xb8;
	[tilespmem:$0x18C00] =	vst v63  }
0xf1: {  	s6 =	rddreg [dreg:$0x5];
	s7 =	simm.s32 $0x14C00;
	s8 =	simm.s32 $0xA80  }
0xf2: {  	[tilespmem:s7], [sflag:$0x2] =	stream.indirect.gather [hbm4b:s6+s3], $0x80, s8, s3, $0xb8;
	[tilespmem:$0x18C00] =	vst v63  }
0xf3: {  	s8 =	simm.s32 $0x10;
	s7 =	sadd.s32 $0x0, s21;
	s6 =	simm.s32 $0xC80  }
.LBB2_26:
0xf4: {  	[hbm4b:s7+s1] =	stream.linear.scatter [tilespmem:s5], [sflag:$0x3], $0x40, $0x38;
	[tilespmem:$0x18C00] =	vst v63  }
0xf5: {  	s7 =	smov.u32 s8;
	s5 =	smov.u32 s6;
	p0 =	sne.s32 s8, $0x7F0  }
.Ltmp12:
0xf6: {  	s8 =	sadd.s32 $0x10, s8;
	(pc) =	sbr.rel @p0 .LBB2_26-.Ltmp12, $2  }
0xf7: {  	_ =	sdelay $0x2  }
0xf8: {  	s6 =	sadd.s32 $0x80, s6;
	s7 =	sadd.s32 s7, s21  }
0xf9: {  	[hbm4b:s7+s1] =	stream.linear.scatter [tilespmem:s5], [sflag:$0x3], $0x40, $0x38;
	[tilespmem:$0x18C00] =	vst v63  }
0xfa: {  	s5 =	simm.s32 $0x4C00  }
0xfb: {  	s8 =	simm.s32 $0x10;
	s7 =	sadd.s32 $0x0, s22;
	s6 =	simm.s32 $0x4C80  }
.LBB2_28:
0xfc: {  	[hbm4b:s7+s1] =	stream.linear.scatter [tilespmem:s5], [sflag:$0x3], $0x20, $0x38;
	[tilespmem:$0x18C00] =	vst v63  }
0xfd: {  	s7 =	smov.u32 s8;
	s5 =	smov.u32 s6;
	p0 =	sne.s32 s8, $0x7F0  }
.Ltmp13:
0xfe: {  	s8 =	sadd.s32 $0x10, s8;
	(pc) =	sbr.rel @p0 .LBB2_28-.Ltmp13, $2  }
0xff: {  	_ =	sdelay $0x2  }
0x100: {  	s6 =	sadd.s32 $0x80, s6;
	s7 =	sadd.s32 s7, s22  }
0x101: {  	[hbm4b:s7+s1] =	stream.linear.scatter [tilespmem:s5], [sflag:$0x3], $0x20, $0x38;
	[tilespmem:$0x18C00] =	vst v63  }
0x102: {  	s5 =	simm.s32 $0x8C00  }
0x103: {  	s8 =	simm.s32 $0x10;
	s7 =	sadd.s32 $0x0, s23;
	s6 =	simm.s32 $0x8C80  }
.LBB2_30:
0x104: {  	[hbm4b:s7+s1] =	stream.linear.scatter [tilespmem:s5], [sflag:$0x3], $0x20, $0x38;
	[tilespmem:$0x18C00] =	vst v63  }
0x105: {  	s7 =	smov.u32 s8;
	s5 =	smov.u32 s6;
	p0 =	sne.s32 s8, $0x7F0  }
.Ltmp14:
0x106: {  	s8 =	sadd.s32 $0x10, s8;
	(pc) =	sbr.rel @p0 .LBB2_30-.Ltmp14, $2  }
0x107: {  	_ =	sdelay $0x2  }
0x108: {  	s6 =	sadd.s32 $0x80, s6;
	s7 =	sadd.s32 s7, s23  }
0x109: {  	[hbm4b:s7+s1] =	stream.linear.scatter [tilespmem:s5], [sflag:$0x3], $0x20, $0x38;
	[tilespmem:$0x18C00] =	vst v63  }
0x10a: {  	s3 =	simm.s32 $0x2  }
0x10b: {  	_ =	swait.ge [sflag:s3], $0x4000  }
0x10c: {  	[sflag:s3] =	ssyncset.done $0x0  }
0x10d: {  	[sflag:s3] =	ssyncadd.s32 $0xFFFFC000  }
0x10e: {  	_ =	swait.ge [sflag:s3], $0x4000  }
0x10f: {  	[sflag:s3] =	ssyncset.done $0x0  }
0x110: {  	[sflag:s3] =	ssyncadd.s32 $0xFFFFC000  }
0x111: {  	_ =	swait.ge [sflag:s3], $0x4000  }
0x112: {  	[sflag:s3] =	ssyncset.done $0x0  }
0x113: {  	s7 =	simm.s32 $0x3;
	[sflag:s3] =	ssyncadd.s32 $0xFFFFC000  }
0x114: {  	_ =	swait.ge [sflag:s7], $0x2000  }
0x115: {  	[sflag:s7] =	ssyncset.done $0x0  }
0x116: {  	[sflag:s7] =	ssyncadd.s32 $0xFFFFE000  }
0x117: {  	_ =	swait.ge [sflag:s7], $0x1000  }
0x118: {  	[sflag:s7] =	ssyncset.done $0x0  }
0x119: {  	[sflag:s7] =	ssyncadd.s32 $0xFFFFF000  }
0x11a: {  	s4 =	simm.s32 $0xC00;
	_ =	swait.ge [sflag:s7], $0x1000  }
0x11b: {  	s6 =	simm.s32 $0x300;
	s5 =	simm.s32 $0xCC00;
	[sflag:s7] =	ssyncset.done $0x0  }
0x11c: {  	s3 =	simm.s32 $0x80;
	s8 =	rddreg [dreg:$0x3];
	[sflag:s7] =	ssyncadd.s32 $0xFFFFF000  }
0x11d: {  	[tilespmem:s4], [sflag:$0x1] =	stream.indirect.gather [hbm4b:s8+s3], $0x80, s6, s3, $0xb8;
	[tilespmem:$0x18C00] =	vst v63  }
0x11e: {  	s7 =	simm.s32 $0x4C00;
	s6 =	rddreg [dreg:$0x4];
	s8 =	simm.s32 $0x700  }
0x11f: {  	[tilespmem:s7], [sflag:$0x1] =	stream.indirect.gather [hbm4b:s6+s3], $0x80, s8, s3, $0xb8;
	[tilespmem:$0x18C00] =	vst v63  }
0x120: {  	s6 =	rddreg [dreg:$0x5];
	s7 =	simm.s32 $0x8C00;
	s8 =	simm.s32 $0xB00  }
0x121: {  	[tilespmem:s7], [sflag:$0x1] =	stream.indirect.gather [hbm4b:s6+s3], $0x80, s8, s3, $0xb8;
	[tilespmem:$0x18C00] =	vst v63  }
0x122: {  	s8 =	simm.s32 $0x10;
	s7 =	sadd.s32 $0x0, s24;
	s6 =	simm.s32 $0xCC80  }
.LBB2_32:
0x123: {  	[hbm4b:s7+s1] =	stream.linear.scatter [tilespmem:s5], [sflag:$0x4], $0x40, $0x38;
	[tilespmem:$0x18C00] =	vst v63  }
0x124: {  	s7 =	smov.u32 s8;
	s5 =	smov.u32 s6;
	p0 =	sne.s32 s8, $0x7F0  }
.Ltmp15:
0x125: {  	s8 =	sadd.s32 $0x10, s8;
	(pc) =	sbr.rel @p0 .LBB2_32-.Ltmp15, $2  }
0x126: {  	_ =	sdelay $0x2  }
0x127: {  	s6 =	sadd.s32 $0x80, s6;
	s7 =	sadd.s32 s7, s24  }
0x128: {  	[hbm4b:s7+s1] =	stream.linear.scatter [tilespmem:s5], [sflag:$0x4], $0x40, $0x38;
	[tilespmem:$0x18C00] =	vst v63  }
0x129: {  	s5 =	simm.s32 $0x10C00  }
0x12a: {  	s8 =	simm.s32 $0x10;
	s7 =	sadd.s32 $0x0, s25;
	s6 =	simm.s32 $0x10C80  }
.LBB2_34:
0x12b: {  	[hbm4b:s7+s1] =	stream.linear.scatter [tilespmem:s5], [sflag:$0x4], $0x20, $0x38;
	[tilespmem:$0x18C00] =	vst v63  }
0x12c: {  	s7 =	smov.u32 s8;
	s5 =	smov.u32 s6;
	p0 =	sne.s32 s8, $0x7F0  }
.Ltmp16:
0x12d: {  	s8 =	sadd.s32 $0x10, s8;
	(pc) =	sbr.rel @p0 .LBB2_34-.Ltmp16, $2  }
0x12e: {  	_ =	sdelay $0x2  }
0x12f: {  	s6 =	sadd.s32 $0x80, s6;
	s7 =	sadd.s32 s7, s25  }
0x130: {  	[hbm4b:s7+s1] =	stream.linear.scatter [tilespmem:s5], [sflag:$0x4], $0x20, $0x38;
	[tilespmem:$0x18C00] =	vst v63  }
0x131: {  	s5 =	simm.s32 $0x14C00  }
0x132: {  	s8 =	simm.s32 $0x10;
	s7 =	sadd.s32 $0x0, s26;
	s6 =	simm.s32 $0x14C80  }
.LBB2_36:
0x133: {  	[hbm4b:s7+s1] =	stream.linear.scatter [tilespmem:s5], [sflag:$0x4], $0x20, $0x38;
	[tilespmem:$0x18C00] =	vst v63  }
0x134: {  	s7 =	smov.u32 s8;
	s5 =	smov.u32 s6;
	p0 =	sne.s32 s8, $0x7F0  }
.Ltmp17:
0x135: {  	s8 =	sadd.s32 $0x10, s8;
	(pc) =	sbr.rel @p0 .LBB2_36-.Ltmp17, $2  }
0x136: {  	_ =	sdelay $0x2  }
0x137: {  	s6 =	sadd.s32 $0x80, s6;
	s7 =	sadd.s32 s7, s26  }
0x138: {  	[hbm4b:s7+s1] =	stream.linear.scatter [tilespmem:s5], [sflag:$0x4], $0x20, $0x38;
	[tilespmem:$0x18C00] =	vst v63  }
0x139: {  	s3 =	simm.s32 $0x1  }
0x13a: {  	_ =	swait.ge [sflag:s3], $0x4000  }
0x13b: {  	[sflag:s3] =	ssyncset.done $0x0  }
0x13c: {  	[sflag:s3] =	ssyncadd.s32 $0xFFFFC000  }
0x13d: {  	_ =	swait.ge [sflag:s3], $0x4000  }
0x13e: {  	[sflag:s3] =	ssyncset.done $0x0  }
0x13f: {  	[sflag:s3] =	ssyncadd.s32 $0xFFFFC000  }
0x140: {  	_ =	swait.ge [sflag:s3], $0x4000  }
0x141: {  	[sflag:s3] =	ssyncset.done $0x0  }
0x142: {  	s7 =	simm.s32 $0x4;
	[sflag:s3] =	ssyncadd.s32 $0xFFFFC000  }
0x143: {  	_ =	swait.ge [sflag:s7], $0x2000  }
0x144: {  	[sflag:s7] =	ssyncset.done $0x0  }
0x145: {  	[sflag:s7] =	ssyncadd.s32 $0xFFFFE000  }
0x146: {  	_ =	swait.ge [sflag:s7], $0x1000  }
0x147: {  	[sflag:s7] =	ssyncset.done $0x0  }
0x148: {  	[sflag:s7] =	ssyncadd.s32 $0xFFFFF000  }
0x149: {  	s4 =	simm.s32 $0xCC00;
	_ =	swait.ge [sflag:s7], $0x1000  }
0x14a: {  	s6 =	simm.s32 $0x380;
	s5 =	simm.s32 $0xC00;
	[sflag:s7] =	ssyncset.done $0x0  }
0x14b: {  	s3 =	simm.s32 $0x80;
	s8 =	rddreg [dreg:$0x3];
	[sflag:s7] =	ssyncadd.s32 $0xFFFFF000  }
0x14c: {  	[tilespmem:s4], [sflag:$0x2] =	stream.indirect.gather [hbm4b:s8+s3], $0x80, s6, s3, $0xb8;
	[tilespmem:$0x18C00] =	vst v63  }
0x14d: {  	s7 =	simm.s32 $0x10C00;
	s6 =	rddreg [dreg:$0x4];
	s8 =	simm.s32 $0x780  }
0x14e: {  	[tilespmem:s7], [sflag:$0x2] =	stream.indirect.gather [hbm4b:s6+s3], $0x80, s8, s3, $0xb8;
	[tilespmem:$0x18C00] =	vst v63  }
0x14f: {  	s6 =	rddreg [dreg:$0x5];
	s7 =	simm.s32 $0x14C00;
	s8 =	simm.s32 $0xB80  }
0x150: {  	[tilespmem:s7], [sflag:$0x2] =	stream.indirect.gather [hbm4b:s6+s3], $0x80, s8, s3, $0xb8;
	[tilespmem:$0x18C00] =	vst v63  }
0x151: {  	s8 =	simm.s32 $0x10;
	s7 =	sadd.s32 $0x0, s28;
	s6 =	simm.s32 $0xC80  }
.LBB2_38:
0x152: {  	[hbm4b:s7+s1] =	stream.linear.scatter [tilespmem:s5], [sflag:$0x3], $0x40, $0x38;
	[tilespmem:$0x18C00] =	vst v63  }
0x153: {  	s7 =	smov.u32 s8;
	s5 =	smov.u32 s6;
	p0 =	sne.s32 s8, $0x7F0  }
.Ltmp18:
0x154: {  	s8 =	sadd.s32 $0x10, s8;
	(pc) =	sbr.rel @p0 .LBB2_38-.Ltmp18, $2  }
0x155: {  	_ =	sdelay $0x2  }
0x156: {  	s6 =	sadd.s32 $0x80, s6;
	s7 =	sadd.s32 s7, s28  }
0x157: {  	[hbm4b:s7+s1] =	stream.linear.scatter [tilespmem:s5], [sflag:$0x3], $0x40, $0x38;
	[tilespmem:$0x18C00] =	vst v63  }
0x158: {  	s5 =	simm.s32 $0x4C00;
	s8 =	simm.s32 $0x10  }
0x159: {  	s7 =	sadd.s32 $0x0, s29;
	s6 =	simm.s32 $0x4C80;
	s4 =	rddreg [dreg:$0xa]  }
.LBB2_40:
0x15a: {  	[hbm4b:s7+s1] =	stream.linear.scatter [tilespmem:s5], [sflag:$0x3], $0x20, $0x38;
	[tilespmem:$0x18C00] =	vst v63  }
0x15b: {  	s7 =	smov.u32 s8;
	s5 =	smov.u32 s6;
	p0 =	sne.s32 s8, $0x7F0  }
.Ltmp19:
0x15c: {  	s8 =	sadd.s32 $0x10, s8;
	(pc) =	sbr.rel @p0 .LBB2_40-.Ltmp19, $2  }
0x15d: {  	_ =	sdelay $0x2  }
0x15e: {  	s6 =	sadd.s32 $0x80, s6;
	s7 =	sadd.s32 s7, s29  }
0x15f: {  	[hbm4b:s7+s1] =	stream.linear.scatter [tilespmem:s5], [sflag:$0x3], $0x20, $0x38;
	[tilespmem:$0x18C00] =	vst v63  }
0x160: {  	s5 =	simm.s32 $0x8C00  }
0x161: {  	s8 =	simm.s32 $0x10;
	s7 =	sadd.s32 $0x0, s30;
	s6 =	simm.s32 $0x8C80  }
.LBB2_42:
0x162: {  	[hbm4b:s7+s1] =	stream.linear.scatter [tilespmem:s5], [sflag:$0x3], $0x20, $0x38;
	[tilespmem:$0x18C00] =	vst v63  }
0x163: {  	s7 =	smov.u32 s8;
	s5 =	smov.u32 s6;
	p0 =	sne.s32 s8, $0x7F0  }
.Ltmp20:
0x164: {  	s8 =	sadd.s32 $0x10, s8;
	(pc) =	sbr.rel @p0 .LBB2_42-.Ltmp20, $2  }
0x165: {  	_ =	sdelay $0x2  }
0x166: {  	s6 =	sadd.s32 $0x80, s6;
	s7 =	sadd.s32 s7, s30  }
0x167: {  	[hbm4b:s7+s1] =	stream.linear.scatter [tilespmem:s5], [sflag:$0x3], $0x20, $0x38;
	[tilespmem:$0x18C00] =	vst v63  }
0x168: {  	s3 =	simm.s32 $0x2  }
0x169: {  	_ =	swait.ge [sflag:s3], $0x4000  }
0x16a: {  	[sflag:s3] =	ssyncset.done $0x0  }
0x16b: {  	[sflag:s3] =	ssyncadd.s32 $0xFFFFC000  }
0x16c: {  	_ =	swait.ge [sflag:s3], $0x4000  }
0x16d: {  	[sflag:s3] =	ssyncset.done $0x0  }
0x16e: {  	[sflag:s3] =	ssyncadd.s32 $0xFFFFC000  }
0x16f: {  	_ =	swait.ge [sflag:s3], $0x4000  }
0x170: {  	s5 =	simm.s32 $0xCC00;
	s8 =	simm.s32 $0x10;
	[sflag:s3] =	ssyncset.done $0x0  }
0x171: {  	s7 =	sadd.s32 $0x0, s31;
	s6 =	simm.s32 $0xCC80;
	[sflag:s3] =	ssyncadd.s32 $0xFFFFC000  }
.LBB2_44:
0x172: {  	[hbm4b:s7+s1] =	stream.linear.scatter [tilespmem:s5], [sflag:$0x4], $0x40, $0x38;
	[tilespmem:$0x18C00] =	vst v63  }
0x173: {  	s7 =	smov.u32 s8;
	s5 =	smov.u32 s6;
	p0 =	sne.s32 s8, $0x7F0  }
.Ltmp21:
0x174: {  	s8 =	sadd.s32 $0x10, s8;
	(pc) =	sbr.rel @p0 .LBB2_44-.Ltmp21, $2  }
0x175: {  	_ =	sdelay $0x2  }
0x176: {  	s6 =	sadd.s32 $0x80, s6;
	s7 =	sadd.s32 s7, s31  }
0x177: {  	[hbm4b:s7+s1] =	stream.linear.scatter [tilespmem:s5], [sflag:$0x4], $0x40, $0x38;
	[tilespmem:$0x18C00] =	vst v63  }
0x178: {  	s5 =	simm.s32 $0x10C00  }
0x179: {  	s8 =	simm.s32 $0x10;
	s7 =	sadd.s32 $0x0, s0;
	s6 =	simm.s32 $0x10C80  }
.LBB2_46:
0x17a: {  	[hbm4b:s7+s1] =	stream.linear.scatter [tilespmem:s5], [sflag:$0x4], $0x20, $0x38;
	[tilespmem:$0x18C00] =	vst v63  }
0x17b: {  	s7 =	smov.u32 s8;
	s5 =	smov.u32 s6;
	p0 =	sne.s32 s8, $0x7F0  }
.Ltmp22:
0x17c: {  	s8 =	sadd.s32 $0x10, s8;
	(pc) =	sbr.rel @p0 .LBB2_46-.Ltmp22, $2  }
0x17d: {  	_ =	sdelay $0x2  }
0x17e: {  	s6 =	sadd.s32 $0x80, s6;
	s7 =	sadd.s32 s7, s0  }
0x17f: {  	[hbm4b:s7+s1] =	stream.linear.scatter [tilespmem:s5], [sflag:$0x4], $0x20, $0x38;
	[tilespmem:$0x18C00] =	vst v63  }
0x180: {  	s5 =	simm.s32 $0x14C00  }
0x181: {  	s8 =	simm.s32 $0x10;
	s7 =	sadd.s32 $0x0, s2;
	s6 =	simm.s32 $0x14C80  }
.LBB2_48:
0x182: {  	[hbm4b:s7+s1] =	stream.linear.scatter [tilespmem:s5], [sflag:$0x4], $0x20, $0x38;
	[tilespmem:$0x18C00] =	vst v63  }
0x183: {  	s7 =	smov.u32 s8;
	s5 =	smov.u32 s6;
	p0 =	sne.s32 s8, $0x7F0  }
.Ltmp23:
0x184: {  	s8 =	sadd.s32 $0x10, s8;
	(pc) =	sbr.rel @p0 .LBB2_48-.Ltmp23, $2  }
0x185: {  	_ =	sdelay $0x2  }
0x186: {  	s6 =	sadd.s32 $0x80, s6;
	s7 =	sadd.s32 s7, s2  }
0x187: {  	[hbm4b:s7+s1] =	stream.linear.scatter [tilespmem:s5], [sflag:$0x4], $0x20, $0x38;
	[tilespmem:$0x18C00] =	vst v63  }
0x188: {  	s3 =	simm.s32 $0x3  }
0x189: {  	_ =	swait.ge [sflag:s3], $0x2000  }
0x18a: {  	[sflag:s3] =	ssyncset.done $0x0  }
0x18b: {  	[sflag:s3] =	ssyncadd.s32 $0xFFFFE000  }
0x18c: {  	_ =	swait.ge [sflag:s3], $0x1000  }
0x18d: {  	[sflag:s3] =	ssyncset.done $0x0  }
0x18e: {  	[sflag:s3] =	ssyncadd.s32 $0xFFFFF000  }
0x18f: {  	_ =	swait.ge [sflag:s3], $0x1000  }
0x190: {  	[sflag:s3] =	ssyncset.done $0x0  }
0x191: {  	s7 =	simm.s32 $0x4;
	[sflag:s3] =	ssyncadd.s32 $0xFFFFF000  }
0x192: {  	_ =	swait.ge [sflag:s7], $0x2000  }
0x193: {  	[sflag:s7] =	ssyncset.done $0x0  }
0x194: {  	[sflag:s7] =	ssyncadd.s32 $0xFFFFE000  }
0x195: {  	_ =	swait.ge [sflag:s7], $0x1000  }
0x196: {  	[sflag:s7] =	ssyncset.done $0x0  }
0x197: {  	[sflag:s7] =	ssyncadd.s32 $0xFFFFF000  }
0x198: {  	_ =	swait.ge [sflag:s7], $0x1000  }
0x199: {  	s4 =	sadd.s32 $0x1, s4;
	s8 =	rddreg [dreg:$0x9]  }
0x19a: {  	p0 =	sne.s32 s4, s8  }
.Ltmp24:
0x19b: {  	_ = 	snop;
	(pc) =	sbr.rel @p0 .LBB2_1-.Ltmp24, $3  }
0x19c: {  	_ =	sdelay $0x1  }
0x19d: {  	[sflag:s7] =	ssyncset.done $0x0  }
0x19e: {  	[sflag:s7] =	ssyncadd.s32 $0xFFFFF000  }
0x19f: {  	_ =	sfence.sel $0x180000  }
0x1a0: {  	[bflag:$0x0] =	sbarrier.arrive $0xFFFF  }
0x1a1: {  	_ =	strace $0x9000004A  }
0x1a2: {  	s0 =	stileid.u32;
	[bflag:$0x2] =	sbarrier.arrive $0xFFFF  }
0x1a3: {  	p0 =	sne.s32 s0, $0x0;
	s0 =	rddreg [dreg:$0x2]  }
0x1a4: {  	s0 =	sadd.s32 @!p0 $0x100000, s0  }
0x1a5: {  	[sflag:s0] =	ssyncadd.tile.s32 @!p0 $0x1;
	_ =	shalt  }
.Lfunc_end2:
_tile_overlayer_lowered:
.L_overlay_start_2:
0x1a6: {  	(tag) =	ssettag $0x2  }
0x1a7: {  	s0 =	rddreg [dreg:$0x0];
	s2 =	stileid.u32  }
0x1a8: {  	s1 =	rddreg [dreg:$0x1];
	p0 =	sne.s32 s2, $0x0  }
0x1a9: {  	s3 =	rddreg [dreg:$0x2];
	[bflag:$0x3] =	sbarrier.arrive $0xFFFF;
	s2 =	simm.s32 @!p0 $0x1C05  }
0x1aa: {  	[timem:s3], [sflag:s2] =	dma.local @!p0 [hbm:s0], s1  }
0x1ab: {  	s0 =	simm.s32 @!p0 $0x5  }
0x1ac: {  	_ =	swait.ge @!p0 [sflag:s0], s1  }
0x1ad: {  	s1 =	ssub.s32 @!p0 $0x0, s1;
	[sflag:s0] =	ssyncset.done @!p0 $0x0  }
0x1ae: {  	[sflag:s0] =	ssyncadd.s32 @!p0 s1  }
0x1af: {  	[bflag:$0x3] =	sbarrier.arrive $0xFFFF  }
0x1b0: {  	_ =	shalt  }

</sc_bundles>
